<compile_context>
chip_gen: v7x
topology: tpu7x:2x2x1
jax: 0.10.2.dev20260603
libtpu: 0.0.44.dev20260713+nightly
codegen_flags: <defaults>
</compile_context>

<pallas_src>
import functools

import jax
import jax.numpy as jnp
import numpy as np
from jax import lax
from jax.experimental import pallas as pl
from jax.experimental.pallas import tpu as pltpu
from jax.experimental.pallas import tpu_sc as plsc

N = 10000
NP = 10240
E = 320000
F_IN = 128
NH = 64
LW = 16
NC = 2
NS = 16
EPC = E // NC
EPT = EPC // NS
CH = 125
NCHUNK = EPT // CH
RPT = NP // NS
ZROWS = 128

_f32 = jnp.float32



def _tc_pre1(x, w1p, asrc_p, adst_p):
    blk = 1000

    def body(x_ref, w_ref, as_ref, ad_ref, h_ref, s_ref, d_ref, c_ref, mx_ref):
        i = pl.program_id(0)
        h = jnp.dot(x_ref[...], w_ref[...], preferred_element_type=_f32)
        h_ref[...] = h
        s = jnp.dot(h, as_ref[...], preferred_element_type=_f32)
        d = jnp.dot(h, ad_ref[...], preferred_element_type=_f32)
        s_ref[...] = s
        d_ref[...] = d
        m = jnp.concatenate([jnp.max(s, axis=0, keepdims=True),
                             jnp.max(d, axis=0, keepdims=True)], axis=0)

        @pl.when(i == 0)
        def _():
            mx_ref[...] = m

        @pl.when(i > 0)
        def _():
            mx_ref[...] = jnp.maximum(mx_ref[...], m)

        c_ref[...] = mx_ref[0:1] + mx_ref[1:2]

    return pl.pallas_call(
        body,
        grid=(N // blk,),
        in_specs=[
            pl.BlockSpec((blk, F_IN), lambda i: (i, 0)),
            pl.BlockSpec((F_IN, NH), lambda i: (0, 0)),
            pl.BlockSpec((NH, LW), lambda i: (0, 0)),
            pl.BlockSpec((NH, LW), lambda i: (0, 0)),
        ],
        out_specs=[
            pl.BlockSpec((blk, NH), lambda i: (i, 0)),
            pl.BlockSpec((blk, LW), lambda i: (i, 0)),
            pl.BlockSpec((blk, LW), lambda i: (i, 0)),
            pl.BlockSpec((1, LW), lambda i: (0, 0)),
        ],
        out_shape=[
            jax.ShapeDtypeStruct((N, NH), _f32),
            jax.ShapeDtypeStruct((N, LW), _f32),
            jax.ShapeDtypeStruct((N, LW), _f32),
            jax.ShapeDtypeStruct((1, LW), _f32),
        ],
        scratch_shapes=[pltpu.VMEM((2, LW), _f32)],
    )(x, w1p, asrc_p, adst_p)


def _tc_mid(out1p, den1p, b1p, g1p, be1p, w2p, as2p, ad2p):
    blk = 1024
    ibn = 1.0 / np.sqrt(1.0 + 1e-5)

    def body(o_ref, dp_ref, b_ref, g_ref, be_ref, w_ref, as_ref, ad_ref,
             h_ref, s_ref, d_ref, c_ref, mx_ref):
        i = pl.program_id(0)
        rec = 1.0 / (dp_ref[0] + dp_ref[1] + 1e-16)
        rec_rep = jnp.concatenate([rec[:, 0:8]] * 8, axis=1)
        z = (o_ref[0] + o_ref[1]) * rec_rep + b_ref[...]
        z = jax.nn.relu(z * ibn * g_ref[...] + be_ref[...])
        h = jnp.dot(z, w_ref[...], preferred_element_type=_f32)
        h_ref[...] = h
        s = jnp.dot(h, as_ref[...], preferred_element_type=_f32)
        d = jnp.dot(h, ad_ref[...], preferred_element_type=_f32)
        s_ref[...] = s
        d_ref[...] = d
        m = jnp.concatenate([jnp.max(s, axis=0, keepdims=True),
                             jnp.max(d, axis=0, keepdims=True)], axis=0)

        @pl.when(i == 0)
        def _():
            mx_ref[...] = m

        @pl.when(i > 0)
        def _():
            mx_ref[...] = jnp.maximum(mx_ref[...], m)

        c_ref[...] = mx_ref[0:1] + mx_ref[1:2]

    return pl.pallas_call(
        body,
        grid=(NP // blk,),
        in_specs=[
            pl.BlockSpec((NC, blk, NH), lambda i: (0, i, 0)),
            pl.BlockSpec((NC, blk, LW), lambda i: (0, i, 0)),
            pl.BlockSpec((1, NH), lambda i: (0, 0)),
            pl.BlockSpec((1, NH), lambda i: (0, 0)),
            pl.BlockSpec((1, NH), lambda i: (0, 0)),
            pl.BlockSpec((NH, NH), lambda i: (0, 0)),
            pl.BlockSpec((NH, LW), lambda i: (0, 0)),
            pl.BlockSpec((NH, LW), lambda i: (0, 0)),
        ],
        out_specs=[
            pl.BlockSpec((blk, NH), lambda i: (i, 0)),
            pl.BlockSpec((blk, LW), lambda i: (i, 0)),
            pl.BlockSpec((blk, LW), lambda i: (i, 0)),
            pl.BlockSpec((1, LW), lambda i: (0, 0)),
        ],
        out_shape=[
            jax.ShapeDtypeStruct((NP, NH), _f32),
            jax.ShapeDtypeStruct((NP, LW), _f32),
            jax.ShapeDtypeStruct((NP, LW), _f32),
            jax.ShapeDtypeStruct((1, LW), _f32),
        ],
        scratch_shapes=[pltpu.VMEM((2, LW), _f32)],
    )(out1p, den1p, b1p, g1p, be1p, w2p, as2p, ad2p)


def _tc_head(out2p, den2p, b2, cg, cb, wl1, bl1, g1, be1, wl2, bl2, g2, be2,
             wf, bf):
    blk = 1024
    ibn = 1.0 / np.sqrt(1.0 + 1e-5)

    def body(o_ref, dp_ref, b2_ref, cg_ref, cb_ref, w1_ref, b1_ref, g1_ref,
             be1_ref, w2_ref, b2b_ref, g2_ref, be2_ref, wf_ref, bf_ref, y_ref):
        rec = 1.0 / (dp_ref[0, :, 0:1] + dp_ref[1, :, 0:1] + 1e-16)
        g = (o_ref[0] + o_ref[1]) * rec + b2_ref[...]
        g = g * ibn * cg_ref[...] + cb_ref[...]
        t = jnp.dot(g, w1_ref[...], preferred_element_type=_f32) + b1_ref[...]
        t = jax.nn.relu(t * ibn * g1_ref[...] + be1_ref[...])
        t = jnp.dot(t, w2_ref[...], preferred_element_type=_f32) + b2b_ref[...]
        t = jax.nn.relu(t * ibn * g2_ref[...] + be2_ref[...])
        y = jnp.dot(t, wf_ref[...], preferred_element_type=_f32) + bf_ref[...]
        y_ref[...] = jax.nn.sigmoid(y)

    vec = lambda: pl.BlockSpec((1, NH), lambda i: (0, 0))
    return pl.pallas_call(
        body,
        grid=(NP // blk,),
        in_specs=[
            pl.BlockSpec((NC, blk, NH), lambda i: (0, i, 0)),
            pl.BlockSpec((NC, blk, LW), lambda i: (0, i, 0)),
            vec(), vec(), vec(),
            pl.BlockSpec((NH, NH), lambda i: (0, 0)),
            vec(), vec(), vec(),
            pl.BlockSpec((NH, NH), lambda i: (0, 0)),
            vec(), vec(), vec(),
            pl.BlockSpec((NH, 1), lambda i: (0, 0)),
            pl.BlockSpec((1, 1), lambda i: (0, 0)),
        ],
        out_specs=pl.BlockSpec((blk, 1), lambda i: (i, 0)),
        out_shape=jax.ShapeDtypeStruct((NP, 1), _f32),
    )(out2p, den2p, b2, cg, cb, wl1, bl1, g1, be1, wl2, bl2, g2, be2, wf, bf)



def _sc_layer(src2d, dst2d, s_tab, d_tab, cvec_hbm, h_tab, heads8):

    @functools.partial(
        pl.kernel,
        mesh=plsc.VectorSubcoreMesh(core_axis_name="c", subcore_axis_name="s"),
        compiler_params=pltpu.CompilerParams(use_tc_tiling_on_sc=False),
        out_type=[
            jax.ShapeDtypeStruct((NC, NP, LW), _f32),
            jax.ShapeDtypeStruct((NC, NP, NH), _f32),
        ],
        scratch_types=[
            pltpu.VMEM((NCHUNK, CH), jnp.int32),
            pltpu.VMEM((NCHUNK, CH), jnp.int32),
            pltpu.VMEM((CH, LW), _f32),
            pltpu.VMEM((CH, LW), _f32),
            pltpu.VMEM((CH, LW), _f32),
            pltpu.VMEM((CH, LW), _f32),
            pltpu.VMEM((CH, NH), _f32),
            pltpu.VMEM((CH, NH), _f32),
            pltpu.VMEM((CH, LW), _f32),
            pltpu.VMEM((CH, LW), _f32),
            pltpu.VMEM((CH, NH), _f32),
            pltpu.VMEM((CH, NH), _f32),
            pltpu.VMEM((LW,), _f32),
            pltpu.VMEM((ZROWS, LW), _f32),
            pltpu.VMEM((ZROWS, NH), _f32),
            pltpu.VMEM_SHARED((NP, LW), _f32),
            pltpu.VMEM_SHARED((NP, NH), _f32),
            pltpu.SemaphoreType.DMA,
            pltpu.SemaphoreType.DMA,
            pltpu.SemaphoreType.DMA,
            pltpu.SemaphoreType.DMA,
        ],
    )
    def k(src_hbm, dst_hbm, s_hbm, d_hbm, c_hbm, h_hbm, den_hbm, out_hbm,
          sidx, didx, srow0, srow1, drow0, drow1, hrow0, hrow1,
          exb0, exb1, msg0, msg1, cvec, zb16, zb64, den_sh, out_sh,
          semg0, semg1, semw0, semw1):
        cid = lax.axis_index("c")
        sid = lax.axis_index("s")
        srow = (srow0, srow1)
        drow = (drow0, drow1)
        hrow = (hrow0, hrow1)
        exb = (exb0, exb1)
        msg = (msg0, msg1)
        semg = (semg0, semg1)
        semw = (semw0, semw1)

        @pl.loop(0, ZROWS)
        def _(r):
            zb16[r, :] = jnp.zeros((LW,), _f32)
            for j in range(NH // LW):
                zb64[r, pl.ds(j * LW, LW)] = jnp.zeros((LW,), _f32)

        @pl.loop(0, RPT // ZROWS)
        def _(j):
            pltpu.sync_copy(zb16, den_sh.at[pl.ds(sid * RPT + j * ZROWS, ZROWS)])
            pltpu.sync_copy(zb64, out_sh.at[pl.ds(sid * RPT + j * ZROWS, ZROWS)])

        w0 = (cid * NS + sid) * NCHUNK
        pltpu.sync_copy(src_hbm.at[pl.ds(w0, NCHUNK)], sidx)
        pltpu.sync_copy(dst_hbm.at[pl.ds(w0, NCHUNK)], didx)
        pltpu.sync_copy(c_hbm, cvec)
        plsc.subcore_barrier()
        cv = cvec[...]
        iot = lax.iota(jnp.int32, LW)
        repidx = (iot % 8 if heads8 else iot * 0).reshape(LW, 1)
        dnums = lax.GatherDimensionNumbers(
            offset_dims=(), collapsed_slice_dims=(0,), start_index_map=(0,))

        def start_gathers(i, b):
            pltpu.async_copy(s_hbm.at[sidx.at[i]], srow[b], semg[b])
            pltpu.async_copy(d_hbm.at[didx.at[i]], drow[b], semg[b])
            pltpu.async_copy(h_hbm.at[sidx.at[i]], hrow[b], semg[b])

        def wait_gathers(i, b):
            pltpu.make_async_copy(s_hbm.at[sidx.at[i]], srow[b], semg[b]).wait()
            pltpu.make_async_copy(d_hbm.at[didx.at[i]], drow[b], semg[b]).wait()
            pltpu.make_async_copy(h_hbm.at[sidx.at[i]], hrow[b], semg[b]).wait()

        def start_writes(i, b):
            pltpu.async_copy(exb[b], den_sh.at[didx.at[i]], semw[b], add=True)
            pltpu.async_copy(msg[b], out_sh.at[didx.at[i]], semw[b], add=True)

        def wait_writes(i, b):
            pltpu.make_async_copy(exb[b], den_sh.at[didx.at[i]], semw[b]).wait()
            pltpu.make_async_copy(msg[b], out_sh.at[didx.at[i]], semw[b]).wait()

        start_gathers(0, 0)
        start_gathers(1, 1)

        @pl.loop(0, NCHUNK // 2)
        def _(t):
            for b in range(2):
                i = t * 2 + b
                wait_gathers(i, b)

                @pl.when(i >= 2)
                def _():
                    wait_writes(i - 2, b)

                @pl.loop(0, CH)
                def _(r):
                    v = srow[b][r, :] + drow[b][r, :]
                    a = jnp.where(v >= 0.0, v, 0.2 * v)
                    e = jnp.exp(a - cv)
                    exb[b][r, :] = e
                    rep = lax.gather(e, repidx, dnums, (1,),
                                     mode=lax.GatherScatterMode.PROMISE_IN_BOUNDS)
                    for j in range(NH // LW):
                        msg[b][r, pl.ds(j * LW, LW)] = (
                            hrow[b][r, pl.ds(j * LW, LW)] * rep)

                start_writes(i, b)

                @pl.when(i + 2 < NCHUNK)
                def _():
                    start_gathers(i + 2, b)

        wait_writes(NCHUNK - 2, 0)
        wait_writes(NCHUNK - 1, 1)
        plsc.subcore_barrier()
        r0 = sid * RPT
        pltpu.sync_copy(den_sh.at[pl.ds(r0, RPT)],
                        den_hbm.at[cid].at[pl.ds(r0, RPT)])
        pltpu.sync_copy(out_sh.at[pl.ds(r0, RPT)],
                        out_hbm.at[cid].at[pl.ds(r0, RPT)])

    return k(src2d, dst2d, s_tab, d_tab, cvec_hbm, h_tab)



def kernel(x, edge_index, W1, a_src1, a_dst1, b1, W2, a_src2, a_dst2, b2,
           bn_c1_g, bn_c1_b, bn_c2_g, bn_c2_b, Wl1, bl1, bn1_g, bn1_b,
           Wl2, bl2, bn2_g, bn2_b, Wf, bf):
    src2d = edge_index[0].reshape(E // CH, CH)
    dst2d = edge_index[1].reshape(E // CH, CH)

    perm = np.array([(j % 8) * 8 + j // 8 for j in range(NH)])
    w1p = W1[:, perm]
    eye8 = jnp.eye(8, dtype=_f32)
    asrc_p = jnp.concatenate(
        [(a_src1.T[:, :, None] * eye8[None]).reshape(NH, 8),
         jnp.zeros((NH, 8), _f32)], axis=1)
    adst_p = jnp.concatenate(
        [(a_dst1.T[:, :, None] * eye8[None]).reshape(NH, 8),
         jnp.zeros((NH, 8), _f32)], axis=1)

    h1p, s1, d1, c1 = _tc_pre1(x, w1p, asrc_p, adst_p)
    den1p, out1p = _sc_layer(src2d, dst2d, s1, d1, c1.reshape(LW), h1p,
                             heads8=True)

    w2p = W2[perm, :]
    as2p = jnp.concatenate([a_src2.T, jnp.zeros((NH, LW - 1), _f32)], axis=1)
    ad2p = jnp.concatenate([a_dst2.T, jnp.zeros((NH, LW - 1), _f32)], axis=1)
    h2, s2, d2, c2 = _tc_mid(
        out1p, den1p, b1[perm].reshape(1, NH), bn_c1_g[perm].reshape(1, NH),
        bn_c1_b[perm].reshape(1, NH), w2p, as2p, ad2p)
    den2p, out2p = _sc_layer(src2d, dst2d, s2, d2, c2.reshape(LW), h2,
                             heads8=False)

    y = _tc_head(
        out2p, den2p, b2.reshape(1, NH), bn_c2_g.reshape(1, NH),
        bn_c2_b.reshape(1, NH), Wl1, bl1.reshape(1, NH),
        bn1_g.reshape(1, NH), bn1_b.reshape(1, NH), Wl2,
        bl2.reshape(1, NH), bn2_g.reshape(1, NH), bn2_b.reshape(1, NH),
        Wf, bf.reshape(1, 1))
    return y[:N]

# --- scband reference (transcript-rebuilt; emitter-appended) ---
"""Pipeline reference for scband-gat-91079076479681 (READ-ONLY COPY).

The authoritative reference and input builder live on the scoring server;
editing this copy changes nothing except your own understanding.
"""

import jax, jax.numpy as jnp
import numpy as np

N_NODES = 10000
N_EDGES = 320000
F_IN = 128
HID = 8
HEADS1 = 8
OUT_DIM = 64


def _gat_conv(x, edge_index, W, a_src, a_dst, bias, heads, out_ch, concat):
    n = x.shape[0]
    src = edge_index[0]
    dst = edge_index[1]
    h = (x @ W).reshape(n, heads, out_ch)
    alpha_src = jnp.sum(h * a_src[None, :, :], axis=-1)
    alpha_dst = jnp.sum(h * a_dst[None, :, :], axis=-1)
    alpha = alpha_src[src] + alpha_dst[dst]
    alpha = jax.nn.leaky_relu(alpha, negative_slope=0.2)
    amax = jax.ops.segment_max(alpha, dst, num_segments=n)
    amax = jnp.where(jnp.isfinite(amax), amax, 0.0)
    amax = jax.lax.stop_gradient(amax)
    ex = jnp.exp(alpha - amax[dst])
    denom = jax.ops.segment_sum(ex, dst, num_segments=n)
    attn = ex / (denom[dst] + 1e-16)
    msg = h[src] * attn[:, :, None]
    out = jax.ops.segment_sum(msg, dst, num_segments=n)
    if concat:
        out = out.reshape(n, heads * out_ch)
    else:
        out = out.mean(axis=1)
    return out + bias


def _bn_eval(x, gamma, beta, eps=1e-5):
    # eval-mode BatchNorm1d with running_mean=0, running_var=1
    return x / jnp.sqrt(1.0 + eps) * gamma + beta


def setup_inputs(seed: int = 0):
    key = jax.random.key(seed)
    ks = jax.random.split(key, 16)
    inp = {}
    inp["x"] = jax.random.normal(ks[0], (N_NODES, F_IN), dtype=jnp.float32)
    inp["edge_index"] = jax.random.randint(ks[1], (2, N_EDGES), 0, N_NODES, dtype=jnp.int32)
    inp["W1"] = jax.random.normal(ks[2], (F_IN, HEADS1 * HID), dtype=jnp.float32) * 0.1
    inp["a_src1"] = jax.random.normal(ks[3], (HEADS1, HID), dtype=jnp.float32) * 0.1
    inp["a_dst1"] = jax.random.normal(ks[4], (HEADS1, HID), dtype=jnp.float32) * 0.1
    inp["b1"] = jnp.zeros((HEADS1 * HID,), dtype=jnp.float32)
    inp["W2"] = jax.random.normal(ks[5], (HEADS1 * HID, OUT_DIM), dtype=jnp.float32) * 0.1
    inp["a_src2"] = jax.random.normal(ks[6], (1, OUT_DIM), dtype=jnp.float32) * 0.1
    inp["a_dst2"] = jax.random.normal(ks[7], (1, OUT_DIM), dtype=jnp.float32) * 0.1
    inp["b2"] = jnp.zeros((OUT_DIM,), dtype=jnp.float32)
    inp["bn_c1_g"] = jnp.ones((HEADS1 * HID,), dtype=jnp.float32)
    inp["bn_c1_b"] = jnp.zeros((HEADS1 * HID,), dtype=jnp.float32)
    inp["bn_c2_g"] = jnp.ones((OUT_DIM,), dtype=jnp.float32)
    inp["bn_c2_b"] = jnp.zeros((OUT_DIM,), dtype=jnp.float32)
    inp["Wl1"] = jax.random.normal(ks[8], (OUT_DIM, OUT_DIM), dtype=jnp.float32) * 0.1
    inp["bl1"] = jnp.zeros((OUT_DIM,), dtype=jnp.float32)
    inp["bn1_g"] = jnp.ones((OUT_DIM,), dtype=jnp.float32)
    inp["bn1_b"] = jnp.zeros((OUT_DIM,), dtype=jnp.float32)
    inp["Wl2"] = jax.random.normal(ks[9], (OUT_DIM, OUT_DIM), dtype=jnp.float32) * 0.1
    inp["bl2"] = jnp.zeros((OUT_DIM,), dtype=jnp.float32)
    inp["bn2_g"] = jnp.ones((OUT_DIM,), dtype=jnp.float32)
    inp["bn2_b"] = jnp.zeros((OUT_DIM,), dtype=jnp.float32)
    inp["Wf"] = jax.random.normal(ks[10], (OUT_DIM, 1), dtype=jnp.float32) * 0.1
    inp["bf"] = jnp.zeros((1,), dtype=jnp.float32)
    return inp


def reference(x, edge_index, W1, a_src1, a_dst1, b1, W2, a_src2, a_dst2, b2, bn_c1_g, bn_c1_b, bn_c2_g, bn_c2_b, Wl1, bl1, bn1_g, bn1_b, Wl2, bl2, bn2_g, bn2_b, Wf, bf):
    h = _gat_conv(x, edge_index, W1, a_src1, a_dst1, b1, HEADS1, HID, True)
    h = jax.nn.relu(_bn_eval(h, bn_c1_g, bn_c1_b))
    # dropout inactive in eval mode
    h = _gat_conv(h, edge_index, W2, a_src2, a_dst2, b2, 1, OUT_DIM, False)
    h = _bn_eval(h, bn_c2_g, bn_c2_b)
    h = jax.nn.relu(_bn_eval(h @ Wl1 + bl1, bn1_g, bn1_b))
    h = jax.nn.relu(_bn_eval(h @ Wl2 + bl2, bn2_g, bn2_b))
    return jax.nn.sigmoid(h @ Wf + bf)

if __name__ == "__main__":
    import jax
    _d = setup_inputs()
    print(jax.jit(kernel)(*tuple(_d.values())))

</pallas_src>

<mosaic_0001>
#map = affine_map<(d0, d1) -> (0, 0)>
#map1 = affine_map<(d0, d1) -> (0)>
#map2 = affine_map<(d0, d1) -> (0, 0, 0)>
module attributes {stable_mosaic.version = 14 : i64} {
  func.func @k(%arg0: i32, %arg1: i32, %arg2: memref<2560x125xi32, #tpu.memory_space<hbm>>, %arg3: memref<2560x125xi32, #tpu.memory_space<hbm>>, %arg4: memref<10240x16xf32, #tpu.memory_space<hbm>>, %arg5: memref<10240x16xf32, #tpu.memory_space<hbm>>, %arg6: memref<16xf32, #tpu.memory_space<hbm>>, %arg7: memref<10240x64xf32, #tpu.memory_space<hbm>>, %arg8: memref<2x10240x16xf32, #tpu.memory_space<hbm>>, %arg9: memref<2x10240x64xf32, #tpu.memory_space<hbm>>, %arg10: memref<80x125xi32, #tpu.memory_space<vmem>>, %arg11: memref<80x125xi32, #tpu.memory_space<vmem>>, %arg12: memref<125x16xf32, #tpu.memory_space<vmem>>, %arg13: memref<125x16xf32, #tpu.memory_space<vmem>>, %arg14: memref<125x16xf32, #tpu.memory_space<vmem>>, %arg15: memref<125x16xf32, #tpu.memory_space<vmem>>, %arg16: memref<125x64xf32, #tpu.memory_space<vmem>>, %arg17: memref<125x64xf32, #tpu.memory_space<vmem>>, %arg18: memref<125x16xf32, #tpu.memory_space<vmem>>, %arg19: memref<125x16xf32, #tpu.memory_space<vmem>>, %arg20: memref<125x64xf32, #tpu.memory_space<vmem>>, %arg21: memref<125x64xf32, #tpu.memory_space<vmem>>, %arg22: memref<16xf32, #tpu.memory_space<vmem>>, %arg23: memref<128x16xf32, #tpu.memory_space<vmem>>, %arg24: memref<128x64xf32, #tpu.memory_space<vmem>>, %arg25: memref<10240x16xf32, #tpu.memory_space<vmem_shared>>, %arg26: memref<10240x64xf32, #tpu.memory_space<vmem_shared>>, %arg27: memref<!tpu.dma_semaphore, #tpu.memory_space<semaphore_mem>>, %arg28: memref<!tpu.dma_semaphore, #tpu.memory_space<semaphore_mem>>, %arg29: memref<!tpu.dma_semaphore, #tpu.memory_space<semaphore_mem>>, %arg30: memref<!tpu.dma_semaphore, #tpu.memory_space<semaphore_mem>>) attributes {dimension_semantics = [#tpu.dimension_semantics<core_parallel>, #tpu.dimension_semantics<subcore_parallel>], iteration_bounds = array<i64: 2, 16>, scalar_prefetch = 0 : i64, scratch_operands = 21 : i64, tpu.core_type = #tpu.core_type<sc_vector_subcore>, window_params = [{transform_indices = #map}, {transform_indices = #map}, {transform_indices = #map}, {transform_indices = #map}, {transform_indices = #map1}, {transform_indices = #map}, {transform_indices = #map2}, {transform_indices = #map2}]} {
    %scan3A = arith.constant 0 : i32
    %scan3A_0 = arith.constant 128 : i32
    %scan3A_1 = arith.addi %scan3A, %scan3A_0 : i32
    %scan3A_2 = arith.constant 1 : i32
    scf.for %scan3A_93 = %scan3A to %scan3A_1 step %scan3A_2  : i32 {
      %mul3A_94 = arith.constant 1 : i32
      %mul3A_95 = arith.muli %scan3A_93, %mul3A_94 : i32
      %add3A_96 = arith.constant 0 : i32
      %add3A_97 = arith.addi %add3A_96, %mul3A_95 : i32
      %broadcast_in_dim3A = arith.constant 0.000000e+00 : f32
      %broadcast_in_dim3A_98 = vector.broadcast %broadcast_in_dim3A : f32 to vector<16xf32>
      %swap3A = arith.index_cast %add3A_97 : i32 to index
      %swap3A_99 = arith.constant 0 : index
      %swap3A_100 = tpu.vector_load %arg23[%swap3A, %swap3A_99] {strides = array<i32>} : memref<128x16xf32, #tpu.memory_space<vmem>>, vector<1x16xf32>,
      %swap3A_101 = vector.shape_cast %swap3A_100 : vector<1x16xf32> to vector<16xf32>
      %swap3A_102 = vector.shape_cast %broadcast_in_dim3A_98 : vector<16xf32> to vector<1x16xf32>
      tpu.vector_store %arg23[%swap3A, %swap3A_99], %swap3A_102 {strides = array<i32>} : memref<128x16xf32, #tpu.memory_space<vmem>>, vector<1x16xf32>,
      %broadcast_in_dim3A_103 = arith.constant 0.000000e+00 : f32
      %broadcast_in_dim3A_104 = vector.broadcast %broadcast_in_dim3A_103 : f32 to vector<16xf32>
      %swap3A_105 = arith.index_cast %add3A_97 : i32 to index
      %swap3A_106 = arith.constant 0 : index
      %swap3A_107 = tpu.vector_load %arg24[%swap3A_105, %swap3A_106] {strides = array<i32>} : memref<128x64xf32, #tpu.memory_space<vmem>>, vector<1x16xf32>,
      %swap3A_108 = vector.shape_cast %swap3A_107 : vector<1x16xf32> to vector<16xf32>
      %swap3A_109 = vector.shape_cast %broadcast_in_dim3A_104 : vector<16xf32> to vector<1x16xf32>
      tpu.vector_store %arg24[%swap3A_105, %swap3A_106], %swap3A_109 {strides = array<i32>} : memref<128x64xf32, #tpu.memory_space<vmem>>, vector<1x16xf32>,
      %broadcast_in_dim3A_110 = arith.constant 0.000000e+00 : f32
      %broadcast_in_dim3A_111 = vector.broadcast %broadcast_in_dim3A_110 : f32 to vector<16xf32>
      %swap3A_112 = arith.index_cast %add3A_97 : i32 to index
      %swap3A_113 = arith.constant 16 : index
      %swap3A_114 = tpu.vector_load %arg24[%swap3A_112, %swap3A_113] {strides = array<i32>} : memref<128x64xf32, #tpu.memory_space<vmem>>, vector<1x16xf32>,
      %swap3A_115 = vector.shape_cast %swap3A_114 : vector<1x16xf32> to vector<16xf32>
      %swap3A_116 = vector.shape_cast %broadcast_in_dim3A_111 : vector<16xf32> to vector<1x16xf32>
      tpu.vector_store %arg24[%swap3A_112, %swap3A_113], %swap3A_116 {strides = array<i32>} : memref<128x64xf32, #tpu.memory_space<vmem>>, vector<1x16xf32>,
      %broadcast_in_dim3A_117 = arith.constant 0.000000e+00 : f32
      %broadcast_in_dim3A_118 = vector.broadcast %broadcast_in_dim3A_117 : f32 to vector<16xf32>
      %swap3A_119 = arith.index_cast %add3A_97 : i32 to index
      %swap3A_120 = arith.constant 32 : index
      %swap3A_121 = tpu.vector_load %arg24[%swap3A_119, %swap3A_120] {strides = array<i32>} : memref<128x64xf32, #tpu.memory_space<vmem>>, vector<1x16xf32>,
      %swap3A_122 = vector.shape_cast %swap3A_121 : vector<1x16xf32> to vector<16xf32>
      %swap3A_123 = vector.shape_cast %broadcast_in_dim3A_118 : vector<16xf32> to vector<1x16xf32>
      tpu.vector_store %arg24[%swap3A_119, %swap3A_120], %swap3A_123 {strides = array<i32>} : memref<128x64xf32, #tpu.memory_space<vmem>>, vector<1x16xf32>,
      %broadcast_in_dim3A_124 = arith.constant 0.000000e+00 : f32
      %broadcast_in_dim3A_125 = vector.broadcast %broadcast_in_dim3A_124 : f32 to vector<16xf32>
      %swap3A_126 = arith.index_cast %add3A_97 : i32 to index
      %swap3A_127 = arith.constant 48 : index
      %swap3A_128 = tpu.vector_load %arg24[%swap3A_126, %swap3A_127] {strides = array<i32>} : memref<128x64xf32, #tpu.memory_space<vmem>>, vector<1x16xf32>,
      %swap3A_129 = vector.shape_cast %swap3A_128 : vector<1x16xf32> to vector<16xf32>
      %swap3A_130 = vector.shape_cast %broadcast_in_dim3A_125 : vector<16xf32> to vector<1x16xf32>
      tpu.vector_store %arg24[%swap3A_126, %swap3A_127], %swap3A_130 {strides = array<i32>} : memref<128x64xf32, #tpu.memory_space<vmem>>, vector<1x16xf32>,
    }
    %scan3A_3 = arith.constant 128 : i32
    %scan3A_4 = arith.constant 0 : i32
    %scan3A_5 = arith.constant 5 : i32
    %scan3A_6 = arith.addi %scan3A_4, %scan3A_5 : i32
    %scan3A_7 = arith.constant 1 : i32
    scf.for %scan3A_93 = %scan3A_4 to %scan3A_6 step %scan3A_7  : i32 {
      %mul3A_94 = arith.constant 1 : i32
      %mul3A_95 = arith.muli %scan3A_93, %mul3A_94 : i32
      %add3A_96 = arith.constant 0 : i32
      %add3A_97 = arith.addi %add3A_96, %mul3A_95 : i32
      %mul3A_98 = arith.constant 640 : i32
      %mul3A_99 = arith.muli %arg1, %mul3A_98 : i32
      %mul3A_100 = arith.constant 128 : i32
      %mul3A_101 = arith.muli %add3A_97, %mul3A_100 : i32
      %add3A_102 = arith.addi %mul3A_99, %mul3A_101 : i32
      "tpu.region"() ({
        %run_scoped3A = tpu.sem_alloc : memref<!tpu.dma_semaphore, #tpu.memory_space<semaphore_mem>>
        %dma_start3A_108 = arith.constant 0 : i32
        %dma_start3A_109 = tpu.memref_slice %arg25[%add3A_102, %dma_start3A_108] : memref<10240x16xf32, #tpu.memory_space<vmem_shared>> -> memref<128x16xf32, #tpu.memory_space<vmem_shared>>
        %dma_start3A_110 = arith.constant 0 : i32
        %dma_start3A_111 = tpu.memref_slice %arg25[%add3A_102, %dma_start3A_110] : memref<10240x16xf32, #tpu.memory_space<vmem_shared>> -> memref<128x16xf32, #tpu.memory_space<vmem_shared>>
        tpu.enqueue_dma source(%arg23 : memref<128x16xf32, #tpu.memory_space<vmem>>) target(%dma_start3A_111 : memref<128x16xf32, #tpu.memory_space<vmem_shared>>) target_semaphore(%run_scoped3A : memref<!tpu.dma_semaphore, #tpu.memory_space<semaphore_mem>>)
        %dma_wait3A_112 = arith.constant 0 : i32
        %dma_wait3A_113 = tpu.memref_slice %arg25[%add3A_102, %dma_wait3A_112] : memref<10240x16xf32, #tpu.memory_space<vmem_shared>> -> memref<128x16xf32, #tpu.memory_space<vmem_shared>>
        %dma_wait3A_114 = arith.constant 0 : i32
        %dma_wait3A_115 = tpu.memref_slice %arg25[%add3A_102, %dma_wait3A_114] : memref<10240x16xf32, #tpu.memory_space<vmem_shared>> -> memref<128x16xf32, #tpu.memory_space<vmem_shared>>
        tpu.wait_dma2 semaphore(%run_scoped3A : memref<!tpu.dma_semaphore, #tpu.memory_space<semaphore_mem>>) src(%arg23 : memref<128x16xf32, #tpu.memory_space<vmem>>) dst(%dma_wait3A_115 : memref<128x16xf32, #tpu.memory_space<vmem_shared>>)
        tpu.yield
      }) : () -> ()
      %mul3A_103 = arith.constant 640 : i32
      %mul3A_104 = arith.muli %arg1, %mul3A_103 : i32
      %mul3A_105 = arith.constant 128 : i32
      %mul3A_106 = arith.muli %add3A_97, %mul3A_105 : i32
      %add3A_107 = arith.addi %mul3A_104, %mul3A_106 : i32
      "tpu.region"() ({
        %run_scoped3A = tpu.sem_alloc : memref<!tpu.dma_semaphore, #tpu.memory_space<semaphore_mem>>
        %dma_start3A_108 = arith.constant 0 : i32
        %dma_start3A_109 = tpu.memref_slice %arg26[%add3A_107, %dma_start3A_108] : memref<10240x64xf32, #tpu.memory_space<vmem_shared>> -> memref<128x64xf32, #tpu.memory_space<vmem_shared>>
        %dma_start3A_110 = arith.constant 0 : i32
        %dma_start3A_111 = tpu.memref_slice %arg26[%add3A_107, %dma_start3A_110] : memref<10240x64xf32, #tpu.memory_space<vmem_shared>> -> memref<128x64xf32, #tpu.memory_space<vmem_shared>>
        tpu.enqueue_dma source(%arg24 : memref<128x64xf32, #tpu.memory_space<vmem>>) target(%dma_start3A_111 : memref<128x64xf32, #tpu.memory_space<vmem_shared>>) target_semaphore(%run_scoped3A : memref<!tpu.dma_semaphore, #tpu.memory_space<semaphore_mem>>)
        %dma_wait3A_112 = arith.constant 0 : i32
        %dma_wait3A_113 = tpu.memref_slice %arg26[%add3A_107, %dma_wait3A_112] : memref<10240x64xf32, #tpu.memory_space<vmem_shared>> -> memref<128x64xf32, #tpu.memory_space<vmem_shared>>
        %dma_wait3A_114 = arith.constant 0 : i32
        %dma_wait3A_115 = tpu.memref_slice %arg26[%add3A_107, %dma_wait3A_114] : memref<10240x64xf32, #tpu.memory_space<vmem_shared>> -> memref<128x64xf32, #tpu.memory_space<vmem_shared>>
        tpu.wait_dma2 semaphore(%run_scoped3A : memref<!tpu.dma_semaphore, #tpu.memory_space<semaphore_mem>>) src(%arg24 : memref<128x64xf32, #tpu.memory_space<vmem>>) dst(%dma_wait3A_115 : memref<128x64xf32, #tpu.memory_space<vmem_shared>>)
        tpu.yield
      }) : () -> ()
    }
    %scan3A_8 = arith.constant 5 : i32
    %mul3A = arith.constant 16 : i32
    %mul3A_9 = arith.muli %arg0, %mul3A : i32
    %add3A = arith.addi %mul3A_9, %arg1 : i32
    %mul3A_10 = arith.constant 80 : i32
    %mul3A_11 = arith.muli %add3A, %mul3A_10 : i32
    "tpu.region"() ({
      %run_scoped3A = tpu.sem_alloc : memref<!tpu.dma_semaphore, #tpu.memory_space<semaphore_mem>>
      %dma_start3A_93 = arith.constant 0 : i32
      %dma_start3A_94 = tpu.memref_slice %arg2[%mul3A_11, %dma_start3A_93] : memref<2560x125xi32, #tpu.memory_space<hbm>> -> memref<80x125xi32, #tpu.memory_space<hbm>>
      %dma_start3A_95 = arith.constant 0 : i32
      %dma_start3A_96 = tpu.memref_slice %arg2[%mul3A_11, %dma_start3A_95] : memref<2560x125xi32, #tpu.memory_space<hbm>> -> memref<80x125xi32, #tpu.memory_space<hbm>>
      tpu.enqueue_dma source(%dma_start3A_96 : memref<80x125xi32, #tpu.memory_space<hbm>>) target(%arg10 : memref<80x125xi32, #tpu.memory_space<vmem>>) target_semaphore(%run_scoped3A : memref<!tpu.dma_semaphore, #tpu.memory_space<semaphore_mem>>)
      %dma_wait3A_97 = arith.constant 0 : i32
      %dma_wait3A_98 = tpu.memref_slice %arg2[%mul3A_11, %dma_wait3A_97] : memref<2560x125xi32, #tpu.memory_space<hbm>> -> memref<80x125xi32, #tpu.memory_space<hbm>>
      %dma_wait3A_99 = arith.constant 0 : i32
      %dma_wait3A_100 = tpu.memref_slice %arg2[%mul3A_11, %dma_wait3A_99] : memref<2560x125xi32, #tpu.memory_space<hbm>> -> memref<80x125xi32, #tpu.memory_space<hbm>>
      tpu.wait_dma2 semaphore(%run_scoped3A : memref<!tpu.dma_semaphore, #tpu.memory_space<semaphore_mem>>) src(%dma_wait3A_100 : memref<80x125xi32, #tpu.memory_space<hbm>>) dst(%arg10 : memref<80x125xi32, #tpu.memory_space<vmem>>)
      tpu.yield
    }) : () -> ()
    "tpu.region"() ({
      %run_scoped3A = tpu.sem_alloc : memref<!tpu.dma_semaphore, #tpu.memory_space<semaphore_mem>>
      %dma_start3A_93 = arith.constant 0 : i32
      %dma_start3A_94 = tpu.memref_slice %arg3[%mul3A_11, %dma_start3A_93] : memref<2560x125xi32, #tpu.memory_space<hbm>> -> memref<80x125xi32, #tpu.memory_space<hbm>>
      %dma_start3A_95 = arith.constant 0 : i32
      %dma_start3A_96 = tpu.memref_slice %arg3[%mul3A_11, %dma_start3A_95] : memref<2560x125xi32, #tpu.memory_space<hbm>> -> memref<80x125xi32, #tpu.memory_space<hbm>>
      tpu.enqueue_dma source(%dma_start3A_96 : memref<80x125xi32, #tpu.memory_space<hbm>>) target(%arg11 : memref<80x125xi32, #tpu.memory_space<vmem>>) target_semaphore(%run_scoped3A : memref<!tpu.dma_semaphore, #tpu.memory_space<semaphore_mem>>)
      %dma_wait3A_97 = arith.constant 0 : i32
      %dma_wait3A_98 = tpu.memref_slice %arg3[%mul3A_11, %dma_wait3A_97] : memref<2560x125xi32, #tpu.memory_space<hbm>> -> memref<80x125xi32, #tpu.memory_space<hbm>>
      %dma_wait3A_99 = arith.constant 0 : i32
      %dma_wait3A_100 = tpu.memref_slice %arg3[%mul3A_11, %dma_wait3A_99] : memref<2560x125xi32, #tpu.memory_space<hbm>> -> memref<80x125xi32, #tpu.memory_space<hbm>>
      tpu.wait_dma2 semaphore(%run_scoped3A : memref<!tpu.dma_semaphore, #tpu.memory_space<semaphore_mem>>) src(%dma_wait3A_100 : memref<80x125xi32, #tpu.memory_space<hbm>>) dst(%arg11 : memref<80x125xi32, #tpu.memory_space<vmem>>)
      tpu.yield
    }) : () -> ()
    "tpu.region"() ({
      %run_scoped3A = tpu.sem_alloc : memref<!tpu.dma_semaphore, #tpu.memory_space<semaphore_mem>>
      tpu.enqueue_dma source(%arg6 : memref<16xf32, #tpu.memory_space<hbm>>) target(%arg22 : memref<16xf32, #tpu.memory_space<vmem>>) target_semaphore(%run_scoped3A : memref<!tpu.dma_semaphore, #tpu.memory_space<semaphore_mem>>)
      tpu.wait_dma2 semaphore(%run_scoped3A : memref<!tpu.dma_semaphore, #tpu.memory_space<semaphore_mem>>) src(%arg6 : memref<16xf32, #tpu.memory_space<hbm>>) dst(%arg22 : memref<16xf32, #tpu.memory_space<vmem>>)
      tpu.yield
    }) : () -> ()
    %barrier3A = arith.constant 0 : index
    tpu.barrier barrier_id(%barrier3A)
    %get3A = arith.constant 0 : index
    %get3A_12 = tpu.vector_load %arg22[%get3A] {strides = array<i32>} : memref<16xf32, #tpu.memory_space<vmem>>, vector<16xf32>,
    %get3A_13 = vector.shape_cast %get3A_12 : vector<16xf32> to vector<16xf32>
    %iota3A = tpu.iota {dimensions = array<i32: 0>} : vector<16xi32>
    %mul3A_14 = arith.constant 0 : i32
    %mul3A_15 = vector.broadcast %mul3A_14 : i32 to vector<16xi32>
    %mul3A_16 = arith.muli %iota3A, %mul3A_15 : vector<16xi32>
    %reshape3A = vector.shape_cast %mul3A_16 : vector<16xi32> to vector<16x1xi32>
    %dma_start3A = arith.constant 0 : i32
    %dma_start3A_17 = arith.constant 0 : i32
    %dma_start3A_18 = tpu.memref_slice %arg10[%dma_start3A, %dma_start3A_17] : memref<80x125xi32, #tpu.memory_space<vmem>> -> memref<1x125xi32, #tpu.memory_space<vmem>>
    %dma_start3A_19 = tpu.memref_squeeze %dma_start3A_18 : memref<1x125xi32, #tpu.memory_space<vmem>> -> memref<125xi32, #tpu.memory_space<vmem>>
    %dma_start3A_20 = arith.constant 0 : i32
    %dma_start3A_21 = arith.constant 0 : i32
    %dma_start3A_22 = tpu.memref_slice %arg4[%dma_start3A_20, %dma_start3A_21] : memref<10240x16xf32, #tpu.memory_space<hbm>> -> memref<10240x16xf32, #tpu.memory_space<hbm>>
    tpu.enqueue_indirect_dma source(%dma_start3A_22 : memref<10240x16xf32, #tpu.memory_space<hbm>>) target(%arg12 : memref<125x16xf32, #tpu.memory_space<vmem>>) offsets(%dma_start3A_19 : memref<125xi32, #tpu.memory_space<vmem>>) semaphore(%arg27 : memref<!tpu.dma_semaphore, #tpu.memory_space<semaphore_mem>>)
    %dma_start3A_23 = arith.constant 0 : i32
    %dma_start3A_24 = arith.constant 0 : i32
    %dma_start3A_25 = tpu.memref_slice %arg11[%dma_start3A_23, %dma_start3A_24] : memref<80x125xi32, #tpu.memory_space<vmem>> -> memref<1x125xi32, #tpu.memory_space<vmem>>
    %dma_start3A_26 = tpu.memref_squeeze %dma_start3A_25 : memref<1x125xi32, #tpu.memory_space<vmem>> -> memref<125xi32, #tpu.memory_space<vmem>>
    %dma_start3A_27 = arith.constant 0 : i32
    %dma_start3A_28 = arith.constant 0 : i32
    %dma_start3A_29 = tpu.memref_slice %arg5[%dma_start3A_27, %dma_start3A_28] : memref<10240x16xf32, #tpu.memory_space<hbm>> -> memref<10240x16xf32, #tpu.memory_space<hbm>>
    tpu.enqueue_indirect_dma source(%dma_start3A_29 : memref<10240x16xf32, #tpu.memory_space<hbm>>) target(%arg14 : memref<125x16xf32, #tpu.memory_space<vmem>>) offsets(%dma_start3A_26 : memref<125xi32, #tpu.memory_space<vmem>>) semaphore(%arg27 : memref<!tpu.dma_semaphore, #tpu.memory_space<semaphore_mem>>)
    %dma_start3A_30 = arith.constant 0 : i32
    %dma_start3A_31 = arith.constant 0 : i32
    %dma_start3A_32 = tpu.memref_slice %arg10[%dma_start3A_30, %dma_start3A_31] : memref<80x125xi32, #tpu.memory_space<vmem>> -> memref<1x125xi32, #tpu.memory_space<vmem>>
    %dma_start3A_33 = tpu.memref_squeeze %dma_start3A_32 : memref<1x125xi32, #tpu.memory_space<vmem>> -> memref<125xi32, #tpu.memory_space<vmem>>
    %dma_start3A_34 = arith.constant 0 : i32
    %dma_start3A_35 = arith.constant 0 : i32
    %dma_start3A_36 = tpu.memref_slice %arg7[%dma_start3A_34, %dma_start3A_35] : memref<10240x64xf32, #tpu.memory_space<hbm>> -> memref<10240x64xf32, #tpu.memory_space<hbm>>
    tpu.enqueue_indirect_dma source(%dma_start3A_36 : memref<10240x64xf32, #tpu.memory_space<hbm>>) target(%arg16 : memref<125x64xf32, #tpu.memory_space<vmem>>) offsets(%dma_start3A_33 : memref<125xi32, #tpu.memory_space<vmem>>) semaphore(%arg27 : memref<!tpu.dma_semaphore, #tpu.memory_space<semaphore_mem>>)
    %dma_start3A_37 = arith.constant 1 : i32
    %dma_start3A_38 = arith.constant 0 : i32
    %dma_start3A_39 = tpu.memref_slice %arg10[%dma_start3A_37, %dma_start3A_38] : memref<80x125xi32, #tpu.memory_space<vmem>> -> memref<1x125xi32, #tpu.memory_space<vmem>>
    %dma_start3A_40 = tpu.memref_squeeze %dma_start3A_39 : memref<1x125xi32, #tpu.memory_space<vmem>> -> memref<125xi32, #tpu.memory_space<vmem>>
    %dma_start3A_41 = arith.constant 0 : i32
    %dma_start3A_42 = arith.constant 0 : i32
    %dma_start3A_43 = tpu.memref_slice %arg4[%dma_start3A_41, %dma_start3A_42] : memref<10240x16xf32, #tpu.memory_space<hbm>> -> memref<10240x16xf32, #tpu.memory_space<hbm>>
    tpu.enqueue_indirect_dma source(%dma_start3A_43 : memref<10240x16xf32, #tpu.memory_space<hbm>>) target(%arg13 : memref<125x16xf32, #tpu.memory_space<vmem>>) offsets(%dma_start3A_40 : memref<125xi32, #tpu.memory_space<vmem>>) semaphore(%arg28 : memref<!tpu.dma_semaphore, #tpu.memory_space<semaphore_mem>>)
    %dma_start3A_44 = arith.constant 1 : i32
    %dma_start3A_45 = arith.constant 0 : i32
    %dma_start3A_46 = tpu.memref_slice %arg11[%dma_start3A_44, %dma_start3A_45] : memref<80x125xi32, #tpu.memory_space<vmem>> -> memref<1x125xi32, #tpu.memory_space<vmem>>
    %dma_start3A_47 = tpu.memref_squeeze %dma_start3A_46 : memref<1x125xi32, #tpu.memory_space<vmem>> -> memref<125xi32, #tpu.memory_space<vmem>>
    %dma_start3A_48 = arith.constant 0 : i32
    %dma_start3A_49 = arith.constant 0 : i32
    %dma_start3A_50 = tpu.memref_slice %arg5[%dma_start3A_48, %dma_start3A_49] : memref<10240x16xf32, #tpu.memory_space<hbm>> -> memref<10240x16xf32, #tpu.memory_space<hbm>>
    tpu.enqueue_indirect_dma source(%dma_start3A_50 : memref<10240x16xf32, #tpu.memory_space<hbm>>) target(%arg15 : memref<125x16xf32, #tpu.memory_space<vmem>>) offsets(%dma_start3A_47 : memref<125xi32, #tpu.memory_space<vmem>>) semaphore(%arg28 : memref<!tpu.dma_semaphore, #tpu.memory_space<semaphore_mem>>)
    %dma_start3A_51 = arith.constant 1 : i32
    %dma_start3A_52 = arith.constant 0 : i32
    %dma_start3A_53 = tpu.memref_slice %arg10[%dma_start3A_51, %dma_start3A_52] : memref<80x125xi32, #tpu.memory_space<vmem>> -> memref<1x125xi32, #tpu.memory_space<vmem>>
    %dma_start3A_54 = tpu.memref_squeeze %dma_start3A_53 : memref<1x125xi32, #tpu.memory_space<vmem>> -> memref<125xi32, #tpu.memory_space<vmem>>
    %dma_start3A_55 = arith.constant 0 : i32
    %dma_start3A_56 = arith.constant 0 : i32
    %dma_start3A_57 = tpu.memref_slice %arg7[%dma_start3A_55, %dma_start3A_56] : memref<10240x64xf32, #tpu.memory_space<hbm>> -> memref<10240x64xf32, #tpu.memory_space<hbm>>
    tpu.enqueue_indirect_dma source(%dma_start3A_57 : memref<10240x64xf32, #tpu.memory_space<hbm>>) target(%arg17 : memref<125x64xf32, #tpu.memory_space<vmem>>) offsets(%dma_start3A_54 : memref<125xi32, #tpu.memory_space<vmem>>) semaphore(%arg28 : memref<!tpu.dma_semaphore, #tpu.memory_space<semaphore_mem>>)
    %scan3A_58 = arith.constant 0 : i32
    %scan3A_59 = arith.constant 40 : i32
    %scan3A_60 = arith.addi %scan3A_58, %scan3A_59 : i32
    %scan3A_61 = arith.constant 1 : i32
    scf.for %scan3A_93 = %scan3A_58 to %scan3A_60 step %scan3A_61  : i32 {
      %mul3A_94 = arith.constant 1 : i32
      %mul3A_95 = arith.muli %scan3A_93, %mul3A_94 : i32
      %add3A_96 = arith.constant 0 : i32
      %add3A_97 = arith.addi %add3A_96, %mul3A_95 : i32
      %mul3A_98 = arith.constant 2 : i32
      %mul3A_99 = arith.muli %add3A_97, %mul3A_98 : i32
      %add3A_100 = arith.constant 0 : i32
      %add3A_101 = arith.addi %mul3A_99, %add3A_100 : i32
      %dma_wait3A_102 = arith.constant 0 : i32
      %dma_wait3A_103 = tpu.memref_slice %arg10[%add3A_101, %dma_wait3A_102] : memref<80x125xi32, #tpu.memory_space<vmem>> -> memref<1x125xi32, #tpu.memory_space<vmem>>
      %dma_wait3A_104 = tpu.memref_squeeze %dma_wait3A_103 : memref<1x125xi32, #tpu.memory_space<vmem>> -> memref<125xi32, #tpu.memory_space<vmem>>
      %dma_wait3A_105 = arith.constant 0 : i32
      %dma_wait3A_106 = arith.constant 0 : i32
      %dma_wait3A_107 = tpu.memref_slice %arg4[%dma_wait3A_105, %dma_wait3A_106] : memref<10240x16xf32, #tpu.memory_space<hbm>> -> memref<10240x16xf32, #tpu.memory_space<hbm>>
      tpu.wait_indirect_dma semaphore(%arg27 : memref<!tpu.dma_semaphore, #tpu.memory_space<semaphore_mem>>) src(%dma_wait3A_107 : memref<10240x16xf32, #tpu.memory_space<hbm>>) dst(%arg12 : memref<125x16xf32, #tpu.memory_space<vmem>>)
      %dma_wait3A_108 = arith.constant 0 : i32
      %dma_wait3A_109 = tpu.memref_slice %arg11[%add3A_101, %dma_wait3A_108] : memref<80x125xi32, #tpu.memory_space<vmem>> -> memref<1x125xi32, #tpu.memory_space<vmem>>
      %dma_wait3A_110 = tpu.memref_squeeze %dma_wait3A_109 : memref<1x125xi32, #tpu.memory_space<vmem>> -> memref<125xi32, #tpu.memory_space<vmem>>
      %dma_wait3A_111 = arith.constant 0 : i32
      %dma_wait3A_112 = arith.constant 0 : i32
      %dma_wait3A_113 = tpu.memref_slice %arg5[%dma_wait3A_111, %dma_wait3A_112] : memref<10240x16xf32, #tpu.memory_space<hbm>> -> memref<10240x16xf32, #tpu.memory_space<hbm>>
      tpu.wait_indirect_dma semaphore(%arg27 : memref<!tpu.dma_semaphore, #tpu.memory_space<semaphore_mem>>) src(%dma_wait3A_113 : memref<10240x16xf32, #tpu.memory_space<hbm>>) dst(%arg14 : memref<125x16xf32, #tpu.memory_space<vmem>>)
      %dma_wait3A_114 = arith.constant 0 : i32
      %dma_wait3A_115 = tpu.memref_slice %arg10[%add3A_101, %dma_wait3A_114] : memref<80x125xi32, #tpu.memory_space<vmem>> -> memref<1x125xi32, #tpu.memory_space<vmem>>
      %dma_wait3A_116 = tpu.memref_squeeze %dma_wait3A_115 : memref<1x125xi32, #tpu.memory_space<vmem>> -> memref<125xi32, #tpu.memory_space<vmem>>
      %dma_wait3A_117 = arith.constant 0 : i32
      %dma_wait3A_118 = arith.constant 0 : i32
      %dma_wait3A_119 = tpu.memref_slice %arg7[%dma_wait3A_117, %dma_wait3A_118] : memref<10240x64xf32, #tpu.memory_space<hbm>> -> memref<10240x64xf32, #tpu.memory_space<hbm>>
      tpu.wait_indirect_dma semaphore(%arg27 : memref<!tpu.dma_semaphore, #tpu.memory_space<semaphore_mem>>) src(%dma_wait3A_119 : memref<10240x64xf32, #tpu.memory_space<hbm>>) dst(%arg16 : memref<125x64xf32, #tpu.memory_space<vmem>>)
      %ge3A = arith.constant 2 : i32
      %ge3A_120 = arith.cmpi sge, %add3A_101, %ge3A : i32
      %convert_element_type3A = arith.extui %ge3A_120 : i1 to i32
      %cond3A = arith.constant 0 : i32
      %cond3A_121 = arith.cmpi ne, %convert_element_type3A, %cond3A : i32
      scf.if %cond3A_121 {
        %sub3A = arith.constant 2 : i32
        %sub3A_196 = arith.subi %add3A_101, %sub3A : i32
        %dma_wait3A_197 = arith.constant 0 : i32
        %dma_wait3A_198 = tpu.memref_slice %arg11[%sub3A_196, %dma_wait3A_197] : memref<80x125xi32, #tpu.memory_space<vmem>> -> memref<1x125xi32, #tpu.memory_space<vmem>>
        %dma_wait3A_199 = tpu.memref_squeeze %dma_wait3A_198 : memref<1x125xi32, #tpu.memory_space<vmem>> -> memref<125xi32, #tpu.memory_space<vmem>>
        %dma_wait3A_200 = arith.constant 0 : i32
        %dma_wait3A_201 = arith.constant 0 : i32
        %dma_wait3A_202 = tpu.memref_slice %arg25[%dma_wait3A_200, %dma_wait3A_201] : memref<10240x16xf32, #tpu.memory_space<vmem_shared>> -> memref<10240x16xf32, #tpu.memory_space<vmem_shared>>
        tpu.wait_indirect_dma semaphore(%arg29 : memref<!tpu.dma_semaphore, #tpu.memory_space<semaphore_mem>>) src(%arg18 : memref<125x16xf32, #tpu.memory_space<vmem>>) dst(%dma_wait3A_202 : memref<10240x16xf32, #tpu.memory_space<vmem_shared>>)
        %dma_wait3A_203 = arith.constant 0 : i32
        %dma_wait3A_204 = tpu.memref_slice %arg11[%sub3A_196, %dma_wait3A_203] : memref<80x125xi32, #tpu.memory_space<vmem>> -> memref<1x125xi32, #tpu.memory_space<vmem>>
        %dma_wait3A_205 = tpu.memref_squeeze %dma_wait3A_204 : memref<1x125xi32, #tpu.memory_space<vmem>> -> memref<125xi32, #tpu.memory_space<vmem>>
        %dma_wait3A_206 = arith.constant 0 : i32
        %dma_wait3A_207 = arith.constant 0 : i32
        %dma_wait3A_208 = tpu.memref_slice %arg26[%dma_wait3A_206, %dma_wait3A_207] : memref<10240x64xf32, #tpu.memory_space<vmem_shared>> -> memref<10240x64xf32, #tpu.memory_space<vmem_shared>>
        tpu.wait_indirect_dma semaphore(%arg29 : memref<!tpu.dma_semaphore, #tpu.memory_space<semaphore_mem>>) src(%arg20 : memref<125x64xf32, #tpu.memory_space<vmem>>) dst(%dma_wait3A_208 : memref<10240x64xf32, #tpu.memory_space<vmem_shared>>)
      } else {
      }
      %scan3A_122 = arith.constant 0 : i32
      %scan3A_123 = arith.constant 125 : i32
      %scan3A_124 = arith.addi %scan3A_122, %scan3A_123 : i32
      %scan3A_125 = arith.constant 1 : i32
      scf.for %scan3A_196 = %scan3A_122 to %scan3A_124 step %scan3A_125  : i32 {
        %mul3A_197 = arith.constant 1 : i32
        %mul3A_198 = arith.muli %scan3A_196, %mul3A_197 : i32
        %add3A_199 = arith.constant 0 : i32
        %add3A_200 = arith.addi %add3A_199, %mul3A_198 : i32
        %get3A_201 = arith.index_cast %add3A_200 : i32 to index
        %get3A_202 = arith.constant 0 : index
        %get3A_203 = tpu.vector_load %arg12[%get3A_201, %get3A_202] {strides = array<i32>} : memref<125x16xf32, #tpu.memory_space<vmem>>, vector<1x16xf32>,
        %get3A_204 = vector.shape_cast %get3A_203 : vector<1x16xf32> to vector<16xf32>
        %get3A_205 = arith.index_cast %add3A_200 : i32 to index
        %get3A_206 = arith.constant 0 : index
        %get3A_207 = tpu.vector_load %arg14[%get3A_205, %get3A_206] {strides = array<i32>} : memref<125x16xf32, #tpu.memory_space<vmem>>, vector<1x16xf32>,
        %get3A_208 = vector.shape_cast %get3A_207 : vector<1x16xf32> to vector<16xf32>
        %add3A_209 = arith.addf %get3A_204, %get3A_208 : vector<16xf32>
        %ge3A_210 = arith.constant 0.000000e+00 : f32
        %ge3A_211 = vector.broadcast %ge3A_210 : f32 to vector<16xf32>
        %ge3A_212 = arith.cmpf oge, %add3A_209, %ge3A_211 : vector<16xf32>
        %mul3A_213 = arith.constant 2.000000e-01 : f32
        %mul3A_214 = vector.broadcast %mul3A_213 : f32 to vector<16xf32>
        %mul3A_215 = arith.mulf %mul3A_214, %add3A_209 : vector<16xf32>
        %select_n3A = arith.select %ge3A_212, %add3A_209, %mul3A_215 : vector<16xi1>, vector<16xf32>
        %sub3A = arith.subf %select_n3A, %get3A_13 : vector<16xf32>
        %exp3A = math.exp %sub3A : vector<16xf32>
        %swap3A = arith.index_cast %add3A_200 : i32 to index
        %swap3A_216 = arith.constant 0 : index
        %swap3A_217 = tpu.vector_load %arg18[%swap3A, %swap3A_216] {strides = array<i32>} : memref<125x16xf32, #tpu.memory_space<vmem>>, vector<1x16xf32>,
        %swap3A_218 = vector.shape_cast %swap3A_217 : vector<1x16xf32> to vector<16xf32>
        %swap3A_219 = vector.shape_cast %exp3A : vector<16xf32> to vector<1x16xf32>
        tpu.vector_store %arg18[%swap3A, %swap3A_216], %swap3A_219 {strides = array<i32>} : memref<125x16xf32, #tpu.memory_space<vmem>>, vector<1x16xf32>,
        %gather3A = vector.shape_cast %reshape3A : vector<16x1xi32> to vector<16xi32>
        %gather3A_220 = tpu.dynamic_gather %exp3A[%gather3A] in [0] : vector<16xf32>, vector<16xi32> -> vector<16xf32>
        %get3A_221 = arith.index_cast %add3A_200 : i32 to index
        %get3A_222 = arith.constant 0 : index
        %get3A_223 = tpu.vector_load %arg16[%get3A_221, %get3A_222] {strides = array<i32>} : memref<125x64xf32, #tpu.memory_space<vmem>>, vector<1x16xf32>,
        %get3A_224 = vector.shape_cast %get3A_223 : vector<1x16xf32> to vector<16xf32>
        %mul3A_225 = arith.mulf %get3A_224, %gather3A_220 : vector<16xf32>
        %swap3A_226 = arith.index_cast %add3A_200 : i32 to index
        %swap3A_227 = arith.constant 0 : index
        %swap3A_228 = tpu.vector_load %arg20[%swap3A_226, %swap3A_227] {strides = array<i32>} : memref<125x64xf32, #tpu.memory_space<vmem>>, vector<1x16xf32>,
        %swap3A_229 = vector.shape_cast %swap3A_228 : vector<1x16xf32> to vector<16xf32>
        %swap3A_230 = vector.shape_cast %mul3A_225 : vector<16xf32> to vector<1x16xf32>
        tpu.vector_store %arg20[%swap3A_226, %swap3A_227], %swap3A_230 {strides = array<i32>} : memref<125x64xf32, #tpu.memory_space<vmem>>, vector<1x16xf32>,
        %get3A_231 = arith.index_cast %add3A_200 : i32 to index
        %get3A_232 = arith.constant 16 : index
        %get3A_233 = tpu.vector_load %arg16[%get3A_231, %get3A_232] {strides = array<i32>} : memref<125x64xf32, #tpu.memory_space<vmem>>, vector<1x16xf32>,
        %get3A_234 = vector.shape_cast %get3A_233 : vector<1x16xf32> to vector<16xf32>
        %mul3A_235 = arith.mulf %get3A_234, %gather3A_220 : vector<16xf32>
        %swap3A_236 = arith.index_cast %add3A_200 : i32 to index
        %swap3A_237 = arith.constant 16 : index
        %swap3A_238 = tpu.vector_load %arg20[%swap3A_236, %swap3A_237] {strides = array<i32>} : memref<125x64xf32, #tpu.memory_space<vmem>>, vector<1x16xf32>,
        %swap3A_239 = vector.shape_cast %swap3A_238 : vector<1x16xf32> to vector<16xf32>
        %swap3A_240 = vector.shape_cast %mul3A_235 : vector<16xf32> to vector<1x16xf32>
        tpu.vector_store %arg20[%swap3A_236, %swap3A_237], %swap3A_240 {strides = array<i32>} : memref<125x64xf32, #tpu.memory_space<vmem>>, vector<1x16xf32>,
        %get3A_241 = arith.index_cast %add3A_200 : i32 to index
        %get3A_242 = arith.constant 32 : index
        %get3A_243 = tpu.vector_load %arg16[%get3A_241, %get3A_242] {strides = array<i32>} : memref<125x64xf32, #tpu.memory_space<vmem>>, vector<1x16xf32>,
        %get3A_244 = vector.shape_cast %get3A_243 : vector<1x16xf32> to vector<16xf32>
        %mul3A_245 = arith.mulf %get3A_244, %gather3A_220 : vector<16xf32>
        %swap3A_246 = arith.index_cast %add3A_200 : i32 to index
        %swap3A_247 = arith.constant 32 : index
        %swap3A_248 = tpu.vector_load %arg20[%swap3A_246, %swap3A_247] {strides = array<i32>} : memref<125x64xf32, #tpu.memory_space<vmem>>, vector<1x16xf32>,
        %swap3A_249 = vector.shape_cast %swap3A_248 : vector<1x16xf32> to vector<16xf32>
        %swap3A_250 = vector.shape_cast %mul3A_245 : vector<16xf32> to vector<1x16xf32>
        tpu.vector_store %arg20[%swap3A_246, %swap3A_247], %swap3A_250 {strides = array<i32>} : memref<125x64xf32, #tpu.memory_space<vmem>>, vector<1x16xf32>,
        %get3A_251 = arith.index_cast %add3A_200 : i32 to index
        %get3A_252 = arith.constant 48 : index
        %get3A_253 = tpu.vector_load %arg16[%get3A_251, %get3A_252] {strides = array<i32>} : memref<125x64xf32, #tpu.memory_space<vmem>>, vector<1x16xf32>,
        %get3A_254 = vector.shape_cast %get3A_253 : vector<1x16xf32> to vector<16xf32>
        %mul3A_255 = arith.mulf %get3A_254, %gather3A_220 : vector<16xf32>
        %swap3A_256 = arith.index_cast %add3A_200 : i32 to index
        %swap3A_257 = arith.constant 48 : index
        %swap3A_258 = tpu.vector_load %arg20[%swap3A_256, %swap3A_257] {strides = array<i32>} : memref<125x64xf32, #tpu.memory_space<vmem>>, vector<1x16xf32>,
        %swap3A_259 = vector.shape_cast %swap3A_258 : vector<1x16xf32> to vector<16xf32>
        %swap3A_260 = vector.shape_cast %mul3A_255 : vector<16xf32> to vector<1x16xf32>
        tpu.vector_store %arg20[%swap3A_256, %swap3A_257], %swap3A_260 {strides = array<i32>} : memref<125x64xf32, #tpu.memory_space<vmem>>, vector<1x16xf32>,
      }
      %scan3A_126 = arith.constant 125 : i32
      %dma_start3A_127 = arith.constant 0 : i32
      %dma_start3A_128 = tpu.memref_slice %arg11[%add3A_101, %dma_start3A_127] : memref<80x125xi32, #tpu.memory_space<vmem>> -> memref<1x125xi32, #tpu.memory_space<vmem>>
      %dma_start3A_129 = tpu.memref_squeeze %dma_start3A_128 : memref<1x125xi32, #tpu.memory_space<vmem>> -> memref<125xi32, #tpu.memory_space<vmem>>
      %dma_start3A_130 = arith.constant 0 : i32
      %dma_start3A_131 = arith.constant 0 : i32
      %dma_start3A_132 = tpu.memref_slice %arg25[%dma_start3A_130, %dma_start3A_131] : memref<10240x16xf32, #tpu.memory_space<vmem_shared>> -> memref<10240x16xf32, #tpu.memory_space<vmem_shared>>
      tpu.enqueue_indirect_dma source(%arg18 : memref<125x16xf32, #tpu.memory_space<vmem>>) target(%dma_start3A_132 : memref<10240x16xf32, #tpu.memory_space<vmem_shared>>) offsets(%dma_start3A_129 : memref<125xi32, #tpu.memory_space<vmem>>) semaphore(%arg29 : memref<!tpu.dma_semaphore, #tpu.memory_space<semaphore_mem>>) {add = true}
      %dma_start3A_133 = arith.constant 0 : i32
      %dma_start3A_134 = tpu.memref_slice %arg11[%add3A_101, %dma_start3A_133] : memref<80x125xi32, #tpu.memory_space<vmem>> -> memref<1x125xi32, #tpu.memory_space<vmem>>
      %dma_start3A_135 = tpu.memref_squeeze %dma_start3A_134 : memref<1x125xi32, #tpu.memory_space<vmem>> -> memref<125xi32, #tpu.memory_space<vmem>>
      %dma_start3A_136 = arith.constant 0 : i32
      %dma_start3A_137 = arith.constant 0 : i32
      %dma_start3A_138 = tpu.memref_slice %arg26[%dma_start3A_136, %dma_start3A_137] : memref<10240x64xf32, #tpu.memory_space<vmem_shared>> -> memref<10240x64xf32, #tpu.memory_space<vmem_shared>>
      tpu.enqueue_indirect_dma source(%arg20 : memref<125x64xf32, #tpu.memory_space<vmem>>) target(%dma_start3A_138 : memref<10240x64xf32, #tpu.memory_space<vmem_shared>>) offsets(%dma_start3A_135 : memref<125xi32, #tpu.memory_space<vmem>>) semaphore(%arg29 : memref<!tpu.dma_semaphore, #tpu.memory_space<semaphore_mem>>) {add = true}
      %add3A_139 = arith.constant 2 : i32
      %add3A_140 = arith.addi %add3A_101, %add3A_139 : i32
      %lt3A = arith.constant 80 : i32
      %lt3A_141 = arith.cmpi slt, %add3A_140, %lt3A : i32
      %convert_element_type3A_142 = arith.extui %lt3A_141 : i1 to i32
      %cond3A_143 = arith.constant 0 : i32
      %cond3A_144 = arith.cmpi ne, %convert_element_type3A_142, %cond3A_143 : i32
      scf.if %cond3A_144 {
        %add3A_196 = arith.constant 2 : i32
        %add3A_197 = arith.addi %add3A_101, %add3A_196 : i32
        %dma_start3A_198 = arith.constant 0 : i32
        %dma_start3A_199 = tpu.memref_slice %arg10[%add3A_197, %dma_start3A_198] : memref<80x125xi32, #tpu.memory_space<vmem>> -> memref<1x125xi32, #tpu.memory_space<vmem>>
        %dma_start3A_200 = tpu.memref_squeeze %dma_start3A_199 : memref<1x125xi32, #tpu.memory_space<vmem>> -> memref<125xi32, #tpu.memory_space<vmem>>
        %dma_start3A_201 = arith.constant 0 : i32
        %dma_start3A_202 = arith.constant 0 : i32
        %dma_start3A_203 = tpu.memref_slice %arg4[%dma_start3A_201, %dma_start3A_202] : memref<10240x16xf32, #tpu.memory_space<hbm>> -> memref<10240x16xf32, #tpu.memory_space<hbm>>
        tpu.enqueue_indirect_dma source(%dma_start3A_203 : memref<10240x16xf32, #tpu.memory_space<hbm>>) target(%arg12 : memref<125x16xf32, #tpu.memory_space<vmem>>) offsets(%dma_start3A_200 : memref<125xi32, #tpu.memory_space<vmem>>) semaphore(%arg27 : memref<!tpu.dma_semaphore, #tpu.memory_space<semaphore_mem>>)
        %dma_start3A_204 = arith.constant 0 : i32
        %dma_start3A_205 = tpu.memref_slice %arg11[%add3A_197, %dma_start3A_204] : memref<80x125xi32, #tpu.memory_space<vmem>> -> memref<1x125xi32, #tpu.memory_space<vmem>>
        %dma_start3A_206 = tpu.memref_squeeze %dma_start3A_205 : memref<1x125xi32, #tpu.memory_space<vmem>> -> memref<125xi32, #tpu.memory_space<vmem>>
        %dma_start3A_207 = arith.constant 0 : i32
        %dma_start3A_208 = arith.constant 0 : i32
        %dma_start3A_209 = tpu.memref_slice %arg5[%dma_start3A_207, %dma_start3A_208] : memref<10240x16xf32, #tpu.memory_space<hbm>> -> memref<10240x16xf32, #tpu.memory_space<hbm>>
        tpu.enqueue_indirect_dma source(%dma_start3A_209 : memref<10240x16xf32, #tpu.memory_space<hbm>>) target(%arg14 : memref<125x16xf32, #tpu.memory_space<vmem>>) offsets(%dma_start3A_206 : memref<125xi32, #tpu.memory_space<vmem>>) semaphore(%arg27 : memref<!tpu.dma_semaphore, #tpu.memory_space<semaphore_mem>>)
        %dma_start3A_210 = arith.constant 0 : i32
        %dma_start3A_211 = tpu.memref_slice %arg10[%add3A_197, %dma_start3A_210] : memref<80x125xi32, #tpu.memory_space<vmem>> -> memref<1x125xi32, #tpu.memory_space<vmem>>
        %dma_start3A_212 = tpu.memref_squeeze %dma_start3A_211 : memref<1x125xi32, #tpu.memory_space<vmem>> -> memref<125xi32, #tpu.memory_space<vmem>>
        %dma_start3A_213 = arith.constant 0 : i32
        %dma_start3A_214 = arith.constant 0 : i32
        %dma_start3A_215 = tpu.memref_slice %arg7[%dma_start3A_213, %dma_start3A_214] : memref<10240x64xf32, #tpu.memory_space<hbm>> -> memref<10240x64xf32, #tpu.memory_space<hbm>>
        tpu.enqueue_indirect_dma source(%dma_start3A_215 : memref<10240x64xf32, #tpu.memory_space<hbm>>) target(%arg16 : memref<125x64xf32, #tpu.memory_space<vmem>>) offsets(%dma_start3A_212 : memref<125xi32, #tpu.memory_space<vmem>>) semaphore(%arg27 : memref<!tpu.dma_semaphore, #tpu.memory_space<semaphore_mem>>)
      } else {
      }
      %mul3A_145 = arith.constant 2 : i32
      %mul3A_146 = arith.muli %add3A_97, %mul3A_145 : i32
      %add3A_147 = arith.constant 1 : i32
      %add3A_148 = arith.addi %mul3A_146, %add3A_147 : i32
      %dma_wait3A_149 = arith.constant 0 : i32
      %dma_wait3A_150 = tpu.memref_slice %arg10[%add3A_148, %dma_wait3A_149] : memref<80x125xi32, #tpu.memory_space<vmem>> -> memref<1x125xi32, #tpu.memory_space<vmem>>
      %dma_wait3A_151 = tpu.memref_squeeze %dma_wait3A_150 : memref<1x125xi32, #tpu.memory_space<vmem>> -> memref<125xi32, #tpu.memory_space<vmem>>
      %dma_wait3A_152 = arith.constant 0 : i32
      %dma_wait3A_153 = arith.constant 0 : i32
      %dma_wait3A_154 = tpu.memref_slice %arg4[%dma_wait3A_152, %dma_wait3A_153] : memref<10240x16xf32, #tpu.memory_space<hbm>> -> memref<10240x16xf32, #tpu.memory_space<hbm>>
      tpu.wait_indirect_dma semaphore(%arg28 : memref<!tpu.dma_semaphore, #tpu.memory_space<semaphore_mem>>) src(%dma_wait3A_154 : memref<10240x16xf32, #tpu.memory_space<hbm>>) dst(%arg13 : memref<125x16xf32, #tpu.memory_space<vmem>>)
      %dma_wait3A_155 = arith.constant 0 : i32
      %dma_wait3A_156 = tpu.memref_slice %arg11[%add3A_148, %dma_wait3A_155] : memref<80x125xi32, #tpu.memory_space<vmem>> -> memref<1x125xi32, #tpu.memory_space<vmem>>
      %dma_wait3A_157 = tpu.memref_squeeze %dma_wait3A_156 : memref<1x125xi32, #tpu.memory_space<vmem>> -> memref<125xi32, #tpu.memory_space<vmem>>
      %dma_wait3A_158 = arith.constant 0 : i32
      %dma_wait3A_159 = arith.constant 0 : i32
      %dma_wait3A_160 = tpu.memref_slice %arg5[%dma_wait3A_158, %dma_wait3A_159] : memref<10240x16xf32, #tpu.memory_space<hbm>> -> memref<10240x16xf32, #tpu.memory_space<hbm>>
      tpu.wait_indirect_dma semaphore(%arg28 : memref<!tpu.dma_semaphore, #tpu.memory_space<semaphore_mem>>) src(%dma_wait3A_160 : memref<10240x16xf32, #tpu.memory_space<hbm>>) dst(%arg15 : memref<125x16xf32, #tpu.memory_space<vmem>>)
      %dma_wait3A_161 = arith.constant 0 : i32
      %dma_wait3A_162 = tpu.memref_slice %arg10[%add3A_148, %dma_wait3A_161] : memref<80x125xi32, #tpu.memory_space<vmem>> -> memref<1x125xi32, #tpu.memory_space<vmem>>
      %dma_wait3A_163 = tpu.memref_squeeze %dma_wait3A_162 : memref<1x125xi32, #tpu.memory_space<vmem>> -> memref<125xi32, #tpu.memory_space<vmem>>
      %dma_wait3A_164 = arith.constant 0 : i32
      %dma_wait3A_165 = arith.constant 0 : i32
      %dma_wait3A_166 = tpu.memref_slice %arg7[%dma_wait3A_164, %dma_wait3A_165] : memref<10240x64xf32, #tpu.memory_space<hbm>> -> memref<10240x64xf32, #tpu.memory_space<hbm>>
      tpu.wait_indirect_dma semaphore(%arg28 : memref<!tpu.dma_semaphore, #tpu.memory_space<semaphore_mem>>) src(%dma_wait3A_166 : memref<10240x64xf32, #tpu.memory_space<hbm>>) dst(%arg17 : memref<125x64xf32, #tpu.memory_space<vmem>>)
      %ge3A_167 = arith.constant 2 : i32
      %ge3A_168 = arith.cmpi sge, %add3A_148, %ge3A_167 : i32
      %convert_element_type3A_169 = arith.extui %ge3A_168 : i1 to i32
      %cond3A_170 = arith.constant 0 : i32
      %cond3A_171 = arith.cmpi ne, %convert_element_type3A_169, %cond3A_170 : i32
      scf.if %cond3A_171 {
        %sub3A = arith.constant 2 : i32
        %sub3A_196 = arith.subi %add3A_148, %sub3A : i32
        %dma_wait3A_197 = arith.constant 0 : i32
        %dma_wait3A_198 = tpu.memref_slice %arg11[%sub3A_196, %dma_wait3A_197] : memref<80x125xi32, #tpu.memory_space<vmem>> -> memref<1x125xi32, #tpu.memory_space<vmem>>
        %dma_wait3A_199 = tpu.memref_squeeze %dma_wait3A_198 : memref<1x125xi32, #tpu.memory_space<vmem>> -> memref<125xi32, #tpu.memory_space<vmem>>
        %dma_wait3A_200 = arith.constant 0 : i32
        %dma_wait3A_201 = arith.constant 0 : i32
        %dma_wait3A_202 = tpu.memref_slice %arg25[%dma_wait3A_200, %dma_wait3A_201] : memref<10240x16xf32, #tpu.memory_space<vmem_shared>> -> memref<10240x16xf32, #tpu.memory_space<vmem_shared>>
        tpu.wait_indirect_dma semaphore(%arg30 : memref<!tpu.dma_semaphore, #tpu.memory_space<semaphore_mem>>) src(%arg19 : memref<125x16xf32, #tpu.memory_space<vmem>>) dst(%dma_wait3A_202 : memref<10240x16xf32, #tpu.memory_space<vmem_shared>>)
        %dma_wait3A_203 = arith.constant 0 : i32
        %dma_wait3A_204 = tpu.memref_slice %arg11[%sub3A_196, %dma_wait3A_203] : memref<80x125xi32, #tpu.memory_space<vmem>> -> memref<1x125xi32, #tpu.memory_space<vmem>>
        %dma_wait3A_205 = tpu.memref_squeeze %dma_wait3A_204 : memref<1x125xi32, #tpu.memory_space<vmem>> -> memref<125xi32, #tpu.memory_space<vmem>>
        %dma_wait3A_206 = arith.constant 0 : i32
        %dma_wait3A_207 = arith.constant 0 : i32
        %dma_wait3A_208 = tpu.memref_slice %arg26[%dma_wait3A_206, %dma_wait3A_207] : memref<10240x64xf32, #tpu.memory_space<vmem_shared>> -> memref<10240x64xf32, #tpu.memory_space<vmem_shared>>
        tpu.wait_indirect_dma semaphore(%arg30 : memref<!tpu.dma_semaphore, #tpu.memory_space<semaphore_mem>>) src(%arg21 : memref<125x64xf32, #tpu.memory_space<vmem>>) dst(%dma_wait3A_208 : memref<10240x64xf32, #tpu.memory_space<vmem_shared>>)
      } else {
      }
      %scan3A_172 = arith.constant 0 : i32
      %scan3A_173 = arith.constant 125 : i32
      %scan3A_174 = arith.addi %scan3A_172, %scan3A_173 : i32
      %scan3A_175 = arith.constant 1 : i32
      scf.for %scan3A_196 = %scan3A_172 to %scan3A_174 step %scan3A_175  : i32 {
        %mul3A_197 = arith.constant 1 : i32
        %mul3A_198 = arith.muli %scan3A_196, %mul3A_197 : i32
        %add3A_199 = arith.constant 0 : i32
        %add3A_200 = arith.addi %add3A_199, %mul3A_198 : i32
        %get3A_201 = arith.index_cast %add3A_200 : i32 to index
        %get3A_202 = arith.constant 0 : index
        %get3A_203 = tpu.vector_load %arg13[%get3A_201, %get3A_202] {strides = array<i32>} : memref<125x16xf32, #tpu.memory_space<vmem>>, vector<1x16xf32>,
        %get3A_204 = vector.shape_cast %get3A_203 : vector<1x16xf32> to vector<16xf32>
        %get3A_205 = arith.index_cast %add3A_200 : i32 to index
        %get3A_206 = arith.constant 0 : index
        %get3A_207 = tpu.vector_load %arg15[%get3A_205, %get3A_206] {strides = array<i32>} : memref<125x16xf32, #tpu.memory_space<vmem>>, vector<1x16xf32>,
        %get3A_208 = vector.shape_cast %get3A_207 : vector<1x16xf32> to vector<16xf32>
        %add3A_209 = arith.addf %get3A_204, %get3A_208 : vector<16xf32>
        %ge3A_210 = arith.constant 0.000000e+00 : f32
        %ge3A_211 = vector.broadcast %ge3A_210 : f32 to vector<16xf32>
        %ge3A_212 = arith.cmpf oge, %add3A_209, %ge3A_211 : vector<16xf32>
        %mul3A_213 = arith.constant 2.000000e-01 : f32
        %mul3A_214 = vector.broadcast %mul3A_213 : f32 to vector<16xf32>
        %mul3A_215 = arith.mulf %mul3A_214, %add3A_209 : vector<16xf32>
        %select_n3A = arith.select %ge3A_212, %add3A_209, %mul3A_215 : vector<16xi1>, vector<16xf32>
        %sub3A = arith.subf %select_n3A, %get3A_13 : vector<16xf32>
        %exp3A = math.exp %sub3A : vector<16xf32>
        %swap3A = arith.index_cast %add3A_200 : i32 to index
        %swap3A_216 = arith.constant 0 : index
        %swap3A_217 = tpu.vector_load %arg19[%swap3A, %swap3A_216] {strides = array<i32>} : memref<125x16xf32, #tpu.memory_space<vmem>>, vector<1x16xf32>,
        %swap3A_218 = vector.shape_cast %swap3A_217 : vector<1x16xf32> to vector<16xf32>
        %swap3A_219 = vector.shape_cast %exp3A : vector<16xf32> to vector<1x16xf32>
        tpu.vector_store %arg19[%swap3A, %swap3A_216], %swap3A_219 {strides = array<i32>} : memref<125x16xf32, #tpu.memory_space<vmem>>, vector<1x16xf32>,
        %gather3A = vector.shape_cast %reshape3A : vector<16x1xi32> to vector<16xi32>
        %gather3A_220 = tpu.dynamic_gather %exp3A[%gather3A] in [0] : vector<16xf32>, vector<16xi32> -> vector<16xf32>
        %get3A_221 = arith.index_cast %add3A_200 : i32 to index
        %get3A_222 = arith.constant 0 : index
        %get3A_223 = tpu.vector_load %arg17[%get3A_221, %get3A_222] {strides = array<i32>} : memref<125x64xf32, #tpu.memory_space<vmem>>, vector<1x16xf32>,
        %get3A_224 = vector.shape_cast %get3A_223 : vector<1x16xf32> to vector<16xf32>
        %mul3A_225 = arith.mulf %get3A_224, %gather3A_220 : vector<16xf32>
        %swap3A_226 = arith.index_cast %add3A_200 : i32 to index
        %swap3A_227 = arith.constant 0 : index
        %swap3A_228 = tpu.vector_load %arg21[%swap3A_226, %swap3A_227] {strides = array<i32>} : memref<125x64xf32, #tpu.memory_space<vmem>>, vector<1x16xf32>,
        %swap3A_229 = vector.shape_cast %swap3A_228 : vector<1x16xf32> to vector<16xf32>
        %swap3A_230 = vector.shape_cast %mul3A_225 : vector<16xf32> to vector<1x16xf32>
        tpu.vector_store %arg21[%swap3A_226, %swap3A_227], %swap3A_230 {strides = array<i32>} : memref<125x64xf32, #tpu.memory_space<vmem>>, vector<1x16xf32>,
        %get3A_231 = arith.index_cast %add3A_200 : i32 to index
        %get3A_232 = arith.constant 16 : index
        %get3A_233 = tpu.vector_load %arg17[%get3A_231, %get3A_232] {strides = array<i32>} : memref<125x64xf32, #tpu.memory_space<vmem>>, vector<1x16xf32>,
        %get3A_234 = vector.shape_cast %get3A_233 : vector<1x16xf32> to vector<16xf32>
        %mul3A_235 = arith.mulf %get3A_234, %gather3A_220 : vector<16xf32>
        %swap3A_236 = arith.index_cast %add3A_200 : i32 to index
        %swap3A_237 = arith.constant 16 : index
        %swap3A_238 = tpu.vector_load %arg21[%swap3A_236, %swap3A_237] {strides = array<i32>} : memref<125x64xf32, #tpu.memory_space<vmem>>, vector<1x16xf32>,
        %swap3A_239 = vector.shape_cast %swap3A_238 : vector<1x16xf32> to vector<16xf32>
        %swap3A_240 = vector.shape_cast %mul3A_235 : vector<16xf32> to vector<1x16xf32>
        tpu.vector_store %arg21[%swap3A_236, %swap3A_237], %swap3A_240 {strides = array<i32>} : memref<125x64xf32, #tpu.memory_space<vmem>>, vector<1x16xf32>,
        %get3A_241 = arith.index_cast %add3A_200 : i32 to index
        %get3A_242 = arith.constant 32 : index
        %get3A_243 = tpu.vector_load %arg17[%get3A_241, %get3A_242] {strides = array<i32>} : memref<125x64xf32, #tpu.memory_space<vmem>>, vector<1x16xf32>,
        %get3A_244 = vector.shape_cast %get3A_243 : vector<1x16xf32> to vector<16xf32>
        %mul3A_245 = arith.mulf %get3A_244, %gather3A_220 : vector<16xf32>
        %swap3A_246 = arith.index_cast %add3A_200 : i32 to index
        %swap3A_247 = arith.constant 32 : index
        %swap3A_248 = tpu.vector_load %arg21[%swap3A_246, %swap3A_247] {strides = array<i32>} : memref<125x64xf32, #tpu.memory_space<vmem>>, vector<1x16xf32>,
        %swap3A_249 = vector.shape_cast %swap3A_248 : vector<1x16xf32> to vector<16xf32>
        %swap3A_250 = vector.shape_cast %mul3A_245 : vector<16xf32> to vector<1x16xf32>
        tpu.vector_store %arg21[%swap3A_246, %swap3A_247], %swap3A_250 {strides = array<i32>} : memref<125x64xf32, #tpu.memory_space<vmem>>, vector<1x16xf32>,
        %get3A_251 = arith.index_cast %add3A_200 : i32 to index
        %get3A_252 = arith.constant 48 : index
        %get3A_253 = tpu.vector_load %arg17[%get3A_251, %get3A_252] {strides = array<i32>} : memref<125x64xf32, #tpu.memory_space<vmem>>, vector<1x16xf32>,
        %get3A_254 = vector.shape_cast %get3A_253 : vector<1x16xf32> to vector<16xf32>
        %mul3A_255 = arith.mulf %get3A_254, %gather3A_220 : vector<16xf32>
        %swap3A_256 = arith.index_cast %add3A_200 : i32 to index
        %swap3A_257 = arith.constant 48 : index
        %swap3A_258 = tpu.vector_load %arg21[%swap3A_256, %swap3A_257] {strides = array<i32>} : memref<125x64xf32, #tpu.memory_space<vmem>>, vector<1x16xf32>,
        %swap3A_259 = vector.shape_cast %swap3A_258 : vector<1x16xf32> to vector<16xf32>
        %swap3A_260 = vector.shape_cast %mul3A_255 : vector<16xf32> to vector<1x16xf32>
        tpu.vector_store %arg21[%swap3A_256, %swap3A_257], %swap3A_260 {strides = array<i32>} : memref<125x64xf32, #tpu.memory_space<vmem>>, vector<1x16xf32>,
      }
      %scan3A_176 = arith.constant 125 : i32
      %dma_start3A_177 = arith.constant 0 : i32
      %dma_start3A_178 = tpu.memref_slice %arg11[%add3A_148, %dma_start3A_177] : memref<80x125xi32, #tpu.memory_space<vmem>> -> memref<1x125xi32, #tpu.memory_space<vmem>>
      %dma_start3A_179 = tpu.memref_squeeze %dma_start3A_178 : memref<1x125xi32, #tpu.memory_space<vmem>> -> memref<125xi32, #tpu.memory_space<vmem>>
      %dma_start3A_180 = arith.constant 0 : i32
      %dma_start3A_181 = arith.constant 0 : i32
      %dma_start3A_182 = tpu.memref_slice %arg25[%dma_start3A_180, %dma_start3A_181] : memref<10240x16xf32, #tpu.memory_space<vmem_shared>> -> memref<10240x16xf32, #tpu.memory_space<vmem_shared>>
      tpu.enqueue_indirect_dma source(%arg19 : memref<125x16xf32, #tpu.memory_space<vmem>>) target(%dma_start3A_182 : memref<10240x16xf32, #tpu.memory_space<vmem_shared>>) offsets(%dma_start3A_179 : memref<125xi32, #tpu.memory_space<vmem>>) semaphore(%arg30 : memref<!tpu.dma_semaphore, #tpu.memory_space<semaphore_mem>>) {add = true}
      %dma_start3A_183 = arith.constant 0 : i32
      %dma_start3A_184 = tpu.memref_slice %arg11[%add3A_148, %dma_start3A_183] : memref<80x125xi32, #tpu.memory_space<vmem>> -> memref<1x125xi32, #tpu.memory_space<vmem>>
      %dma_start3A_185 = tpu.memref_squeeze %dma_start3A_184 : memref<1x125xi32, #tpu.memory_space<vmem>> -> memref<125xi32, #tpu.memory_space<vmem>>
      %dma_start3A_186 = arith.constant 0 : i32
      %dma_start3A_187 = arith.constant 0 : i32
      %dma_start3A_188 = tpu.memref_slice %arg26[%dma_start3A_186, %dma_start3A_187] : memref<10240x64xf32, #tpu.memory_space<vmem_shared>> -> memref<10240x64xf32, #tpu.memory_space<vmem_shared>>
      tpu.enqueue_indirect_dma source(%arg21 : memref<125x64xf32, #tpu.memory_space<vmem>>) target(%dma_start3A_188 : memref<10240x64xf32, #tpu.memory_space<vmem_shared>>) offsets(%dma_start3A_185 : memref<125xi32, #tpu.memory_space<vmem>>) semaphore(%arg30 : memref<!tpu.dma_semaphore, #tpu.memory_space<semaphore_mem>>) {add = true}
      %add3A_189 = arith.constant 2 : i32
      %add3A_190 = arith.addi %add3A_148, %add3A_189 : i32
      %lt3A_191 = arith.constant 80 : i32
      %lt3A_192 = arith.cmpi slt, %add3A_190, %lt3A_191 : i32
      %convert_element_type3A_193 = arith.extui %lt3A_192 : i1 to i32
      %cond3A_194 = arith.constant 0 : i32
      %cond3A_195 = arith.cmpi ne, %convert_element_type3A_193, %cond3A_194 : i32
      scf.if %cond3A_195 {
        %add3A_196 = arith.constant 2 : i32
        %add3A_197 = arith.addi %add3A_148, %add3A_196 : i32
        %dma_start3A_198 = arith.constant 0 : i32
        %dma_start3A_199 = tpu.memref_slice %arg10[%add3A_197, %dma_start3A_198] : memref<80x125xi32, #tpu.memory_space<vmem>> -> memref<1x125xi32, #tpu.memory_space<vmem>>
        %dma_start3A_200 = tpu.memref_squeeze %dma_start3A_199 : memref<1x125xi32, #tpu.memory_space<vmem>> -> memref<125xi32, #tpu.memory_space<vmem>>
        %dma_start3A_201 = arith.constant 0 : i32
        %dma_start3A_202 = arith.constant 0 : i32
        %dma_start3A_203 = tpu.memref_slice %arg4[%dma_start3A_201, %dma_start3A_202] : memref<10240x16xf32, #tpu.memory_space<hbm>> -> memref<10240x16xf32, #tpu.memory_space<hbm>>
        tpu.enqueue_indirect_dma source(%dma_start3A_203 : memref<10240x16xf32, #tpu.memory_space<hbm>>) target(%arg13 : memref<125x16xf32, #tpu.memory_space<vmem>>) offsets(%dma_start3A_200 : memref<125xi32, #tpu.memory_space<vmem>>) semaphore(%arg28 : memref<!tpu.dma_semaphore, #tpu.memory_space<semaphore_mem>>)
        %dma_start3A_204 = arith.constant 0 : i32
        %dma_start3A_205 = tpu.memref_slice %arg11[%add3A_197, %dma_start3A_204] : memref<80x125xi32, #tpu.memory_space<vmem>> -> memref<1x125xi32, #tpu.memory_space<vmem>>
        %dma_start3A_206 = tpu.memref_squeeze %dma_start3A_205 : memref<1x125xi32, #tpu.memory_space<vmem>> -> memref<125xi32, #tpu.memory_space<vmem>>
        %dma_start3A_207 = arith.constant 0 : i32
        %dma_start3A_208 = arith.constant 0 : i32
        %dma_start3A_209 = tpu.memref_slice %arg5[%dma_start3A_207, %dma_start3A_208] : memref<10240x16xf32, #tpu.memory_space<hbm>> -> memref<10240x16xf32, #tpu.memory_space<hbm>>
        tpu.enqueue_indirect_dma source(%dma_start3A_209 : memref<10240x16xf32, #tpu.memory_space<hbm>>) target(%arg15 : memref<125x16xf32, #tpu.memory_space<vmem>>) offsets(%dma_start3A_206 : memref<125xi32, #tpu.memory_space<vmem>>) semaphore(%arg28 : memref<!tpu.dma_semaphore, #tpu.memory_space<semaphore_mem>>)
        %dma_start3A_210 = arith.constant 0 : i32
        %dma_start3A_211 = tpu.memref_slice %arg10[%add3A_197, %dma_start3A_210] : memref<80x125xi32, #tpu.memory_space<vmem>> -> memref<1x125xi32, #tpu.memory_space<vmem>>
        %dma_start3A_212 = tpu.memref_squeeze %dma_start3A_211 : memref<1x125xi32, #tpu.memory_space<vmem>> -> memref<125xi32, #tpu.memory_space<vmem>>
        %dma_start3A_213 = arith.constant 0 : i32
        %dma_start3A_214 = arith.constant 0 : i32
        %dma_start3A_215 = tpu.memref_slice %arg7[%dma_start3A_213, %dma_start3A_214] : memref<10240x64xf32, #tpu.memory_space<hbm>> -> memref<10240x64xf32, #tpu.memory_space<hbm>>
        tpu.enqueue_indirect_dma source(%dma_start3A_215 : memref<10240x64xf32, #tpu.memory_space<hbm>>) target(%arg17 : memref<125x64xf32, #tpu.memory_space<vmem>>) offsets(%dma_start3A_212 : memref<125xi32, #tpu.memory_space<vmem>>) semaphore(%arg28 : memref<!tpu.dma_semaphore, #tpu.memory_space<semaphore_mem>>)
      } else {
      }
    }
    %scan3A_62 = arith.constant 40 : i32
    %dma_wait3A = arith.constant 78 : i32
    %dma_wait3A_63 = arith.constant 0 : i32
    %dma_wait3A_64 = tpu.memref_slice %arg11[%dma_wait3A, %dma_wait3A_63] : memref<80x125xi32, #tpu.memory_space<vmem>> -> memref<1x125xi32, #tpu.memory_space<vmem>>
    %dma_wait3A_65 = tpu.memref_squeeze %dma_wait3A_64 : memref<1x125xi32, #tpu.memory_space<vmem>> -> memref<125xi32, #tpu.memory_space<vmem>>
    %dma_wait3A_66 = arith.constant 0 : i32
    %dma_wait3A_67 = arith.constant 0 : i32
    %dma_wait3A_68 = tpu.memref_slice %arg25[%dma_wait3A_66, %dma_wait3A_67] : memref<10240x16xf32, #tpu.memory_space<vmem_shared>> -> memref<10240x16xf32, #tpu.memory_space<vmem_shared>>
    tpu.wait_indirect_dma semaphore(%arg29 : memref<!tpu.dma_semaphore, #tpu.memory_space<semaphore_mem>>) src(%arg18 : memref<125x16xf32, #tpu.memory_space<vmem>>) dst(%dma_wait3A_68 : memref<10240x16xf32, #tpu.memory_space<vmem_shared>>)
    %dma_wait3A_69 = arith.constant 78 : i32
    %dma_wait3A_70 = arith.constant 0 : i32
    %dma_wait3A_71 = tpu.memref_slice %arg11[%dma_wait3A_69, %dma_wait3A_70] : memref<80x125xi32, #tpu.memory_space<vmem>> -> memref<1x125xi32, #tpu.memory_space<vmem>>
    %dma_wait3A_72 = tpu.memref_squeeze %dma_wait3A_71 : memref<1x125xi32, #tpu.memory_space<vmem>> -> memref<125xi32, #tpu.memory_space<vmem>>
    %dma_wait3A_73 = arith.constant 0 : i32
    %dma_wait3A_74 = arith.constant 0 : i32
    %dma_wait3A_75 = tpu.memref_slice %arg26[%dma_wait3A_73, %dma_wait3A_74] : memref<10240x64xf32, #tpu.memory_space<vmem_shared>> -> memref<10240x64xf32, #tpu.memory_space<vmem_shared>>
    tpu.wait_indirect_dma semaphore(%arg29 : memref<!tpu.dma_semaphore, #tpu.memory_space<semaphore_mem>>) src(%arg20 : memref<125x64xf32, #tpu.memory_space<vmem>>) dst(%dma_wait3A_75 : memref<10240x64xf32, #tpu.memory_space<vmem_shared>>)
    %dma_wait3A_76 = arith.constant 79 : i32
    %dma_wait3A_77 = arith.constant 0 : i32
    %dma_wait3A_78 = tpu.memref_slice %arg11[%dma_wait3A_76, %dma_wait3A_77] : memref<80x125xi32, #tpu.memory_space<vmem>> -> memref<1x125xi32, #tpu.memory_space<vmem>>
    %dma_wait3A_79 = tpu.memref_squeeze %dma_wait3A_78 : memref<1x125xi32, #tpu.memory_space<vmem>> -> memref<125xi32, #tpu.memory_space<vmem>>
    %dma_wait3A_80 = arith.constant 0 : i32
    %dma_wait3A_81 = arith.constant 0 : i32
    %dma_wait3A_82 = tpu.memref_slice %arg25[%dma_wait3A_80, %dma_wait3A_81] : memref<10240x16xf32, #tpu.memory_space<vmem_shared>> -> memref<10240x16xf32, #tpu.memory_space<vmem_shared>>
    tpu.wait_indirect_dma semaphore(%arg30 : memref<!tpu.dma_semaphore, #tpu.memory_space<semaphore_mem>>) src(%arg19 : memref<125x16xf32, #tpu.memory_space<vmem>>) dst(%dma_wait3A_82 : memref<10240x16xf32, #tpu.memory_space<vmem_shared>>)
    %dma_wait3A_83 = arith.constant 79 : i32
    %dma_wait3A_84 = arith.constant 0 : i32
    %dma_wait3A_85 = tpu.memref_slice %arg11[%dma_wait3A_83, %dma_wait3A_84] : memref<80x125xi32, #tpu.memory_space<vmem>> -> memref<1x125xi32, #tpu.memory_space<vmem>>
    %dma_wait3A_86 = tpu.memref_squeeze %dma_wait3A_85 : memref<1x125xi32, #tpu.memory_space<vmem>> -> memref<125xi32, #tpu.memory_space<vmem>>
    %dma_wait3A_87 = arith.constant 0 : i32
    %dma_wait3A_88 = arith.constant 0 : i32
    %dma_wait3A_89 = tpu.memref_slice %arg26[%dma_wait3A_87, %dma_wait3A_88] : memref<10240x64xf32, #tpu.memory_space<vmem_shared>> -> memref<10240x64xf32, #tpu.memory_space<vmem_shared>>
    tpu.wait_indirect_dma semaphore(%arg30 : memref<!tpu.dma_semaphore, #tpu.memory_space<semaphore_mem>>) src(%arg21 : memref<125x64xf32, #tpu.memory_space<vmem>>) dst(%dma_wait3A_89 : memref<10240x64xf32, #tpu.memory_space<vmem_shared>>)
    %barrier3A_90 = arith.constant 0 : index
    tpu.barrier barrier_id(%barrier3A_90)
    %mul3A_91 = arith.constant 640 : i32
    %mul3A_92 = arith.muli %arg1, %mul3A_91 : i32
    "tpu.region"() ({
      %run_scoped3A = tpu.sem_alloc : memref<!tpu.dma_semaphore, #tpu.memory_space<semaphore_mem>>
      %dma_start3A_93 = arith.constant 0 : i32
      %dma_start3A_94 = arith.constant 0 : i32
      %dma_start3A_95 = tpu.memref_slice %arg8[%arg0, %dma_start3A_93, %dma_start3A_94] : memref<2x10240x16xf32, #tpu.memory_space<hbm>> -> memref<1x10240x16xf32, #tpu.memory_space<hbm>>
      %dma_start3A_96 = tpu.memref_squeeze %dma_start3A_95 : memref<1x10240x16xf32, #tpu.memory_space<hbm>> -> memref<10240x16xf32, #tpu.memory_space<hbm>>
      %dma_start3A_97 = arith.constant 0 : i32
      %dma_start3A_98 = tpu.memref_slice %dma_start3A_96[%mul3A_92, %dma_start3A_97] : memref<10240x16xf32, #tpu.memory_space<hbm>> -> memref<640x16xf32, #tpu.memory_space<hbm>>
      %dma_start3A_99 = arith.constant 0 : i32
      %dma_start3A_100 = tpu.memref_slice %arg25[%mul3A_92, %dma_start3A_99] : memref<10240x16xf32, #tpu.memory_space<vmem_shared>> -> memref<640x16xf32, #tpu.memory_space<vmem_shared>>
      tpu.enqueue_dma source(%dma_start3A_100 : memref<640x16xf32, #tpu.memory_space<vmem_shared>>) target(%dma_start3A_98 : memref<640x16xf32, #tpu.memory_space<hbm>>) target_semaphore(%run_scoped3A : memref<!tpu.dma_semaphore, #tpu.memory_space<semaphore_mem>>)
      %dma_wait3A_101 = arith.constant 0 : i32
      %dma_wait3A_102 = arith.constant 0 : i32
      %dma_wait3A_103 = tpu.memref_slice %arg8[%arg0, %dma_wait3A_101, %dma_wait3A_102] : memref<2x10240x16xf32, #tpu.memory_space<hbm>> -> memref<1x10240x16xf32, #tpu.memory_space<hbm>>
      %dma_wait3A_104 = tpu.memref_squeeze %dma_wait3A_103 : memref<1x10240x16xf32, #tpu.memory_space<hbm>> -> memref<10240x16xf32, #tpu.memory_space<hbm>>
      %dma_wait3A_105 = arith.constant 0 : i32
      %dma_wait3A_106 = tpu.memref_slice %dma_wait3A_104[%mul3A_92, %dma_wait3A_105] : memref<10240x16xf32, #tpu.memory_space<hbm>> -> memref<640x16xf32, #tpu.memory_space<hbm>>
      %dma_wait3A_107 = arith.constant 0 : i32
      %dma_wait3A_108 = tpu.memref_slice %arg25[%mul3A_92, %dma_wait3A_107] : memref<10240x16xf32, #tpu.memory_space<vmem_shared>> -> memref<640x16xf32, #tpu.memory_space<vmem_shared>>
      tpu.wait_dma2 semaphore(%run_scoped3A : memref<!tpu.dma_semaphore, #tpu.memory_space<semaphore_mem>>) src(%dma_wait3A_108 : memref<640x16xf32, #tpu.memory_space<vmem_shared>>) dst(%dma_wait3A_106 : memref<640x16xf32, #tpu.memory_space<hbm>>)
      tpu.yield
    }) : () -> ()
    "tpu.region"() ({
      %run_scoped3A = tpu.sem_alloc : memref<!tpu.dma_semaphore, #tpu.memory_space<semaphore_mem>>
      %dma_start3A_93 = arith.constant 0 : i32
      %dma_start3A_94 = arith.constant 0 : i32
      %dma_start3A_95 = tpu.memref_slice %arg9[%arg0, %dma_start3A_93, %dma_start3A_94] : memref<2x10240x64xf32, #tpu.memory_space<hbm>> -> memref<1x10240x64xf32, #tpu.memory_space<hbm>>
      %dma_start3A_96 = tpu.memref_squeeze %dma_start3A_95 : memref<1x10240x64xf32, #tpu.memory_space<hbm>> -> memref<10240x64xf32, #tpu.memory_space<hbm>>
      %dma_start3A_97 = arith.constant 0 : i32
      %dma_start3A_98 = tpu.memref_slice %dma_start3A_96[%mul3A_92, %dma_start3A_97] : memref<10240x64xf32, #tpu.memory_space<hbm>> -> memref<640x64xf32, #tpu.memory_space<hbm>>
      %dma_start3A_99 = arith.constant 0 : i32
      %dma_start3A_100 = tpu.memref_slice %arg26[%mul3A_92, %dma_start3A_99] : memref<10240x64xf32, #tpu.memory_space<vmem_shared>> -> memref<640x64xf32, #tpu.memory_space<vmem_shared>>
      tpu.enqueue_dma source(%dma_start3A_100 : memref<640x64xf32, #tpu.memory_space<vmem_shared>>) target(%dma_start3A_98 : memref<640x64xf32, #tpu.memory_space<hbm>>) target_semaphore(%run_scoped3A : memref<!tpu.dma_semaphore, #tpu.memory_space<semaphore_mem>>)
      %dma_wait3A_101 = arith.constant 0 : i32
      %dma_wait3A_102 = arith.constant 0 : i32
      %dma_wait3A_103 = tpu.memref_slice %arg9[%arg0, %dma_wait3A_101, %dma_wait3A_102] : memref<2x10240x64xf32, #tpu.memory_space<hbm>> -> memref<1x10240x64xf32, #tpu.memory_space<hbm>>
      %dma_wait3A_104 = tpu.memref_squeeze %dma_wait3A_103 : memref<1x10240x64xf32, #tpu.memory_space<hbm>> -> memref<10240x64xf32, #tpu.memory_space<hbm>>
      %dma_wait3A_105 = arith.constant 0 : i32
      %dma_wait3A_106 = tpu.memref_slice %dma_wait3A_104[%mul3A_92, %dma_wait3A_105] : memref<10240x64xf32, #tpu.memory_space<hbm>> -> memref<640x64xf32, #tpu.memory_space<hbm>>
      %dma_wait3A_107 = arith.constant 0 : i32
      %dma_wait3A_108 = tpu.memref_slice %arg26[%mul3A_92, %dma_wait3A_107] : memref<10240x64xf32, #tpu.memory_space<vmem_shared>> -> memref<640x64xf32, #tpu.memory_space<vmem_shared>>
      tpu.wait_dma2 semaphore(%run_scoped3A : memref<!tpu.dma_semaphore, #tpu.memory_space<semaphore_mem>>) src(%dma_wait3A_108 : memref<640x64xf32, #tpu.memory_space<vmem_shared>>) dst(%dma_wait3A_106 : memref<640x64xf32, #tpu.memory_space<hbm>>)
      tpu.yield
    }) : () -> ()
    return
  }
}

#map = affine_map<(d0, d1) -> (0, 0)>
#map1 = affine_map<(d0, d1) -> (0)>
#map2 = affine_map<(d0, d1) -> (0, 0, 0)>
module attributes {stable_mosaic.version = 14 : i64} {
  func.func @k(%arg0: i32, %arg1: i32, %arg2: memref<2560x125xi32, #tpu.memory_space<hbm>>, %arg3: memref<2560x125xi32, #tpu.memory_space<hbm>>, %arg4: memref<10000x16xf32, #tpu.memory_space<hbm>>, %arg5: memref<10000x16xf32, #tpu.memory_space<hbm>>, %arg6: memref<16xf32, #tpu.memory_space<hbm>>, %arg7: memref<10000x64xf32, #tpu.memory_space<hbm>>, %arg8: memref<2x10240x16xf32, #tpu.memory_space<hbm>>, %arg9: memref<2x10240x64xf32, #tpu.memory_space<hbm>>, %arg10: memref<80x125xi32, #tpu.memory_space<vmem>>, %arg11: memref<80x125xi32, #tpu.memory_space<vmem>>, %arg12: memref<125x16xf32, #tpu.memory_space<vmem>>, %arg13: memref<125x16xf32, #tpu.memory_space<vmem>>, %arg14: memref<125x16xf32, #tpu.memory_space<vmem>>, %arg15: memref<125x16xf32, #tpu.memory_space<vmem>>, %arg16: memref<125x64xf32, #tpu.memory_space<vmem>>, %arg17: memref<125x64xf32, #tpu.memory_space<vmem>>, %arg18: memref<125x16xf32, #tpu.memory_space<vmem>>, %arg19: memref<125x16xf32, #tpu.memory_space<vmem>>, %arg20: memref<125x64xf32, #tpu.memory_space<vmem>>, %arg21: memref<125x64xf32, #tpu.memory_space<vmem>>, %arg22: memref<16xf32, #tpu.memory_space<vmem>>, %arg23: memref<128x16xf32, #tpu.memory_space<vmem>>, %arg24: memref<128x64xf32, #tpu.memory_space<vmem>>, %arg25: memref<10240x16xf32, #tpu.memory_space<vmem_shared>>, %arg26: memref<10240x64xf32, #tpu.memory_space<vmem_shared>>, %arg27: memref<!tpu.dma_semaphore, #tpu.memory_space<semaphore_mem>>, %arg28: memref<!tpu.dma_semaphore, #tpu.memory_space<semaphore_mem>>, %arg29: memref<!tpu.dma_semaphore, #tpu.memory_space<semaphore_mem>>, %arg30: memref<!tpu.dma_semaphore, #tpu.memory_space<semaphore_mem>>) attributes {dimension_semantics = [#tpu.dimension_semantics<core_parallel>, #tpu.dimension_semantics<subcore_parallel>], iteration_bounds = array<i64: 2, 16>, scalar_prefetch = 0 : i64, scratch_operands = 21 : i64, tpu.core_type = #tpu.core_type<sc_vector_subcore>, window_params = [{transform_indices = #map}, {transform_indices = #map}, {transform_indices = #map}, {transform_indices = #map}, {transform_indices = #map1}, {transform_indices = #map}, {transform_indices = #map2}, {transform_indices = #map2}]} {
    %scan3A = arith.constant 0 : i32
    %scan3A_0 = arith.constant 128 : i32
    %scan3A_1 = arith.addi %scan3A, %scan3A_0 : i32
    %scan3A_2 = arith.constant 1 : i32
    scf.for %scan3A_105 = %scan3A to %scan3A_1 step %scan3A_2  : i32 {
      %mul3A_106 = arith.constant 1 : i32
      %mul3A_107 = arith.muli %scan3A_105, %mul3A_106 : i32
      %add3A_108 = arith.constant 0 : i32
      %add3A_109 = arith.addi %add3A_108, %mul3A_107 : i32
      %broadcast_in_dim3A = arith.constant 0.000000e+00 : f32
      %broadcast_in_dim3A_110 = vector.broadcast %broadcast_in_dim3A : f32 to vector<16xf32>
      %swap3A = arith.index_cast %add3A_109 : i32 to index
      %swap3A_111 = arith.constant 0 : index
      %swap3A_112 = tpu.vector_load %arg23[%swap3A, %swap3A_111] {strides = array<i32>} : memref<128x16xf32, #tpu.memory_space<vmem>>, vector<1x16xf32>,
      %swap3A_113 = vector.shape_cast %swap3A_112 : vector<1x16xf32> to vector<16xf32>
      %swap3A_114 = vector.shape_cast %broadcast_in_dim3A_110 : vector<16xf32> to vector<1x16xf32>
      tpu.vector_store %arg23[%swap3A, %swap3A_111], %swap3A_114 {strides = array<i32>} : memref<128x16xf32, #tpu.memory_space<vmem>>, vector<1x16xf32>,
      %broadcast_in_dim3A_115 = arith.constant 0.000000e+00 : f32
      %broadcast_in_dim3A_116 = vector.broadcast %broadcast_in_dim3A_115 : f32 to vector<16xf32>
      %swap3A_117 = arith.index_cast %add3A_109 : i32 to index
      %swap3A_118 = arith.constant 0 : index
      %swap3A_119 = tpu.vector_load %arg24[%swap3A_117, %swap3A_118] {strides = array<i32>} : memref<128x64xf32, #tpu.memory_space<vmem>>, vector<1x16xf32>,
      %swap3A_120 = vector.shape_cast %swap3A_119 : vector<1x16xf32> to vector<16xf32>
      %swap3A_121 = vector.shape_cast %broadcast_in_dim3A_116 : vector<16xf32> to vector<1x16xf32>
      tpu.vector_store %arg24[%swap3A_117, %swap3A_118], %swap3A_121 {strides = array<i32>} : memref<128x64xf32, #tpu.memory_space<vmem>>, vector<1x16xf32>,
      %broadcast_in_dim3A_122 = arith.constant 0.000000e+00 : f32
      %broadcast_in_dim3A_123 = vector.broadcast %broadcast_in_dim3A_122 : f32 to vector<16xf32>
      %swap3A_124 = arith.index_cast %add3A_109 : i32 to index
      %swap3A_125 = arith.constant 16 : index
      %swap3A_126 = tpu.vector_load %arg24[%swap3A_124, %swap3A_125] {strides = array<i32>} : memref<128x64xf32, #tpu.memory_space<vmem>>, vector<1x16xf32>,
      %swap3A_127 = vector.shape_cast %swap3A_126 : vector<1x16xf32> to vector<16xf32>
      %swap3A_128 = vector.shape_cast %broadcast_in_dim3A_123 : vector<16xf32> to vector<1x16xf32>
      tpu.vector_store %arg24[%swap3A_124, %swap3A_125], %swap3A_128 {strides = array<i32>} : memref<128x64xf32, #tpu.memory_space<vmem>>, vector<1x16xf32>,
      %broadcast_in_dim3A_129 = arith.constant 0.000000e+00 : f32
      %broadcast_in_dim3A_130 = vector.broadcast %broadcast_in_dim3A_129 : f32 to vector<16xf32>
      %swap3A_131 = arith.index_cast %add3A_109 : i32 to index
      %swap3A_132 = arith.constant 32 : index
      %swap3A_133 = tpu.vector_load %arg24[%swap3A_131, %swap3A_132] {strides = array<i32>} : memref<128x64xf32, #tpu.memory_space<vmem>>, vector<1x16xf32>,
      %swap3A_134 = vector.shape_cast %swap3A_133 : vector<1x16xf32> to vector<16xf32>
      %swap3A_135 = vector.shape_cast %broadcast_in_dim3A_130 : vector<16xf32> to vector<1x16xf32>
      tpu.vector_store %arg24[%swap3A_131, %swap3A_132], %swap3A_135 {strides = array<i32>} : memref<128x64xf32, #tpu.memory_space<vmem>>, vector<1x16xf32>,
      %broadcast_in_dim3A_136 = arith.constant 0.000000e+00 : f32
      %broadcast_in_dim3A_137 = vector.broadcast %broadcast_in_dim3A_136 : f32 to vector<16xf32>
      %swap3A_138 = arith.index_cast %add3A_109 : i32 to index
      %swap3A_139 = arith.constant 48 : index
      %swap3A_140 = tpu.vector_load %arg24[%swap3A_138, %swap3A_139] {strides = array<i32>} : memref<128x64xf32, #tpu.memory_space<vmem>>, vector<1x16xf32>,
      %swap3A_141 = vector.shape_cast %swap3A_140 : vector<1x16xf32> to vector<16xf32>
      %swap3A_142 = vector.shape_cast %broadcast_in_dim3A_137 : vector<16xf32> to vector<1x16xf32>
      tpu.vector_store %arg24[%swap3A_138, %swap3A_139], %swap3A_142 {strides = array<i32>} : memref<128x64xf32, #tpu.memory_space<vmem>>, vector<1x16xf32>,
    }
    %scan3A_3 = arith.constant 128 : i32
    %scan3A_4 = arith.constant 0 : i32
    %scan3A_5 = arith.constant 5 : i32
    %scan3A_6 = arith.addi %scan3A_4, %scan3A_5 : i32
    %scan3A_7 = arith.constant 1 : i32
    scf.for %scan3A_105 = %scan3A_4 to %scan3A_6 step %scan3A_7  : i32 {
      %mul3A_106 = arith.constant 1 : i32
      %mul3A_107 = arith.muli %scan3A_105, %mul3A_106 : i32
      %add3A_108 = arith.constant 0 : i32
      %add3A_109 = arith.addi %add3A_108, %mul3A_107 : i32
      %mul3A_110 = arith.constant 640 : i32
      %mul3A_111 = arith.muli %arg1, %mul3A_110 : i32
      %mul3A_112 = arith.constant 128 : i32
      %mul3A_113 = arith.muli %add3A_109, %mul3A_112 : i32
      %add3A_114 = arith.addi %mul3A_111, %mul3A_113 : i32
      "tpu.region"() ({
        %run_scoped3A = tpu.sem_alloc : memref<!tpu.dma_semaphore, #tpu.memory_space<semaphore_mem>>
        %dma_start3A_120 = arith.constant 0 : i32
        %dma_start3A_121 = tpu.memref_slice %arg25[%add3A_114, %dma_start3A_120] : memref<10240x16xf32, #tpu.memory_space<vmem_shared>> -> memref<128x16xf32, #tpu.memory_space<vmem_shared>>
        %dma_start3A_122 = arith.constant 0 : i32
        %dma_start3A_123 = tpu.memref_slice %arg25[%add3A_114, %dma_start3A_122] : memref<10240x16xf32, #tpu.memory_space<vmem_shared>> -> memref<128x16xf32, #tpu.memory_space<vmem_shared>>
        tpu.enqueue_dma source(%arg23 : memref<128x16xf32, #tpu.memory_space<vmem>>) target(%dma_start3A_123 : memref<128x16xf32, #tpu.memory_space<vmem_shared>>) target_semaphore(%run_scoped3A : memref<!tpu.dma_semaphore, #tpu.memory_space<semaphore_mem>>)
        %dma_wait3A_124 = arith.constant 0 : i32
        %dma_wait3A_125 = tpu.memref_slice %arg25[%add3A_114, %dma_wait3A_124] : memref<10240x16xf32, #tpu.memory_space<vmem_shared>> -> memref<128x16xf32, #tpu.memory_space<vmem_shared>>
        %dma_wait3A_126 = arith.constant 0 : i32
        %dma_wait3A_127 = tpu.memref_slice %arg25[%add3A_114, %dma_wait3A_126] : memref<10240x16xf32, #tpu.memory_space<vmem_shared>> -> memref<128x16xf32, #tpu.memory_space<vmem_shared>>
        tpu.wait_dma2 semaphore(%run_scoped3A : memref<!tpu.dma_semaphore, #tpu.memory_space<semaphore_mem>>) src(%arg23 : memref<128x16xf32, #tpu.memory_space<vmem>>) dst(%dma_wait3A_127 : memref<128x16xf32, #tpu.memory_space<vmem_shared>>)
        tpu.yield
      }) : () -> ()
      %mul3A_115 = arith.constant 640 : i32
      %mul3A_116 = arith.muli %arg1, %mul3A_115 : i32
      %mul3A_117 = arith.constant 128 : i32
      %mul3A_118 = arith.muli %add3A_109, %mul3A_117 : i32
      %add3A_119 = arith.addi %mul3A_116, %mul3A_118 : i32
      "tpu.region"() ({
        %run_scoped3A = tpu.sem_alloc : memref<!tpu.dma_semaphore, #tpu.memory_space<semaphore_mem>>
        %dma_start3A_120 = arith.constant 0 : i32
        %dma_start3A_121 = tpu.memref_slice %arg26[%add3A_119, %dma_start3A_120] : memref<10240x64xf32, #tpu.memory_space<vmem_shared>> -> memref<128x64xf32, #tpu.memory_space<vmem_shared>>
        %dma_start3A_122 = arith.constant 0 : i32
        %dma_start3A_123 = tpu.memref_slice %arg26[%add3A_119, %dma_start3A_122] : memref<10240x64xf32, #tpu.memory_space<vmem_shared>> -> memref<128x64xf32, #tpu.memory_space<vmem_shared>>
        tpu.enqueue_dma source(%arg24 : memref<128x64xf32, #tpu.memory_space<vmem>>) target(%dma_start3A_123 : memref<128x64xf32, #tpu.memory_space<vmem_shared>>) target_semaphore(%run_scoped3A : memref<!tpu.dma_semaphore, #tpu.memory_space<semaphore_mem>>)
        %dma_wait3A_124 = arith.constant 0 : i32
        %dma_wait3A_125 = tpu.memref_slice %arg26[%add3A_119, %dma_wait3A_124] : memref<10240x64xf32, #tpu.memory_space<vmem_shared>> -> memref<128x64xf32, #tpu.memory_space<vmem_shared>>
        %dma_wait3A_126 = arith.constant 0 : i32
        %dma_wait3A_127 = tpu.memref_slice %arg26[%add3A_119, %dma_wait3A_126] : memref<10240x64xf32, #tpu.memory_space<vmem_shared>> -> memref<128x64xf32, #tpu.memory_space<vmem_shared>>
        tpu.wait_dma2 semaphore(%run_scoped3A : memref<!tpu.dma_semaphore, #tpu.memory_space<semaphore_mem>>) src(%arg24 : memref<128x64xf32, #tpu.memory_space<vmem>>) dst(%dma_wait3A_127 : memref<128x64xf32, #tpu.memory_space<vmem_shared>>)
        tpu.yield
      }) : () -> ()
    }
    %scan3A_8 = arith.constant 5 : i32
    %mul3A = arith.constant 16 : i32
    %mul3A_9 = arith.muli %arg0, %mul3A : i32
    %add3A = arith.addi %mul3A_9, %arg1 : i32
    %mul3A_10 = arith.constant 80 : i32
    %mul3A_11 = arith.muli %add3A, %mul3A_10 : i32
    "tpu.region"() ({
      %run_scoped3A = tpu.sem_alloc : memref<!tpu.dma_semaphore, #tpu.memory_space<semaphore_mem>>
      %dma_start3A_105 = arith.constant 0 : i32
      %dma_start3A_106 = tpu.memref_slice %arg2[%mul3A_11, %dma_start3A_105] : memref<2560x125xi32, #tpu.memory_space<hbm>> -> memref<80x125xi32, #tpu.memory_space<hbm>>
      %dma_start3A_107 = arith.constant 0 : i32
      %dma_start3A_108 = tpu.memref_slice %arg2[%mul3A_11, %dma_start3A_107] : memref<2560x125xi32, #tpu.memory_space<hbm>> -> memref<80x125xi32, #tpu.memory_space<hbm>>
      tpu.enqueue_dma source(%dma_start3A_108 : memref<80x125xi32, #tpu.memory_space<hbm>>) target(%arg10 : memref<80x125xi32, #tpu.memory_space<vmem>>) target_semaphore(%run_scoped3A : memref<!tpu.dma_semaphore, #tpu.memory_space<semaphore_mem>>)
      %dma_wait3A_109 = arith.constant 0 : i32
      %dma_wait3A_110 = tpu.memref_slice %arg2[%mul3A_11, %dma_wait3A_109] : memref<2560x125xi32, #tpu.memory_space<hbm>> -> memref<80x125xi32, #tpu.memory_space<hbm>>
      %dma_wait3A_111 = arith.constant 0 : i32
      %dma_wait3A_112 = tpu.memref_slice %arg2[%mul3A_11, %dma_wait3A_111] : memref<2560x125xi32, #tpu.memory_space<hbm>> -> memref<80x125xi32, #tpu.memory_space<hbm>>
      tpu.wait_dma2 semaphore(%run_scoped3A : memref<!tpu.dma_semaphore, #tpu.memory_space<semaphore_mem>>) src(%dma_wait3A_112 : memref<80x125xi32, #tpu.memory_space<hbm>>) dst(%arg10 : memref<80x125xi32, #tpu.memory_space<vmem>>)
      tpu.yield
    }) : () -> ()
    "tpu.region"() ({
      %run_scoped3A = tpu.sem_alloc : memref<!tpu.dma_semaphore, #tpu.memory_space<semaphore_mem>>
      %dma_start3A_105 = arith.constant 0 : i32
      %dma_start3A_106 = tpu.memref_slice %arg3[%mul3A_11, %dma_start3A_105] : memref<2560x125xi32, #tpu.memory_space<hbm>> -> memref<80x125xi32, #tpu.memory_space<hbm>>
      %dma_start3A_107 = arith.constant 0 : i32
      %dma_start3A_108 = tpu.memref_slice %arg3[%mul3A_11, %dma_start3A_107] : memref<2560x125xi32, #tpu.memory_space<hbm>> -> memref<80x125xi32, #tpu.memory_space<hbm>>
      tpu.enqueue_dma source(%dma_start3A_108 : memref<80x125xi32, #tpu.memory_space<hbm>>) target(%arg11 : memref<80x125xi32, #tpu.memory_space<vmem>>) target_semaphore(%run_scoped3A : memref<!tpu.dma_semaphore, #tpu.memory_space<semaphore_mem>>)
      %dma_wait3A_109 = arith.constant 0 : i32
      %dma_wait3A_110 = tpu.memref_slice %arg3[%mul3A_11, %dma_wait3A_109] : memref<2560x125xi32, #tpu.memory_space<hbm>> -> memref<80x125xi32, #tpu.memory_space<hbm>>
      %dma_wait3A_111 = arith.constant 0 : i32
      %dma_wait3A_112 = tpu.memref_slice %arg3[%mul3A_11, %dma_wait3A_111] : memref<2560x125xi32, #tpu.memory_space<hbm>> -> memref<80x125xi32, #tpu.memory_space<hbm>>
      tpu.wait_dma2 semaphore(%run_scoped3A : memref<!tpu.dma_semaphore, #tpu.memory_space<semaphore_mem>>) src(%dma_wait3A_112 : memref<80x125xi32, #tpu.memory_space<hbm>>) dst(%arg11 : memref<80x125xi32, #tpu.memory_space<vmem>>)
      tpu.yield
    }) : () -> ()
    "tpu.region"() ({
      %run_scoped3A = tpu.sem_alloc : memref<!tpu.dma_semaphore, #tpu.memory_space<semaphore_mem>>
      tpu.enqueue_dma source(%arg6 : memref<16xf32, #tpu.memory_space<hbm>>) target(%arg22 : memref<16xf32, #tpu.memory_space<vmem>>) target_semaphore(%run_scoped3A : memref<!tpu.dma_semaphore, #tpu.memory_space<semaphore_mem>>)
      tpu.wait_dma2 semaphore(%run_scoped3A : memref<!tpu.dma_semaphore, #tpu.memory_space<semaphore_mem>>) src(%arg6 : memref<16xf32, #tpu.memory_space<hbm>>) dst(%arg22 : memref<16xf32, #tpu.memory_space<vmem>>)
      tpu.yield
    }) : () -> ()
    %barrier3A = arith.constant 0 : index
    tpu.barrier barrier_id(%barrier3A)
    %get3A = arith.constant 0 : index
    %get3A_12 = tpu.vector_load %arg22[%get3A] {strides = array<i32>} : memref<16xf32, #tpu.memory_space<vmem>>, vector<16xf32>,
    %get3A_13 = vector.shape_cast %get3A_12 : vector<16xf32> to vector<16xf32>
    %iota3A = tpu.iota {dimensions = array<i32: 0>} : vector<16xi32>
    %jit3A = arith.constant 8 : i32
    %eq3A = arith.constant 0 : i32
    %eq3A_14 = arith.cmpi eq, %jit3A, %eq3A : i32
    %jit3A_15 = arith.constant 1 : i32
    %select_n3A = arith.select %eq3A_14, %jit3A_15, %jit3A : i32
    %rem3A = vector.broadcast %select_n3A : i32 to vector<16xi32>
    %rem3A_16 = arith.remsi %iota3A, %rem3A : vector<16xi32>
    %ne3A = arith.constant 0 : i32
    %ne3A_17 = vector.broadcast %ne3A : i32 to vector<16xi32>
    %ne3A_18 = arith.cmpi ne, %rem3A_16, %ne3A_17 : vector<16xi32>
    %lt3A = arith.constant 0 : i32
    %lt3A_19 = vector.broadcast %lt3A : i32 to vector<16xi32>
    %lt3A_20 = arith.cmpi slt, %rem3A_16, %lt3A_19 : vector<16xi32>
    %lt3A_21 = arith.constant 0 : i32
    %lt3A_22 = arith.cmpi slt, %select_n3A, %lt3A_21 : i32
    %ne3A_23 = vector.broadcast %lt3A_22 : i1 to vector<16xi1>
    %ne3A_24 = vector.broadcast %ne3A_23 : vector<16xi1> to vector<16xi1>
    %ne3A_25 = arith.xori %lt3A_20, %ne3A_24 : vector<16xi1>
    %and3A = arith.andi %ne3A_25, %ne3A_18 : vector<16xi1>
    %add3A_26 = vector.broadcast %select_n3A : i32 to vector<16xi32>
    %add3A_27 = arith.addi %rem3A_16, %add3A_26 : vector<16xi32>
    %select_n3A_28 = arith.select %and3A, %add3A_27, %rem3A_16 : vector<16xi1>, vector<16xi32>
    %reshape3A = vector.shape_cast %select_n3A_28 : vector<16xi32> to vector<16x1xi32>
    %dma_start3A = arith.constant 0 : i32
    %dma_start3A_29 = arith.constant 0 : i32
    %dma_start3A_30 = tpu.memref_slice %arg10[%dma_start3A, %dma_start3A_29] : memref<80x125xi32, #tpu.memory_space<vmem>> -> memref<1x125xi32, #tpu.memory_space<vmem>>
    %dma_start3A_31 = tpu.memref_squeeze %dma_start3A_30 : memref<1x125xi32, #tpu.memory_space<vmem>> -> memref<125xi32, #tpu.memory_space<vmem>>
    %dma_start3A_32 = arith.constant 0 : i32
    %dma_start3A_33 = arith.constant 0 : i32
    %dma_start3A_34 = tpu.memref_slice %arg4[%dma_start3A_32, %dma_start3A_33] : memref<10000x16xf32, #tpu.memory_space<hbm>> -> memref<10000x16xf32, #tpu.memory_space<hbm>>
    tpu.enqueue_indirect_dma source(%dma_start3A_34 : memref<10000x16xf32, #tpu.memory_space<hbm>>) target(%arg12 : memref<125x16xf32, #tpu.memory_space<vmem>>) offsets(%dma_start3A_31 : memref<125xi32, #tpu.memory_space<vmem>>) semaphore(%arg27 : memref<!tpu.dma_semaphore, #tpu.memory_space<semaphore_mem>>)
    %dma_start3A_35 = arith.constant 0 : i32
    %dma_start3A_36 = arith.constant 0 : i32
    %dma_start3A_37 = tpu.memref_slice %arg11[%dma_start3A_35, %dma_start3A_36] : memref<80x125xi32, #tpu.memory_space<vmem>> -> memref<1x125xi32, #tpu.memory_space<vmem>>
    %dma_start3A_38 = tpu.memref_squeeze %dma_start3A_37 : memref<1x125xi32, #tpu.memory_space<vmem>> -> memref<125xi32, #tpu.memory_space<vmem>>
    %dma_start3A_39 = arith.constant 0 : i32
    %dma_start3A_40 = arith.constant 0 : i32
    %dma_start3A_41 = tpu.memref_slice %arg5[%dma_start3A_39, %dma_start3A_40] : memref<10000x16xf32, #tpu.memory_space<hbm>> -> memref<10000x16xf32, #tpu.memory_space<hbm>>
    tpu.enqueue_indirect_dma source(%dma_start3A_41 : memref<10000x16xf32, #tpu.memory_space<hbm>>) target(%arg14 : memref<125x16xf32, #tpu.memory_space<vmem>>) offsets(%dma_start3A_38 : memref<125xi32, #tpu.memory_space<vmem>>) semaphore(%arg27 : memref<!tpu.dma_semaphore, #tpu.memory_space<semaphore_mem>>)
    %dma_start3A_42 = arith.constant 0 : i32
    %dma_start3A_43 = arith.constant 0 : i32
    %dma_start3A_44 = tpu.memref_slice %arg10[%dma_start3A_42, %dma_start3A_43] : memref<80x125xi32, #tpu.memory_space<vmem>> -> memref<1x125xi32, #tpu.memory_space<vmem>>
    %dma_start3A_45 = tpu.memref_squeeze %dma_start3A_44 : memref<1x125xi32, #tpu.memory_space<vmem>> -> memref<125xi32, #tpu.memory_space<vmem>>
    %dma_start3A_46 = arith.constant 0 : i32
    %dma_start3A_47 = arith.constant 0 : i32
    %dma_start3A_48 = tpu.memref_slice %arg7[%dma_start3A_46, %dma_start3A_47] : memref<10000x64xf32, #tpu.memory_space<hbm>> -> memref<10000x64xf32, #tpu.memory_space<hbm>>
    tpu.enqueue_indirect_dma source(%dma_start3A_48 : memref<10000x64xf32, #tpu.memory_space<hbm>>) target(%arg16 : memref<125x64xf32, #tpu.memory_space<vmem>>) offsets(%dma_start3A_45 : memref<125xi32, #tpu.memory_space<vmem>>) semaphore(%arg27 : memref<!tpu.dma_semaphore, #tpu.memory_space<semaphore_mem>>)
    %dma_start3A_49 = arith.constant 1 : i32
    %dma_start3A_50 = arith.constant 0 : i32
    %dma_start3A_51 = tpu.memref_slice %arg10[%dma_start3A_49, %dma_start3A_50] : memref<80x125xi32, #tpu.memory_space<vmem>> -> memref<1x125xi32, #tpu.memory_space<vmem>>
    %dma_start3A_52 = tpu.memref_squeeze %dma_start3A_51 : memref<1x125xi32, #tpu.memory_space<vmem>> -> memref<125xi32, #tpu.memory_space<vmem>>
    %dma_start3A_53 = arith.constant 0 : i32
    %dma_start3A_54 = arith.constant 0 : i32
    %dma_start3A_55 = tpu.memref_slice %arg4[%dma_start3A_53, %dma_start3A_54] : memref<10000x16xf32, #tpu.memory_space<hbm>> -> memref<10000x16xf32, #tpu.memory_space<hbm>>
    tpu.enqueue_indirect_dma source(%dma_start3A_55 : memref<10000x16xf32, #tpu.memory_space<hbm>>) target(%arg13 : memref<125x16xf32, #tpu.memory_space<vmem>>) offsets(%dma_start3A_52 : memref<125xi32, #tpu.memory_space<vmem>>) semaphore(%arg28 : memref<!tpu.dma_semaphore, #tpu.memory_space<semaphore_mem>>)
    %dma_start3A_56 = arith.constant 1 : i32
    %dma_start3A_57 = arith.constant 0 : i32
    %dma_start3A_58 = tpu.memref_slice %arg11[%dma_start3A_56, %dma_start3A_57] : memref<80x125xi32, #tpu.memory_space<vmem>> -> memref<1x125xi32, #tpu.memory_space<vmem>>
    %dma_start3A_59 = tpu.memref_squeeze %dma_start3A_58 : memref<1x125xi32, #tpu.memory_space<vmem>> -> memref<125xi32, #tpu.memory_space<vmem>>
    %dma_start3A_60 = arith.constant 0 : i32
    %dma_start3A_61 = arith.constant 0 : i32
    %dma_start3A_62 = tpu.memref_slice %arg5[%dma_start3A_60, %dma_start3A_61] : memref<10000x16xf32, #tpu.memory_space<hbm>> -> memref<10000x16xf32, #tpu.memory_space<hbm>>
    tpu.enqueue_indirect_dma source(%dma_start3A_62 : memref<10000x16xf32, #tpu.memory_space<hbm>>) target(%arg15 : memref<125x16xf32, #tpu.memory_space<vmem>>) offsets(%dma_start3A_59 : memref<125xi32, #tpu.memory_space<vmem>>) semaphore(%arg28 : memref<!tpu.dma_semaphore, #tpu.memory_space<semaphore_mem>>)
    %dma_start3A_63 = arith.constant 1 : i32
    %dma_start3A_64 = arith.constant 0 : i32
    %dma_start3A_65 = tpu.memref_slice %arg10[%dma_start3A_63, %dma_start3A_64] : memref<80x125xi32, #tpu.memory_space<vmem>> -> memref<1x125xi32, #tpu.memory_space<vmem>>
    %dma_start3A_66 = tpu.memref_squeeze %dma_start3A_65 : memref<1x125xi32, #tpu.memory_space<vmem>> -> memref<125xi32, #tpu.memory_space<vmem>>
    %dma_start3A_67 = arith.constant 0 : i32
    %dma_start3A_68 = arith.constant 0 : i32
    %dma_start3A_69 = tpu.memref_slice %arg7[%dma_start3A_67, %dma_start3A_68] : memref<10000x64xf32, #tpu.memory_space<hbm>> -> memref<10000x64xf32, #tpu.memory_space<hbm>>
    tpu.enqueue_indirect_dma source(%dma_start3A_69 : memref<10000x64xf32, #tpu.memory_space<hbm>>) target(%arg17 : memref<125x64xf32, #tpu.memory_space<vmem>>) offsets(%dma_start3A_66 : memref<125xi32, #tpu.memory_space<vmem>>) semaphore(%arg28 : memref<!tpu.dma_semaphore, #tpu.memory_space<semaphore_mem>>)
    %scan3A_70 = arith.constant 0 : i32
    %scan3A_71 = arith.constant 40 : i32
    %scan3A_72 = arith.addi %scan3A_70, %scan3A_71 : i32
    %scan3A_73 = arith.constant 1 : i32
    scf.for %scan3A_105 = %scan3A_70 to %scan3A_72 step %scan3A_73  : i32 {
      %mul3A_106 = arith.constant 1 : i32
      %mul3A_107 = arith.muli %scan3A_105, %mul3A_106 : i32
      %add3A_108 = arith.constant 0 : i32
      %add3A_109 = arith.addi %add3A_108, %mul3A_107 : i32
      %mul3A_110 = arith.constant 2 : i32
      %mul3A_111 = arith.muli %add3A_109, %mul3A_110 : i32
      %add3A_112 = arith.constant 0 : i32
      %add3A_113 = arith.addi %mul3A_111, %add3A_112 : i32
      %dma_wait3A_114 = arith.constant 0 : i32
      %dma_wait3A_115 = tpu.memref_slice %arg10[%add3A_113, %dma_wait3A_114] : memref<80x125xi32, #tpu.memory_space<vmem>> -> memref<1x125xi32, #tpu.memory_space<vmem>>
      %dma_wait3A_116 = tpu.memref_squeeze %dma_wait3A_115 : memref<1x125xi32, #tpu.memory_space<vmem>> -> memref<125xi32, #tpu.memory_space<vmem>>
      %dma_wait3A_117 = arith.constant 0 : i32
      %dma_wait3A_118 = arith.constant 0 : i32
      %dma_wait3A_119 = tpu.memref_slice %arg4[%dma_wait3A_117, %dma_wait3A_118] : memref<10000x16xf32, #tpu.memory_space<hbm>> -> memref<10000x16xf32, #tpu.memory_space<hbm>>
      tpu.wait_indirect_dma semaphore(%arg27 : memref<!tpu.dma_semaphore, #tpu.memory_space<semaphore_mem>>) src(%dma_wait3A_119 : memref<10000x16xf32, #tpu.memory_space<hbm>>) dst(%arg12 : memref<125x16xf32, #tpu.memory_space<vmem>>)
      %dma_wait3A_120 = arith.constant 0 : i32
      %dma_wait3A_121 = tpu.memref_slice %arg11[%add3A_113, %dma_wait3A_120] : memref<80x125xi32, #tpu.memory_space<vmem>> -> memref<1x125xi32, #tpu.memory_space<vmem>>
      %dma_wait3A_122 = tpu.memref_squeeze %dma_wait3A_121 : memref<1x125xi32, #tpu.memory_space<vmem>> -> memref<125xi32, #tpu.memory_space<vmem>>
      %dma_wait3A_123 = arith.constant 0 : i32
      %dma_wait3A_124 = arith.constant 0 : i32
      %dma_wait3A_125 = tpu.memref_slice %arg5[%dma_wait3A_123, %dma_wait3A_124] : memref<10000x16xf32, #tpu.memory_space<hbm>> -> memref<10000x16xf32, #tpu.memory_space<hbm>>
      tpu.wait_indirect_dma semaphore(%arg27 : memref<!tpu.dma_semaphore, #tpu.memory_space<semaphore_mem>>) src(%dma_wait3A_125 : memref<10000x16xf32, #tpu.memory_space<hbm>>) dst(%arg14 : memref<125x16xf32, #tpu.memory_space<vmem>>)
      %dma_wait3A_126 = arith.constant 0 : i32
      %dma_wait3A_127 = tpu.memref_slice %arg10[%add3A_113, %dma_wait3A_126] : memref<80x125xi32, #tpu.memory_space<vmem>> -> memref<1x125xi32, #tpu.memory_space<vmem>>
      %dma_wait3A_128 = tpu.memref_squeeze %dma_wait3A_127 : memref<1x125xi32, #tpu.memory_space<vmem>> -> memref<125xi32, #tpu.memory_space<vmem>>
      %dma_wait3A_129 = arith.constant 0 : i32
      %dma_wait3A_130 = arith.constant 0 : i32
      %dma_wait3A_131 = tpu.memref_slice %arg7[%dma_wait3A_129, %dma_wait3A_130] : memref<10000x64xf32, #tpu.memory_space<hbm>> -> memref<10000x64xf32, #tpu.memory_space<hbm>>
      tpu.wait_indirect_dma semaphore(%arg27 : memref<!tpu.dma_semaphore, #tpu.memory_space<semaphore_mem>>) src(%dma_wait3A_131 : memref<10000x64xf32, #tpu.memory_space<hbm>>) dst(%arg16 : memref<125x64xf32, #tpu.memory_space<vmem>>)
      %ge3A = arith.constant 2 : i32
      %ge3A_132 = arith.cmpi sge, %add3A_113, %ge3A : i32
      %convert_element_type3A = arith.extui %ge3A_132 : i1 to i32
      %cond3A = arith.constant 0 : i32
      %cond3A_133 = arith.cmpi ne, %convert_element_type3A, %cond3A : i32
      scf.if %cond3A_133 {
        %sub3A = arith.constant 2 : i32
        %sub3A_209 = arith.subi %add3A_113, %sub3A : i32
        %dma_wait3A_210 = arith.constant 0 : i32
        %dma_wait3A_211 = tpu.memref_slice %arg11[%sub3A_209, %dma_wait3A_210] : memref<80x125xi32, #tpu.memory_space<vmem>> -> memref<1x125xi32, #tpu.memory_space<vmem>>
        %dma_wait3A_212 = tpu.memref_squeeze %dma_wait3A_211 : memref<1x125xi32, #tpu.memory_space<vmem>> -> memref<125xi32, #tpu.memory_space<vmem>>
        %dma_wait3A_213 = arith.constant 0 : i32
        %dma_wait3A_214 = arith.constant 0 : i32
        %dma_wait3A_215 = tpu.memref_slice %arg25[%dma_wait3A_213, %dma_wait3A_214] : memref<10240x16xf32, #tpu.memory_space<vmem_shared>> -> memref<10240x16xf32, #tpu.memory_space<vmem_shared>>
        tpu.wait_indirect_dma semaphore(%arg29 : memref<!tpu.dma_semaphore, #tpu.memory_space<semaphore_mem>>) src(%arg18 : memref<125x16xf32, #tpu.memory_space<vmem>>) dst(%dma_wait3A_215 : memref<10240x16xf32, #tpu.memory_space<vmem_shared>>)
        %dma_wait3A_216 = arith.constant 0 : i32
        %dma_wait3A_217 = tpu.memref_slice %arg11[%sub3A_209, %dma_wait3A_216] : memref<80x125xi32, #tpu.memory_space<vmem>> -> memref<1x125xi32, #tpu.memory_space<vmem>>
        %dma_wait3A_218 = tpu.memref_squeeze %dma_wait3A_217 : memref<1x125xi32, #tpu.memory_space<vmem>> -> memref<125xi32, #tpu.memory_space<vmem>>
        %dma_wait3A_219 = arith.constant 0 : i32
        %dma_wait3A_220 = arith.constant 0 : i32
        %dma_wait3A_221 = tpu.memref_slice %arg26[%dma_wait3A_219, %dma_wait3A_220] : memref<10240x64xf32, #tpu.memory_space<vmem_shared>> -> memref<10240x64xf32, #tpu.memory_space<vmem_shared>>
        tpu.wait_indirect_dma semaphore(%arg29 : memref<!tpu.dma_semaphore, #tpu.memory_space<semaphore_mem>>) src(%arg20 : memref<125x64xf32, #tpu.memory_space<vmem>>) dst(%dma_wait3A_221 : memref<10240x64xf32, #tpu.memory_space<vmem_shared>>)
      } else {
      }
      %scan3A_134 = arith.constant 0 : i32
      %scan3A_135 = arith.constant 125 : i32
      %scan3A_136 = arith.addi %scan3A_134, %scan3A_135 : i32
      %scan3A_137 = arith.constant 1 : i32
      scf.for %scan3A_209 = %scan3A_134 to %scan3A_136 step %scan3A_137  : i32 {
        %mul3A_210 = arith.constant 1 : i32
        %mul3A_211 = arith.muli %scan3A_209, %mul3A_210 : i32
        %add3A_212 = arith.constant 0 : i32
        %add3A_213 = arith.addi %add3A_212, %mul3A_211 : i32
        %get3A_214 = arith.index_cast %add3A_213 : i32 to index
        %get3A_215 = arith.constant 0 : index
        %get3A_216 = tpu.vector_load %arg12[%get3A_214, %get3A_215] {strides = array<i32>} : memref<125x16xf32, #tpu.memory_space<vmem>>, vector<1x16xf32>,
        %get3A_217 = vector.shape_cast %get3A_216 : vector<1x16xf32> to vector<16xf32>
        %get3A_218 = arith.index_cast %add3A_213 : i32 to index
        %get3A_219 = arith.constant 0 : index
        %get3A_220 = tpu.vector_load %arg14[%get3A_218, %get3A_219] {strides = array<i32>} : memref<125x16xf32, #tpu.memory_space<vmem>>, vector<1x16xf32>,
        %get3A_221 = vector.shape_cast %get3A_220 : vector<1x16xf32> to vector<16xf32>
        %add3A_222 = arith.addf %get3A_217, %get3A_221 : vector<16xf32>
        %ge3A_223 = arith.constant 0.000000e+00 : f32
        %ge3A_224 = vector.broadcast %ge3A_223 : f32 to vector<16xf32>
        %ge3A_225 = arith.cmpf oge, %add3A_222, %ge3A_224 : vector<16xf32>
        %mul3A_226 = arith.constant 2.000000e-01 : f32
        %mul3A_227 = vector.broadcast %mul3A_226 : f32 to vector<16xf32>
        %mul3A_228 = arith.mulf %mul3A_227, %add3A_222 : vector<16xf32>
        %select_n3A_229 = arith.select %ge3A_225, %add3A_222, %mul3A_228 : vector<16xi1>, vector<16xf32>
        %sub3A = arith.subf %select_n3A_229, %get3A_13 : vector<16xf32>
        %exp3A = math.exp %sub3A : vector<16xf32>
        %swap3A = arith.index_cast %add3A_213 : i32 to index
        %swap3A_230 = arith.constant 0 : index
        %swap3A_231 = tpu.vector_load %arg18[%swap3A, %swap3A_230] {strides = array<i32>} : memref<125x16xf32, #tpu.memory_space<vmem>>, vector<1x16xf32>,
        %swap3A_232 = vector.shape_cast %swap3A_231 : vector<1x16xf32> to vector<16xf32>
        %swap3A_233 = vector.shape_cast %exp3A : vector<16xf32> to vector<1x16xf32>
        tpu.vector_store %arg18[%swap3A, %swap3A_230], %swap3A_233 {strides = array<i32>} : memref<125x16xf32, #tpu.memory_space<vmem>>, vector<1x16xf32>,
        %gather3A = vector.shape_cast %reshape3A : vector<16x1xi32> to vector<16xi32>
        %gather3A_234 = tpu.dynamic_gather %exp3A[%gather3A] in [0] : vector<16xf32>, vector<16xi32> -> vector<16xf32>
        %get3A_235 = arith.index_cast %add3A_213 : i32 to index
        %get3A_236 = arith.constant 0 : index
        %get3A_237 = tpu.vector_load %arg16[%get3A_235, %get3A_236] {strides = array<i32>} : memref<125x64xf32, #tpu.memory_space<vmem>>, vector<1x16xf32>,
        %get3A_238 = vector.shape_cast %get3A_237 : vector<1x16xf32> to vector<16xf32>
        %mul3A_239 = arith.mulf %get3A_238, %gather3A_234 : vector<16xf32>
        %swap3A_240 = arith.index_cast %add3A_213 : i32 to index
        %swap3A_241 = arith.constant 0 : index
        %swap3A_242 = tpu.vector_load %arg20[%swap3A_240, %swap3A_241] {strides = array<i32>} : memref<125x64xf32, #tpu.memory_space<vmem>>, vector<1x16xf32>,
        %swap3A_243 = vector.shape_cast %swap3A_242 : vector<1x16xf32> to vector<16xf32>
        %swap3A_244 = vector.shape_cast %mul3A_239 : vector<16xf32> to vector<1x16xf32>
        tpu.vector_store %arg20[%swap3A_240, %swap3A_241], %swap3A_244 {strides = array<i32>} : memref<125x64xf32, #tpu.memory_space<vmem>>, vector<1x16xf32>,
        %get3A_245 = arith.index_cast %add3A_213 : i32 to index
        %get3A_246 = arith.constant 16 : index
        %get3A_247 = tpu.vector_load %arg16[%get3A_245, %get3A_246] {strides = array<i32>} : memref<125x64xf32, #tpu.memory_space<vmem>>, vector<1x16xf32>,
        %get3A_248 = vector.shape_cast %get3A_247 : vector<1x16xf32> to vector<16xf32>
        %mul3A_249 = arith.mulf %get3A_248, %gather3A_234 : vector<16xf32>
        %swap3A_250 = arith.index_cast %add3A_213 : i32 to index
        %swap3A_251 = arith.constant 16 : index
        %swap3A_252 = tpu.vector_load %arg20[%swap3A_250, %swap3A_251] {strides = array<i32>} : memref<125x64xf32, #tpu.memory_space<vmem>>, vector<1x16xf32>,
        %swap3A_253 = vector.shape_cast %swap3A_252 : vector<1x16xf32> to vector<16xf32>
        %swap3A_254 = vector.shape_cast %mul3A_249 : vector<16xf32> to vector<1x16xf32>
        tpu.vector_store %arg20[%swap3A_250, %swap3A_251], %swap3A_254 {strides = array<i32>} : memref<125x64xf32, #tpu.memory_space<vmem>>, vector<1x16xf32>,
        %get3A_255 = arith.index_cast %add3A_213 : i32 to index
        %get3A_256 = arith.constant 32 : index
        %get3A_257 = tpu.vector_load %arg16[%get3A_255, %get3A_256] {strides = array<i32>} : memref<125x64xf32, #tpu.memory_space<vmem>>, vector<1x16xf32>,
        %get3A_258 = vector.shape_cast %get3A_257 : vector<1x16xf32> to vector<16xf32>
        %mul3A_259 = arith.mulf %get3A_258, %gather3A_234 : vector<16xf32>
        %swap3A_260 = arith.index_cast %add3A_213 : i32 to index
        %swap3A_261 = arith.constant 32 : index
        %swap3A_262 = tpu.vector_load %arg20[%swap3A_260, %swap3A_261] {strides = array<i32>} : memref<125x64xf32, #tpu.memory_space<vmem>>, vector<1x16xf32>,
        %swap3A_263 = vector.shape_cast %swap3A_262 : vector<1x16xf32> to vector<16xf32>
        %swap3A_264 = vector.shape_cast %mul3A_259 : vector<16xf32> to vector<1x16xf32>
        tpu.vector_store %arg20[%swap3A_260, %swap3A_261], %swap3A_264 {strides = array<i32>} : memref<125x64xf32, #tpu.memory_space<vmem>>, vector<1x16xf32>,
        %get3A_265 = arith.index_cast %add3A_213 : i32 to index
        %get3A_266 = arith.constant 48 : index
        %get3A_267 = tpu.vector_load %arg16[%get3A_265, %get3A_266] {strides = array<i32>} : memref<125x64xf32, #tpu.memory_space<vmem>>, vector<1x16xf32>,
        %get3A_268 = vector.shape_cast %get3A_267 : vector<1x16xf32> to vector<16xf32>
        %mul3A_269 = arith.mulf %get3A_268, %gather3A_234 : vector<16xf32>
        %swap3A_270 = arith.index_cast %add3A_213 : i32 to index
        %swap3A_271 = arith.constant 48 : index
        %swap3A_272 = tpu.vector_load %arg20[%swap3A_270, %swap3A_271] {strides = array<i32>} : memref<125x64xf32, #tpu.memory_space<vmem>>, vector<1x16xf32>,
        %swap3A_273 = vector.shape_cast %swap3A_272 : vector<1x16xf32> to vector<16xf32>
        %swap3A_274 = vector.shape_cast %mul3A_269 : vector<16xf32> to vector<1x16xf32>
        tpu.vector_store %arg20[%swap3A_270, %swap3A_271], %swap3A_274 {strides = array<i32>} : memref<125x64xf32, #tpu.memory_space<vmem>>, vector<1x16xf32>,
      }
      %scan3A_138 = arith.constant 125 : i32
      %dma_start3A_139 = arith.constant 0 : i32
      %dma_start3A_140 = tpu.memref_slice %arg11[%add3A_113, %dma_start3A_139] : memref<80x125xi32, #tpu.memory_space<vmem>> -> memref<1x125xi32, #tpu.memory_space<vmem>>
      %dma_start3A_141 = tpu.memref_squeeze %dma_start3A_140 : memref<1x125xi32, #tpu.memory_space<vmem>> -> memref<125xi32, #tpu.memory_space<vmem>>
      %dma_start3A_142 = arith.constant 0 : i32
      %dma_start3A_143 = arith.constant 0 : i32
      %dma_start3A_144 = tpu.memref_slice %arg25[%dma_start3A_142, %dma_start3A_143] : memref<10240x16xf32, #tpu.memory_space<vmem_shared>> -> memref<10240x16xf32, #tpu.memory_space<vmem_shared>>
      tpu.enqueue_indirect_dma source(%arg18 : memref<125x16xf32, #tpu.memory_space<vmem>>) target(%dma_start3A_144 : memref<10240x16xf32, #tpu.memory_space<vmem_shared>>) offsets(%dma_start3A_141 : memref<125xi32, #tpu.memory_space<vmem>>) semaphore(%arg29 : memref<!tpu.dma_semaphore, #tpu.memory_space<semaphore_mem>>) {add = true}
      %dma_start3A_145 = arith.constant 0 : i32
      %dma_start3A_146 = tpu.memref_slice %arg11[%add3A_113, %dma_start3A_145] : memref<80x125xi32, #tpu.memory_space<vmem>> -> memref<1x125xi32, #tpu.memory_space<vmem>>
      %dma_start3A_147 = tpu.memref_squeeze %dma_start3A_146 : memref<1x125xi32, #tpu.memory_space<vmem>> -> memref<125xi32, #tpu.memory_space<vmem>>
      %dma_start3A_148 = arith.constant 0 : i32
      %dma_start3A_149 = arith.constant 0 : i32
      %dma_start3A_150 = tpu.memref_slice %arg26[%dma_start3A_148, %dma_start3A_149] : memref<10240x64xf32, #tpu.memory_space<vmem_shared>> -> memref<10240x64xf32, #tpu.memory_space<vmem_shared>>
      tpu.enqueue_indirect_dma source(%arg20 : memref<125x64xf32, #tpu.memory_space<vmem>>) target(%dma_start3A_150 : memref<10240x64xf32, #tpu.memory_space<vmem_shared>>) offsets(%dma_start3A_147 : memref<125xi32, #tpu.memory_space<vmem>>) semaphore(%arg29 : memref<!tpu.dma_semaphore, #tpu.memory_space<semaphore_mem>>) {add = true}
      %add3A_151 = arith.constant 2 : i32
      %add3A_152 = arith.addi %add3A_113, %add3A_151 : i32
      %lt3A_153 = arith.constant 80 : i32
      %lt3A_154 = arith.cmpi slt, %add3A_152, %lt3A_153 : i32
      %convert_element_type3A_155 = arith.extui %lt3A_154 : i1 to i32
      %cond3A_156 = arith.constant 0 : i32
      %cond3A_157 = arith.cmpi ne, %convert_element_type3A_155, %cond3A_156 : i32
      scf.if %cond3A_157 {
        %add3A_209 = arith.constant 2 : i32
        %add3A_210 = arith.addi %add3A_113, %add3A_209 : i32
        %dma_start3A_211 = arith.constant 0 : i32
        %dma_start3A_212 = tpu.memref_slice %arg10[%add3A_210, %dma_start3A_211] : memref<80x125xi32, #tpu.memory_space<vmem>> -> memref<1x125xi32, #tpu.memory_space<vmem>>
        %dma_start3A_213 = tpu.memref_squeeze %dma_start3A_212 : memref<1x125xi32, #tpu.memory_space<vmem>> -> memref<125xi32, #tpu.memory_space<vmem>>
        %dma_start3A_214 = arith.constant 0 : i32
        %dma_start3A_215 = arith.constant 0 : i32
        %dma_start3A_216 = tpu.memref_slice %arg4[%dma_start3A_214, %dma_start3A_215] : memref<10000x16xf32, #tpu.memory_space<hbm>> -> memref<10000x16xf32, #tpu.memory_space<hbm>>
        tpu.enqueue_indirect_dma source(%dma_start3A_216 : memref<10000x16xf32, #tpu.memory_space<hbm>>) target(%arg12 : memref<125x16xf32, #tpu.memory_space<vmem>>) offsets(%dma_start3A_213 : memref<125xi32, #tpu.memory_space<vmem>>) semaphore(%arg27 : memref<!tpu.dma_semaphore, #tpu.memory_space<semaphore_mem>>)
        %dma_start3A_217 = arith.constant 0 : i32
        %dma_start3A_218 = tpu.memref_slice %arg11[%add3A_210, %dma_start3A_217] : memref<80x125xi32, #tpu.memory_space<vmem>> -> memref<1x125xi32, #tpu.memory_space<vmem>>
        %dma_start3A_219 = tpu.memref_squeeze %dma_start3A_218 : memref<1x125xi32, #tpu.memory_space<vmem>> -> memref<125xi32, #tpu.memory_space<vmem>>
        %dma_start3A_220 = arith.constant 0 : i32
        %dma_start3A_221 = arith.constant 0 : i32
        %dma_start3A_222 = tpu.memref_slice %arg5[%dma_start3A_220, %dma_start3A_221] : memref<10000x16xf32, #tpu.memory_space<hbm>> -> memref<10000x16xf32, #tpu.memory_space<hbm>>
        tpu.enqueue_indirect_dma source(%dma_start3A_222 : memref<10000x16xf32, #tpu.memory_space<hbm>>) target(%arg14 : memref<125x16xf32, #tpu.memory_space<vmem>>) offsets(%dma_start3A_219 : memref<125xi32, #tpu.memory_space<vmem>>) semaphore(%arg27 : memref<!tpu.dma_semaphore, #tpu.memory_space<semaphore_mem>>)
        %dma_start3A_223 = arith.constant 0 : i32
        %dma_start3A_224 = tpu.memref_slice %arg10[%add3A_210, %dma_start3A_223] : memref<80x125xi32, #tpu.memory_space<vmem>> -> memref<1x125xi32, #tpu.memory_space<vmem>>
        %dma_start3A_225 = tpu.memref_squeeze %dma_start3A_224 : memref<1x125xi32, #tpu.memory_space<vmem>> -> memref<125xi32, #tpu.memory_space<vmem>>
        %dma_start3A_226 = arith.constant 0 : i32
        %dma_start3A_227 = arith.constant 0 : i32
        %dma_start3A_228 = tpu.memref_slice %arg7[%dma_start3A_226, %dma_start3A_227] : memref<10000x64xf32, #tpu.memory_space<hbm>> -> memref<10000x64xf32, #tpu.memory_space<hbm>>
        tpu.enqueue_indirect_dma source(%dma_start3A_228 : memref<10000x64xf32, #tpu.memory_space<hbm>>) target(%arg16 : memref<125x64xf32, #tpu.memory_space<vmem>>) offsets(%dma_start3A_225 : memref<125xi32, #tpu.memory_space<vmem>>) semaphore(%arg27 : memref<!tpu.dma_semaphore, #tpu.memory_space<semaphore_mem>>)
      } else {
      }
      %mul3A_158 = arith.constant 2 : i32
      %mul3A_159 = arith.muli %add3A_109, %mul3A_158 : i32
      %add3A_160 = arith.constant 1 : i32
      %add3A_161 = arith.addi %mul3A_159, %add3A_160 : i32
      %dma_wait3A_162 = arith.constant 0 : i32
      %dma_wait3A_163 = tpu.memref_slice %arg10[%add3A_161, %dma_wait3A_162] : memref<80x125xi32, #tpu.memory_space<vmem>> -> memref<1x125xi32, #tpu.memory_space<vmem>>
      %dma_wait3A_164 = tpu.memref_squeeze %dma_wait3A_163 : memref<1x125xi32, #tpu.memory_space<vmem>> -> memref<125xi32, #tpu.memory_space<vmem>>
      %dma_wait3A_165 = arith.constant 0 : i32
      %dma_wait3A_166 = arith.constant 0 : i32
      %dma_wait3A_167 = tpu.memref_slice %arg4[%dma_wait3A_165, %dma_wait3A_166] : memref<10000x16xf32, #tpu.memory_space<hbm>> -> memref<10000x16xf32, #tpu.memory_space<hbm>>
      tpu.wait_indirect_dma semaphore(%arg28 : memref<!tpu.dma_semaphore, #tpu.memory_space<semaphore_mem>>) src(%dma_wait3A_167 : memref<10000x16xf32, #tpu.memory_space<hbm>>) dst(%arg13 : memref<125x16xf32, #tpu.memory_space<vmem>>)
      %dma_wait3A_168 = arith.constant 0 : i32
      %dma_wait3A_169 = tpu.memref_slice %arg11[%add3A_161, %dma_wait3A_168] : memref<80x125xi32, #tpu.memory_space<vmem>> -> memref<1x125xi32, #tpu.memory_space<vmem>>
      %dma_wait3A_170 = tpu.memref_squeeze %dma_wait3A_169 : memref<1x125xi32, #tpu.memory_space<vmem>> -> memref<125xi32, #tpu.memory_space<vmem>>
      %dma_wait3A_171 = arith.constant 0 : i32
      %dma_wait3A_172 = arith.constant 0 : i32
      %dma_wait3A_173 = tpu.memref_slice %arg5[%dma_wait3A_171, %dma_wait3A_172] : memref<10000x16xf32, #tpu.memory_space<hbm>> -> memref<10000x16xf32, #tpu.memory_space<hbm>>
      tpu.wait_indirect_dma semaphore(%arg28 : memref<!tpu.dma_semaphore, #tpu.memory_space<semaphore_mem>>) src(%dma_wait3A_173 : memref<10000x16xf32, #tpu.memory_space<hbm>>) dst(%arg15 : memref<125x16xf32, #tpu.memory_space<vmem>>)
      %dma_wait3A_174 = arith.constant 0 : i32
      %dma_wait3A_175 = tpu.memref_slice %arg10[%add3A_161, %dma_wait3A_174] : memref<80x125xi32, #tpu.memory_space<vmem>> -> memref<1x125xi32, #tpu.memory_space<vmem>>
      %dma_wait3A_176 = tpu.memref_squeeze %dma_wait3A_175 : memref<1x125xi32, #tpu.memory_space<vmem>> -> memref<125xi32, #tpu.memory_space<vmem>>
      %dma_wait3A_177 = arith.constant 0 : i32
      %dma_wait3A_178 = arith.constant 0 : i32
      %dma_wait3A_179 = tpu.memref_slice %arg7[%dma_wait3A_177, %dma_wait3A_178] : memref<10000x64xf32, #tpu.memory_space<hbm>> -> memref<10000x64xf32, #tpu.memory_space<hbm>>
      tpu.wait_indirect_dma semaphore(%arg28 : memref<!tpu.dma_semaphore, #tpu.memory_space<semaphore_mem>>) src(%dma_wait3A_179 : memref<10000x64xf32, #tpu.memory_space<hbm>>) dst(%arg17 : memref<125x64xf32, #tpu.memory_space<vmem>>)
      %ge3A_180 = arith.constant 2 : i32
      %ge3A_181 = arith.cmpi sge, %add3A_161, %ge3A_180 : i32
      %convert_element_type3A_182 = arith.extui %ge3A_181 : i1 to i32
      %cond3A_183 = arith.constant 0 : i32
      %cond3A_184 = arith.cmpi ne, %convert_element_type3A_182, %cond3A_183 : i32
      scf.if %cond3A_184 {
        %sub3A = arith.constant 2 : i32
        %sub3A_209 = arith.subi %add3A_161, %sub3A : i32
        %dma_wait3A_210 = arith.constant 0 : i32
        %dma_wait3A_211 = tpu.memref_slice %arg11[%sub3A_209, %dma_wait3A_210] : memref<80x125xi32, #tpu.memory_space<vmem>> -> memref<1x125xi32, #tpu.memory_space<vmem>>
        %dma_wait3A_212 = tpu.memref_squeeze %dma_wait3A_211 : memref<1x125xi32, #tpu.memory_space<vmem>> -> memref<125xi32, #tpu.memory_space<vmem>>
        %dma_wait3A_213 = arith.constant 0 : i32
        %dma_wait3A_214 = arith.constant 0 : i32
        %dma_wait3A_215 = tpu.memref_slice %arg25[%dma_wait3A_213, %dma_wait3A_214] : memref<10240x16xf32, #tpu.memory_space<vmem_shared>> -> memref<10240x16xf32, #tpu.memory_space<vmem_shared>>
        tpu.wait_indirect_dma semaphore(%arg30 : memref<!tpu.dma_semaphore, #tpu.memory_space<semaphore_mem>>) src(%arg19 : memref<125x16xf32, #tpu.memory_space<vmem>>) dst(%dma_wait3A_215 : memref<10240x16xf32, #tpu.memory_space<vmem_shared>>)
        %dma_wait3A_216 = arith.constant 0 : i32
        %dma_wait3A_217 = tpu.memref_slice %arg11[%sub3A_209, %dma_wait3A_216] : memref<80x125xi32, #tpu.memory_space<vmem>> -> memref<1x125xi32, #tpu.memory_space<vmem>>
        %dma_wait3A_218 = tpu.memref_squeeze %dma_wait3A_217 : memref<1x125xi32, #tpu.memory_space<vmem>> -> memref<125xi32, #tpu.memory_space<vmem>>
        %dma_wait3A_219 = arith.constant 0 : i32
        %dma_wait3A_220 = arith.constant 0 : i32
        %dma_wait3A_221 = tpu.memref_slice %arg26[%dma_wait3A_219, %dma_wait3A_220] : memref<10240x64xf32, #tpu.memory_space<vmem_shared>> -> memref<10240x64xf32, #tpu.memory_space<vmem_shared>>
        tpu.wait_indirect_dma semaphore(%arg30 : memref<!tpu.dma_semaphore, #tpu.memory_space<semaphore_mem>>) src(%arg21 : memref<125x64xf32, #tpu.memory_space<vmem>>) dst(%dma_wait3A_221 : memref<10240x64xf32, #tpu.memory_space<vmem_shared>>)
      } else {
      }
      %scan3A_185 = arith.constant 0 : i32
      %scan3A_186 = arith.constant 125 : i32
      %scan3A_187 = arith.addi %scan3A_185, %scan3A_186 : i32
      %scan3A_188 = arith.constant 1 : i32
      scf.for %scan3A_209 = %scan3A_185 to %scan3A_187 step %scan3A_188  : i32 {
        %mul3A_210 = arith.constant 1 : i32
        %mul3A_211 = arith.muli %scan3A_209, %mul3A_210 : i32
        %add3A_212 = arith.constant 0 : i32
        %add3A_213 = arith.addi %add3A_212, %mul3A_211 : i32
        %get3A_214 = arith.index_cast %add3A_213 : i32 to index
        %get3A_215 = arith.constant 0 : index
        %get3A_216 = tpu.vector_load %arg13[%get3A_214, %get3A_215] {strides = array<i32>} : memref<125x16xf32, #tpu.memory_space<vmem>>, vector<1x16xf32>,
        %get3A_217 = vector.shape_cast %get3A_216 : vector<1x16xf32> to vector<16xf32>
        %get3A_218 = arith.index_cast %add3A_213 : i32 to index
        %get3A_219 = arith.constant 0 : index
        %get3A_220 = tpu.vector_load %arg15[%get3A_218, %get3A_219] {strides = array<i32>} : memref<125x16xf32, #tpu.memory_space<vmem>>, vector<1x16xf32>,
        %get3A_221 = vector.shape_cast %get3A_220 : vector<1x16xf32> to vector<16xf32>
        %add3A_222 = arith.addf %get3A_217, %get3A_221 : vector<16xf32>
        %ge3A_223 = arith.constant 0.000000e+00 : f32
        %ge3A_224 = vector.broadcast %ge3A_223 : f32 to vector<16xf32>
        %ge3A_225 = arith.cmpf oge, %add3A_222, %ge3A_224 : vector<16xf32>
        %mul3A_226 = arith.constant 2.000000e-01 : f32
        %mul3A_227 = vector.broadcast %mul3A_226 : f32 to vector<16xf32>
        %mul3A_228 = arith.mulf %mul3A_227, %add3A_222 : vector<16xf32>
        %select_n3A_229 = arith.select %ge3A_225, %add3A_222, %mul3A_228 : vector<16xi1>, vector<16xf32>
        %sub3A = arith.subf %select_n3A_229, %get3A_13 : vector<16xf32>
        %exp3A = math.exp %sub3A : vector<16xf32>
        %swap3A = arith.index_cast %add3A_213 : i32 to index
        %swap3A_230 = arith.constant 0 : index
        %swap3A_231 = tpu.vector_load %arg19[%swap3A, %swap3A_230] {strides = array<i32>} : memref<125x16xf32, #tpu.memory_space<vmem>>, vector<1x16xf32>,
        %swap3A_232 = vector.shape_cast %swap3A_231 : vector<1x16xf32> to vector<16xf32>
        %swap3A_233 = vector.shape_cast %exp3A : vector<16xf32> to vector<1x16xf32>
        tpu.vector_store %arg19[%swap3A, %swap3A_230], %swap3A_233 {strides = array<i32>} : memref<125x16xf32, #tpu.memory_space<vmem>>, vector<1x16xf32>,
        %gather3A = vector.shape_cast %reshape3A : vector<16x1xi32> to vector<16xi32>
        %gather3A_234 = tpu.dynamic_gather %exp3A[%gather3A] in [0] : vector<16xf32>, vector<16xi32> -> vector<16xf32>
        %get3A_235 = arith.index_cast %add3A_213 : i32 to index
        %get3A_236 = arith.constant 0 : index
        %get3A_237 = tpu.vector_load %arg17[%get3A_235, %get3A_236] {strides = array<i32>} : memref<125x64xf32, #tpu.memory_space<vmem>>, vector<1x16xf32>,
        %get3A_238 = vector.shape_cast %get3A_237 : vector<1x16xf32> to vector<16xf32>
        %mul3A_239 = arith.mulf %get3A_238, %gather3A_234 : vector<16xf32>
        %swap3A_240 = arith.index_cast %add3A_213 : i32 to index
        %swap3A_241 = arith.constant 0 : index
        %swap3A_242 = tpu.vector_load %arg21[%swap3A_240, %swap3A_241] {strides = array<i32>} : memref<125x64xf32, #tpu.memory_space<vmem>>, vector<1x16xf32>,
        %swap3A_243 = vector.shape_cast %swap3A_242 : vector<1x16xf32> to vector<16xf32>
        %swap3A_244 = vector.shape_cast %mul3A_239 : vector<16xf32> to vector<1x16xf32>
        tpu.vector_store %arg21[%swap3A_240, %swap3A_241], %swap3A_244 {strides = array<i32>} : memref<125x64xf32, #tpu.memory_space<vmem>>, vector<1x16xf32>,
        %get3A_245 = arith.index_cast %add3A_213 : i32 to index
        %get3A_246 = arith.constant 16 : index
        %get3A_247 = tpu.vector_load %arg17[%get3A_245, %get3A_246] {strides = array<i32>} : memref<125x64xf32, #tpu.memory_space<vmem>>, vector<1x16xf32>,
        %get3A_248 = vector.shape_cast %get3A_247 : vector<1x16xf32> to vector<16xf32>
        %mul3A_249 = arith.mulf %get3A_248, %gather3A_234 : vector<16xf32>
        %swap3A_250 = arith.index_cast %add3A_213 : i32 to index
        %swap3A_251 = arith.constant 16 : index
        %swap3A_252 = tpu.vector_load %arg21[%swap3A_250, %swap3A_251] {strides = array<i32>} : memref<125x64xf32, #tpu.memory_space<vmem>>, vector<1x16xf32>,
        %swap3A_253 = vector.shape_cast %swap3A_252 : vector<1x16xf32> to vector<16xf32>
        %swap3A_254 = vector.shape_cast %mul3A_249 : vector<16xf32> to vector<1x16xf32>
        tpu.vector_store %arg21[%swap3A_250, %swap3A_251], %swap3A_254 {strides = array<i32>} : memref<125x64xf32, #tpu.memory_space<vmem>>, vector<1x16xf32>,
        %get3A_255 = arith.index_cast %add3A_213 : i32 to index
        %get3A_256 = arith.constant 32 : index
        %get3A_257 = tpu.vector_load %arg17[%get3A_255, %get3A_256] {strides = array<i32>} : memref<125x64xf32, #tpu.memory_space<vmem>>, vector<1x16xf32>,
        %get3A_258 = vector.shape_cast %get3A_257 : vector<1x16xf32> to vector<16xf32>
        %mul3A_259 = arith.mulf %get3A_258, %gather3A_234 : vector<16xf32>
        %swap3A_260 = arith.index_cast %add3A_213 : i32 to index
        %swap3A_261 = arith.constant 32 : index
        %swap3A_262 = tpu.vector_load %arg21[%swap3A_260, %swap3A_261] {strides = array<i32>} : memref<125x64xf32, #tpu.memory_space<vmem>>, vector<1x16xf32>,
        %swap3A_263 = vector.shape_cast %swap3A_262 : vector<1x16xf32> to vector<16xf32>
        %swap3A_264 = vector.shape_cast %mul3A_259 : vector<16xf32> to vector<1x16xf32>
        tpu.vector_store %arg21[%swap3A_260, %swap3A_261], %swap3A_264 {strides = array<i32>} : memref<125x64xf32, #tpu.memory_space<vmem>>, vector<1x16xf32>,
        %get3A_265 = arith.index_cast %add3A_213 : i32 to index
        %get3A_266 = arith.constant 48 : index
        %get3A_267 = tpu.vector_load %arg17[%get3A_265, %get3A_266] {strides = array<i32>} : memref<125x64xf32, #tpu.memory_space<vmem>>, vector<1x16xf32>,
        %get3A_268 = vector.shape_cast %get3A_267 : vector<1x16xf32> to vector<16xf32>
        %mul3A_269 = arith.mulf %get3A_268, %gather3A_234 : vector<16xf32>
        %swap3A_270 = arith.index_cast %add3A_213 : i32 to index
        %swap3A_271 = arith.constant 48 : index
        %swap3A_272 = tpu.vector_load %arg21[%swap3A_270, %swap3A_271] {strides = array<i32>} : memref<125x64xf32, #tpu.memory_space<vmem>>, vector<1x16xf32>,
        %swap3A_273 = vector.shape_cast %swap3A_272 : vector<1x16xf32> to vector<16xf32>
        %swap3A_274 = vector.shape_cast %mul3A_269 : vector<16xf32> to vector<1x16xf32>
        tpu.vector_store %arg21[%swap3A_270, %swap3A_271], %swap3A_274 {strides = array<i32>} : memref<125x64xf32, #tpu.memory_space<vmem>>, vector<1x16xf32>,
      }
      %scan3A_189 = arith.constant 125 : i32
      %dma_start3A_190 = arith.constant 0 : i32
      %dma_start3A_191 = tpu.memref_slice %arg11[%add3A_161, %dma_start3A_190] : memref<80x125xi32, #tpu.memory_space<vmem>> -> memref<1x125xi32, #tpu.memory_space<vmem>>
      %dma_start3A_192 = tpu.memref_squeeze %dma_start3A_191 : memref<1x125xi32, #tpu.memory_space<vmem>> -> memref<125xi32, #tpu.memory_space<vmem>>
      %dma_start3A_193 = arith.constant 0 : i32
      %dma_start3A_194 = arith.constant 0 : i32
      %dma_start3A_195 = tpu.memref_slice %arg25[%dma_start3A_193, %dma_start3A_194] : memref<10240x16xf32, #tpu.memory_space<vmem_shared>> -> memref<10240x16xf32, #tpu.memory_space<vmem_shared>>
      tpu.enqueue_indirect_dma source(%arg19 : memref<125x16xf32, #tpu.memory_space<vmem>>) target(%dma_start3A_195 : memref<10240x16xf32, #tpu.memory_space<vmem_shared>>) offsets(%dma_start3A_192 : memref<125xi32, #tpu.memory_space<vmem>>) semaphore(%arg30 : memref<!tpu.dma_semaphore, #tpu.memory_space<semaphore_mem>>) {add = true}
      %dma_start3A_196 = arith.constant 0 : i32
      %dma_start3A_197 = tpu.memref_slice %arg11[%add3A_161, %dma_start3A_196] : memref<80x125xi32, #tpu.memory_space<vmem>> -> memref<1x125xi32, #tpu.memory_space<vmem>>
      %dma_start3A_198 = tpu.memref_squeeze %dma_start3A_197 : memref<1x125xi32, #tpu.memory_space<vmem>> -> memref<125xi32, #tpu.memory_space<vmem>>
      %dma_start3A_199 = arith.constant 0 : i32
      %dma_start3A_200 = arith.constant 0 : i32
      %dma_start3A_201 = tpu.memref_slice %arg26[%dma_start3A_199, %dma_start3A_200] : memref<10240x64xf32, #tpu.memory_space<vmem_shared>> -> memref<10240x64xf32, #tpu.memory_space<vmem_shared>>
      tpu.enqueue_indirect_dma source(%arg21 : memref<125x64xf32, #tpu.memory_space<vmem>>) target(%dma_start3A_201 : memref<10240x64xf32, #tpu.memory_space<vmem_shared>>) offsets(%dma_start3A_198 : memref<125xi32, #tpu.memory_space<vmem>>) semaphore(%arg30 : memref<!tpu.dma_semaphore, #tpu.memory_space<semaphore_mem>>) {add = true}
      %add3A_202 = arith.constant 2 : i32
      %add3A_203 = arith.addi %add3A_161, %add3A_202 : i32
      %lt3A_204 = arith.constant 80 : i32
      %lt3A_205 = arith.cmpi slt, %add3A_203, %lt3A_204 : i32
      %convert_element_type3A_206 = arith.extui %lt3A_205 : i1 to i32
      %cond3A_207 = arith.constant 0 : i32
      %cond3A_208 = arith.cmpi ne, %convert_element_type3A_206, %cond3A_207 : i32
      scf.if %cond3A_208 {
        %add3A_209 = arith.constant 2 : i32
        %add3A_210 = arith.addi %add3A_161, %add3A_209 : i32
        %dma_start3A_211 = arith.constant 0 : i32
        %dma_start3A_212 = tpu.memref_slice %arg10[%add3A_210, %dma_start3A_211] : memref<80x125xi32, #tpu.memory_space<vmem>> -> memref<1x125xi32, #tpu.memory_space<vmem>>
        %dma_start3A_213 = tpu.memref_squeeze %dma_start3A_212 : memref<1x125xi32, #tpu.memory_space<vmem>> -> memref<125xi32, #tpu.memory_space<vmem>>
        %dma_start3A_214 = arith.constant 0 : i32
        %dma_start3A_215 = arith.constant 0 : i32
        %dma_start3A_216 = tpu.memref_slice %arg4[%dma_start3A_214, %dma_start3A_215] : memref<10000x16xf32, #tpu.memory_space<hbm>> -> memref<10000x16xf32, #tpu.memory_space<hbm>>
        tpu.enqueue_indirect_dma source(%dma_start3A_216 : memref<10000x16xf32, #tpu.memory_space<hbm>>) target(%arg13 : memref<125x16xf32, #tpu.memory_space<vmem>>) offsets(%dma_start3A_213 : memref<125xi32, #tpu.memory_space<vmem>>) semaphore(%arg28 : memref<!tpu.dma_semaphore, #tpu.memory_space<semaphore_mem>>)
        %dma_start3A_217 = arith.constant 0 : i32
        %dma_start3A_218 = tpu.memref_slice %arg11[%add3A_210, %dma_start3A_217] : memref<80x125xi32, #tpu.memory_space<vmem>> -> memref<1x125xi32, #tpu.memory_space<vmem>>
        %dma_start3A_219 = tpu.memref_squeeze %dma_start3A_218 : memref<1x125xi32, #tpu.memory_space<vmem>> -> memref<125xi32, #tpu.memory_space<vmem>>
        %dma_start3A_220 = arith.constant 0 : i32
        %dma_start3A_221 = arith.constant 0 : i32
        %dma_start3A_222 = tpu.memref_slice %arg5[%dma_start3A_220, %dma_start3A_221] : memref<10000x16xf32, #tpu.memory_space<hbm>> -> memref<10000x16xf32, #tpu.memory_space<hbm>>
        tpu.enqueue_indirect_dma source(%dma_start3A_222 : memref<10000x16xf32, #tpu.memory_space<hbm>>) target(%arg15 : memref<125x16xf32, #tpu.memory_space<vmem>>) offsets(%dma_start3A_219 : memref<125xi32, #tpu.memory_space<vmem>>) semaphore(%arg28 : memref<!tpu.dma_semaphore, #tpu.memory_space<semaphore_mem>>)
        %dma_start3A_223 = arith.constant 0 : i32
        %dma_start3A_224 = tpu.memref_slice %arg10[%add3A_210, %dma_start3A_223] : memref<80x125xi32, #tpu.memory_space<vmem>> -> memref<1x125xi32, #tpu.memory_space<vmem>>
        %dma_start3A_225 = tpu.memref_squeeze %dma_start3A_224 : memref<1x125xi32, #tpu.memory_space<vmem>> -> memref<125xi32, #tpu.memory_space<vmem>>
        %dma_start3A_226 = arith.constant 0 : i32
        %dma_start3A_227 = arith.constant 0 : i32
        %dma_start3A_228 = tpu.memref_slice %arg7[%dma_start3A_226, %dma_start3A_227] : memref<10000x64xf32, #tpu.memory_space<hbm>> -> memref<10000x64xf32, #tpu.memory_space<hbm>>
        tpu.enqueue_indirect_dma source(%dma_start3A_228 : memref<10000x64xf32, #tpu.memory_space<hbm>>) target(%arg17 : memref<125x64xf32, #tpu.memory_space<vmem>>) offsets(%dma_start3A_225 : memref<125xi32, #tpu.memory_space<vmem>>) semaphore(%arg28 : memref<!tpu.dma_semaphore, #tpu.memory_space<semaphore_mem>>)
      } else {
      }
    }
    %scan3A_74 = arith.constant 40 : i32
    %dma_wait3A = arith.constant 78 : i32
    %dma_wait3A_75 = arith.constant 0 : i32
    %dma_wait3A_76 = tpu.memref_slice %arg11[%dma_wait3A, %dma_wait3A_75] : memref<80x125xi32, #tpu.memory_space<vmem>> -> memref<1x125xi32, #tpu.memory_space<vmem>>
    %dma_wait3A_77 = tpu.memref_squeeze %dma_wait3A_76 : memref<1x125xi32, #tpu.memory_space<vmem>> -> memref<125xi32, #tpu.memory_space<vmem>>
    %dma_wait3A_78 = arith.constant 0 : i32
    %dma_wait3A_79 = arith.constant 0 : i32
    %dma_wait3A_80 = tpu.memref_slice %arg25[%dma_wait3A_78, %dma_wait3A_79] : memref<10240x16xf32, #tpu.memory_space<vmem_shared>> -> memref<10240x16xf32, #tpu.memory_space<vmem_shared>>
    tpu.wait_indirect_dma semaphore(%arg29 : memref<!tpu.dma_semaphore, #tpu.memory_space<semaphore_mem>>) src(%arg18 : memref<125x16xf32, #tpu.memory_space<vmem>>) dst(%dma_wait3A_80 : memref<10240x16xf32, #tpu.memory_space<vmem_shared>>)
    %dma_wait3A_81 = arith.constant 78 : i32
    %dma_wait3A_82 = arith.constant 0 : i32
    %dma_wait3A_83 = tpu.memref_slice %arg11[%dma_wait3A_81, %dma_wait3A_82] : memref<80x125xi32, #tpu.memory_space<vmem>> -> memref<1x125xi32, #tpu.memory_space<vmem>>
    %dma_wait3A_84 = tpu.memref_squeeze %dma_wait3A_83 : memref<1x125xi32, #tpu.memory_space<vmem>> -> memref<125xi32, #tpu.memory_space<vmem>>
    %dma_wait3A_85 = arith.constant 0 : i32
    %dma_wait3A_86 = arith.constant 0 : i32
    %dma_wait3A_87 = tpu.memref_slice %arg26[%dma_wait3A_85, %dma_wait3A_86] : memref<10240x64xf32, #tpu.memory_space<vmem_shared>> -> memref<10240x64xf32, #tpu.memory_space<vmem_shared>>
    tpu.wait_indirect_dma semaphore(%arg29 : memref<!tpu.dma_semaphore, #tpu.memory_space<semaphore_mem>>) src(%arg20 : memref<125x64xf32, #tpu.memory_space<vmem>>) dst(%dma_wait3A_87 : memref<10240x64xf32, #tpu.memory_space<vmem_shared>>)
    %dma_wait3A_88 = arith.constant 79 : i32
    %dma_wait3A_89 = arith.constant 0 : i32
    %dma_wait3A_90 = tpu.memref_slice %arg11[%dma_wait3A_88, %dma_wait3A_89] : memref<80x125xi32, #tpu.memory_space<vmem>> -> memref<1x125xi32, #tpu.memory_space<vmem>>
    %dma_wait3A_91 = tpu.memref_squeeze %dma_wait3A_90 : memref<1x125xi32, #tpu.memory_space<vmem>> -> memref<125xi32, #tpu.memory_space<vmem>>
    %dma_wait3A_92 = arith.constant 0 : i32
    %dma_wait3A_93 = arith.constant 0 : i32
    %dma_wait3A_94 = tpu.memref_slice %arg25[%dma_wait3A_92, %dma_wait3A_93] : memref<10240x16xf32, #tpu.memory_space<vmem_shared>> -> memref<10240x16xf32, #tpu.memory_space<vmem_shared>>
    tpu.wait_indirect_dma semaphore(%arg30 : memref<!tpu.dma_semaphore, #tpu.memory_space<semaphore_mem>>) src(%arg19 : memref<125x16xf32, #tpu.memory_space<vmem>>) dst(%dma_wait3A_94 : memref<10240x16xf32, #tpu.memory_space<vmem_shared>>)
    %dma_wait3A_95 = arith.constant 79 : i32
    %dma_wait3A_96 = arith.constant 0 : i32
    %dma_wait3A_97 = tpu.memref_slice %arg11[%dma_wait3A_95, %dma_wait3A_96] : memref<80x125xi32, #tpu.memory_space<vmem>> -> memref<1x125xi32, #tpu.memory_space<vmem>>
    %dma_wait3A_98 = tpu.memref_squeeze %dma_wait3A_97 : memref<1x125xi32, #tpu.memory_space<vmem>> -> memref<125xi32, #tpu.memory_space<vmem>>
    %dma_wait3A_99 = arith.constant 0 : i32
    %dma_wait3A_100 = arith.constant 0 : i32
    %dma_wait3A_101 = tpu.memref_slice %arg26[%dma_wait3A_99, %dma_wait3A_100] : memref<10240x64xf32, #tpu.memory_space<vmem_shared>> -> memref<10240x64xf32, #tpu.memory_space<vmem_shared>>
    tpu.wait_indirect_dma semaphore(%arg30 : memref<!tpu.dma_semaphore, #tpu.memory_space<semaphore_mem>>) src(%arg21 : memref<125x64xf32, #tpu.memory_space<vmem>>) dst(%dma_wait3A_101 : memref<10240x64xf32, #tpu.memory_space<vmem_shared>>)
    %barrier3A_102 = arith.constant 0 : index
    tpu.barrier barrier_id(%barrier3A_102)
    %mul3A_103 = arith.constant 640 : i32
    %mul3A_104 = arith.muli %arg1, %mul3A_103 : i32
    "tpu.region"() ({
      %run_scoped3A = tpu.sem_alloc : memref<!tpu.dma_semaphore, #tpu.memory_space<semaphore_mem>>
      %dma_start3A_105 = arith.constant 0 : i32
      %dma_start3A_106 = arith.constant 0 : i32
      %dma_start3A_107 = tpu.memref_slice %arg8[%arg0, %dma_start3A_105, %dma_start3A_106] : memref<2x10240x16xf32, #tpu.memory_space<hbm>> -> memref<1x10240x16xf32, #tpu.memory_space<hbm>>
      %dma_start3A_108 = tpu.memref_squeeze %dma_start3A_107 : memref<1x10240x16xf32, #tpu.memory_space<hbm>> -> memref<10240x16xf32, #tpu.memory_space<hbm>>
      %dma_start3A_109 = arith.constant 0 : i32
      %dma_start3A_110 = tpu.memref_slice %dma_start3A_108[%mul3A_104, %dma_start3A_109] : memref<10240x16xf32, #tpu.memory_space<hbm>> -> memref<640x16xf32, #tpu.memory_space<hbm>>
      %dma_start3A_111 = arith.constant 0 : i32
      %dma_start3A_112 = tpu.memref_slice %arg25[%mul3A_104, %dma_start3A_111] : memref<10240x16xf32, #tpu.memory_space<vmem_shared>> -> memref<640x16xf32, #tpu.memory_space<vmem_shared>>
      tpu.enqueue_dma source(%dma_start3A_112 : memref<640x16xf32, #tpu.memory_space<vmem_shared>>) target(%dma_start3A_110 : memref<640x16xf32, #tpu.memory_space<hbm>>) target_semaphore(%run_scoped3A : memref<!tpu.dma_semaphore, #tpu.memory_space<semaphore_mem>>)
      %dma_wait3A_113 = arith.constant 0 : i32
      %dma_wait3A_114 = arith.constant 0 : i32
      %dma_wait3A_115 = tpu.memref_slice %arg8[%arg0, %dma_wait3A_113, %dma_wait3A_114] : memref<2x10240x16xf32, #tpu.memory_space<hbm>> -> memref<1x10240x16xf32, #tpu.memory_space<hbm>>
      %dma_wait3A_116 = tpu.memref_squeeze %dma_wait3A_115 : memref<1x10240x16xf32, #tpu.memory_space<hbm>> -> memref<10240x16xf32, #tpu.memory_space<hbm>>
      %dma_wait3A_117 = arith.constant 0 : i32
      %dma_wait3A_118 = tpu.memref_slice %dma_wait3A_116[%mul3A_104, %dma_wait3A_117] : memref<10240x16xf32, #tpu.memory_space<hbm>> -> memref<640x16xf32, #tpu.memory_space<hbm>>
      %dma_wait3A_119 = arith.constant 0 : i32
      %dma_wait3A_120 = tpu.memref_slice %arg25[%mul3A_104, %dma_wait3A_119] : memref<10240x16xf32, #tpu.memory_space<vmem_shared>> -> memref<640x16xf32, #tpu.memory_space<vmem_shared>>
      tpu.wait_dma2 semaphore(%run_scoped3A : memref<!tpu.dma_semaphore, #tpu.memory_space<semaphore_mem>>) src(%dma_wait3A_120 : memref<640x16xf32, #tpu.memory_space<vmem_shared>>) dst(%dma_wait3A_118 : memref<640x16xf32, #tpu.memory_space<hbm>>)
      tpu.yield
    }) : () -> ()
    "tpu.region"() ({
      %run_scoped3A = tpu.sem_alloc : memref<!tpu.dma_semaphore, #tpu.memory_space<semaphore_mem>>
      %dma_start3A_105 = arith.constant 0 : i32
      %dma_start3A_106 = arith.constant 0 : i32
      %dma_start3A_107 = tpu.memref_slice %arg9[%arg0, %dma_start3A_105, %dma_start3A_106] : memref<2x10240x64xf32, #tpu.memory_space<hbm>> -> memref<1x10240x64xf32, #tpu.memory_space<hbm>>
      %dma_start3A_108 = tpu.memref_squeeze %dma_start3A_107 : memref<1x10240x64xf32, #tpu.memory_space<hbm>> -> memref<10240x64xf32, #tpu.memory_space<hbm>>
      %dma_start3A_109 = arith.constant 0 : i32
      %dma_start3A_110 = tpu.memref_slice %dma_start3A_108[%mul3A_104, %dma_start3A_109] : memref<10240x64xf32, #tpu.memory_space<hbm>> -> memref<640x64xf32, #tpu.memory_space<hbm>>
      %dma_start3A_111 = arith.constant 0 : i32
      %dma_start3A_112 = tpu.memref_slice %arg26[%mul3A_104, %dma_start3A_111] : memref<10240x64xf32, #tpu.memory_space<vmem_shared>> -> memref<640x64xf32, #tpu.memory_space<vmem_shared>>
      tpu.enqueue_dma source(%dma_start3A_112 : memref<640x64xf32, #tpu.memory_space<vmem_shared>>) target(%dma_start3A_110 : memref<640x64xf32, #tpu.memory_space<hbm>>) target_semaphore(%run_scoped3A : memref<!tpu.dma_semaphore, #tpu.memory_space<semaphore_mem>>)
      %dma_wait3A_113 = arith.constant 0 : i32
      %dma_wait3A_114 = arith.constant 0 : i32
      %dma_wait3A_115 = tpu.memref_slice %arg9[%arg0, %dma_wait3A_113, %dma_wait3A_114] : memref<2x10240x64xf32, #tpu.memory_space<hbm>> -> memref<1x10240x64xf32, #tpu.memory_space<hbm>>
      %dma_wait3A_116 = tpu.memref_squeeze %dma_wait3A_115 : memref<1x10240x64xf32, #tpu.memory_space<hbm>> -> memref<10240x64xf32, #tpu.memory_space<hbm>>
      %dma_wait3A_117 = arith.constant 0 : i32
      %dma_wait3A_118 = tpu.memref_slice %dma_wait3A_116[%mul3A_104, %dma_wait3A_117] : memref<10240x64xf32, #tpu.memory_space<hbm>> -> memref<640x64xf32, #tpu.memory_space<hbm>>
      %dma_wait3A_119 = arith.constant 0 : i32
      %dma_wait3A_120 = tpu.memref_slice %arg26[%mul3A_104, %dma_wait3A_119] : memref<10240x64xf32, #tpu.memory_space<vmem_shared>> -> memref<640x64xf32, #tpu.memory_space<vmem_shared>>
      tpu.wait_dma2 semaphore(%run_scoped3A : memref<!tpu.dma_semaphore, #tpu.memory_space<semaphore_mem>>) src(%dma_wait3A_120 : memref<640x64xf32, #tpu.memory_space<vmem_shared>>) dst(%dma_wait3A_118 : memref<640x64xf32, #tpu.memory_space<hbm>>)
      tpu.yield
    }) : () -> ()
    return
  }
}

module attributes {stable_mosaic.version = 14 : i64} {
  func.func @body(%arg0: i32, %arg1: memref<1000x128xf32, #tpu.memory_space<vmem>>, %arg2: memref<128x64xf32, #tpu.memory_space<vmem>>, %arg3: memref<64x16xf32, #tpu.memory_space<vmem>>, %arg4: memref<64x16xf32, #tpu.memory_space<vmem>>, %arg5: memref<1000x64xf32, #tpu.memory_space<vmem>>, %arg6: memref<1000x16xf32, #tpu.memory_space<vmem>>, %arg7: memref<1000x16xf32, #tpu.memory_space<vmem>>, %arg8: memref<1x16xf32, #tpu.memory_space<vmem>>, %arg9: memref<2x16xf32, #tpu.memory_space<vmem>>) attributes {dimension_semantics = [#tpu.dimension_semantics<arbitrary>], iteration_bounds = array<i64: 10>, scalar_prefetch = 0 : i64, scratch_operands = 1 : i64, tpu.core_type = #tpu.core_type<tc>, window_params = [{transform_indices = @transform_0, window_bounds = array<i64: 1000, 128>}, {pipeline_mode = #tpu.pipeline_mode<synchronous>, transform_indices = @transform_1, window_bounds = array<i64: 128, 64>}, {pipeline_mode = #tpu.pipeline_mode<synchronous>, transform_indices = @transform_2, window_bounds = array<i64: 64, 16>}, {pipeline_mode = #tpu.pipeline_mode<synchronous>, transform_indices = @transform_3, window_bounds = array<i64: 64, 16>}, {transform_indices = @transform_4, window_bounds = array<i64: 1000, 64>}, {transform_indices = @transform_5, window_bounds = array<i64: 1000, 16>}, {transform_indices = @transform_6, window_bounds = array<i64: 1000, 16>}, {pipeline_mode = #tpu.pipeline_mode<synchronous>, transform_indices = @transform_7, window_bounds = array<i64: 1, 16>}]} {
    %get3A = arith.constant 0 : index
    %get3A_0 = arith.constant 0 : index
    %get3A_1 = vector.load %arg1[%get3A, %get3A_0] : memref<1000x128xf32, #tpu.memory_space<vmem>>, vector<1000x128xf32>
    %get3A_2 = arith.constant 0 : index
    %get3A_3 = arith.constant 0 : index
    %get3A_4 = vector.load %arg2[%get3A_2, %get3A_3] : memref<128x64xf32, #tpu.memory_space<vmem>>, vector<128x64xf32>
    %dot_general3A = arith.constant dense<0.000000e+00> : vector<1000x64xf32>
    %dot_general3A_5 = tpu.matmul %get3A_1, %get3A_4, %dot_general3A {dimension_numbers = #tpu.dot_dimension_numbers<[1], [0], [0], [1], [0, 0, 1, 1], [], []>, transpose_lhs_hint = false} : vector<1000x128xf32>, vector<128x64xf32>, vector<1000x64xf32> -> vector<1000x64xf32>
    %swap3A = arith.constant 0 : index
    %swap3A_6 = arith.constant 0 : index
    %swap3A_7 = vector.load %arg5[%swap3A, %swap3A_6] : memref<1000x64xf32, #tpu.memory_space<vmem>>, vector<1000x64xf32>
    tpu.vector_store %arg5[%swap3A, %swap3A_6], %dot_general3A_5 {strides = array<i32>} : memref<1000x64xf32, #tpu.memory_space<vmem>>, vector<1000x64xf32>,
    %get3A_8 = arith.constant 0 : index
    %get3A_9 = arith.constant 0 : index
    %get3A_10 = vector.load %arg3[%get3A_8, %get3A_9] : memref<64x16xf32, #tpu.memory_space<vmem>>, vector<64x16xf32>
    %dot_general3A_11 = arith.constant dense<0.000000e+00> : vector<1000x16xf32>
    %dot_general3A_12 = tpu.matmul %dot_general3A_5, %get3A_10, %dot_general3A_11 {dimension_numbers = #tpu.dot_dimension_numbers<[1], [0], [0], [1], [0, 0, 1, 1], [], []>, transpose_lhs_hint = false} : vector<1000x64xf32>, vector<64x16xf32>, vector<1000x16xf32> -> vector<1000x16xf32>
    %get3A_13 = arith.constant 0 : index
    %get3A_14 = arith.constant 0 : index
    %get3A_15 = vector.load %arg4[%get3A_13, %get3A_14] : memref<64x16xf32, #tpu.memory_space<vmem>>, vector<64x16xf32>
    %dot_general3A_16 = arith.constant dense<0.000000e+00> : vector<1000x16xf32>
    %dot_general3A_17 = tpu.matmul %dot_general3A_5, %get3A_15, %dot_general3A_16 {dimension_numbers = #tpu.dot_dimension_numbers<[1], [0], [0], [1], [0, 0, 1, 1], [], []>, transpose_lhs_hint = false} : vector<1000x64xf32>, vector<64x16xf32>, vector<1000x16xf32> -> vector<1000x16xf32>
    %swap3A_18 = arith.constant 0 : index
    %swap3A_19 = arith.constant 0 : index
    %swap3A_20 = vector.load %arg6[%swap3A_18, %swap3A_19] : memref<1000x16xf32, #tpu.memory_space<vmem>>, vector<1000x16xf32>
    tpu.vector_store %arg6[%swap3A_18, %swap3A_19], %dot_general3A_12 {strides = array<i32>} : memref<1000x16xf32, #tpu.memory_space<vmem>>, vector<1000x16xf32>,
    %swap3A_21 = arith.constant 0 : index
    %swap3A_22 = arith.constant 0 : index
    %swap3A_23 = vector.load %arg7[%swap3A_21, %swap3A_22] : memref<1000x16xf32, #tpu.memory_space<vmem>>, vector<1000x16xf32>
    tpu.vector_store %arg7[%swap3A_21, %swap3A_22], %dot_general3A_17 {strides = array<i32>} : memref<1000x16xf32, #tpu.memory_space<vmem>>, vector<1000x16xf32>,
    %reduce_max3A = arith.constant dense<0xFF800000> : vector<16xf32>
    %reduce_max3A_24 = vector.multi_reduction <maximumf>, %dot_general3A_12, %reduce_max3A [0] : vector<1000x16xf32> to vector<16xf32>
    %broadcast_in_dim3A = vector.shape_cast %reduce_max3A_24 : vector<16xf32> to vector<1x16xf32>
    %reduce_max3A_25 = arith.constant dense<0xFF800000> : vector<16xf32>
    %reduce_max3A_26 = vector.multi_reduction <maximumf>, %dot_general3A_17, %reduce_max3A_25 [0] : vector<1000x16xf32> to vector<16xf32>
    %broadcast_in_dim3A_27 = vector.shape_cast %reduce_max3A_26 : vector<16xf32> to vector<1x16xf32>
    %concatenate3A = tpu.concatenate %broadcast_in_dim3A, %broadcast_in_dim3A_27 in 0 : vector<1x16xf32>, vector<1x16xf32> -> vector<2x16xf32>
    %eq3A = arith.constant 0 : i32
    %eq3A_28 = arith.cmpi eq, %arg0, %eq3A : i32
    %convert_element_type3A = arith.extui %eq3A_28 : i1 to i32
    %cond3A = arith.constant 0 : i32
    %cond3A_29 = arith.cmpi ne, %convert_element_type3A, %cond3A : i32
    scf.if %cond3A_29 {
      %swap3A_43 = arith.constant 0 : index
      %swap3A_44 = arith.constant 0 : index
      %swap3A_45 = vector.load %arg9[%swap3A_43, %swap3A_44] : memref<2x16xf32, #tpu.memory_space<vmem>>, vector<2x16xf32>
      tpu.vector_store %arg9[%swap3A_43, %swap3A_44], %concatenate3A {strides = array<i32>} : memref<2x16xf32, #tpu.memory_space<vmem>>, vector<2x16xf32>,
    } else {
    }
    %gt3A = arith.constant 0 : i32
    %gt3A_30 = arith.cmpi sgt, %arg0, %gt3A : i32
    %convert_element_type3A_31 = arith.extui %gt3A_30 : i1 to i32
    %cond3A_32 = arith.constant 0 : i32
    %cond3A_33 = arith.cmpi ne, %convert_element_type3A_31, %cond3A_32 : i32
    scf.if %cond3A_33 {
      %get3A_43 = arith.constant 0 : index
      %get3A_44 = arith.constant 0 : index
      %get3A_45 = vector.load %arg9[%get3A_43, %get3A_44] : memref<2x16xf32, #tpu.memory_space<vmem>>, vector<2x16xf32>
      %max3A = arith.maximumf %get3A_45, %concatenate3A : vector<2x16xf32>
      %swap3A_46 = arith.constant 0 : index
      %swap3A_47 = arith.constant 0 : index
      %swap3A_48 = vector.load %arg9[%swap3A_46, %swap3A_47] : memref<2x16xf32, #tpu.memory_space<vmem>>, vector<2x16xf32>
      tpu.vector_store %arg9[%swap3A_46, %swap3A_47], %max3A {strides = array<i32>} : memref<2x16xf32, #tpu.memory_space<vmem>>, vector<2x16xf32>,
    } else {
    }
    %get3A_34 = arith.constant 0 : index
    %get3A_35 = arith.constant 0 : index
    %get3A_36 = vector.load %arg9[%get3A_34, %get3A_35] : memref<2x16xf32, #tpu.memory_space<vmem>>, vector<1x16xf32>
    %get3A_37 = arith.constant 1 : index
    %get3A_38 = arith.constant 0 : index
    %get3A_39 = vector.load %arg9[%get3A_37, %get3A_38] : memref<2x16xf32, #tpu.memory_space<vmem>>, vector<1x16xf32>
    %add3A = arith.addf %get3A_36, %get3A_39 : vector<1x16xf32>
    %swap3A_40 = arith.constant 0 : index
    %swap3A_41 = arith.constant 0 : index
    %swap3A_42 = vector.load %arg8[%swap3A_40, %swap3A_41] : memref<1x16xf32, #tpu.memory_space<vmem>>, vector<1x16xf32>
    tpu.vector_store %arg8[%swap3A_40, %swap3A_41], %add3A {strides = array<i32>} : memref<1x16xf32, #tpu.memory_space<vmem>>, vector<1x16xf32>,
    return
  }
  func.func @transform_0(%arg0: i32) -> (i32, i32) {
    %c0_i32 = arith.constant 0 : i32
    %c0_i32_0 = arith.constant 0 : i32
    return %arg0, %c0_i32 : i32, i32
  }
  func.func @transform_1(%arg0: i32) -> (i32, i32) {
    %c0_i32 = arith.constant 0 : i32
    %c0_i32_0 = arith.constant 0 : i32
    %c0_i32_1 = arith.constant 0 : i32
    return %c0_i32, %c0_i32_0 : i32, i32
  }
  func.func @transform_2(%arg0: i32) -> (i32, i32) {
    %c0_i32 = arith.constant 0 : i32
    %c0_i32_0 = arith.constant 0 : i32
    %c0_i32_1 = arith.constant 0 : i32
    return %c0_i32, %c0_i32_0 : i32, i32
  }
  func.func @transform_3(%arg0: i32) -> (i32, i32) {
    %c0_i32 = arith.constant 0 : i32
    %c0_i32_0 = arith.constant 0 : i32
    %c0_i32_1 = arith.constant 0 : i32
    return %c0_i32, %c0_i32_0 : i32, i32
  }
  func.func @transform_4(%arg0: i32) -> (i32, i32) {
    %c0_i32 = arith.constant 0 : i32
    %c0_i32_0 = arith.constant 0 : i32
    return %arg0, %c0_i32 : i32, i32
  }
  func.func @transform_5(%arg0: i32) -> (i32, i32) {
    %c0_i32 = arith.constant 0 : i32
    %c0_i32_0 = arith.constant 0 : i32
    return %arg0, %c0_i32 : i32, i32
  }
  func.func @transform_6(%arg0: i32) -> (i32, i32) {
    %c0_i32 = arith.constant 0 : i32
    %c0_i32_0 = arith.constant 0 : i32
    return %arg0, %c0_i32 : i32, i32
  }
  func.func @transform_7(%arg0: i32) -> (i32, i32) {
    %c0_i32 = arith.constant 0 : i32
    %c0_i32_0 = arith.constant 0 : i32
    %c0_i32_1 = arith.constant 0 : i32
    return %c0_i32, %c0_i32_0 : i32, i32
  }
}

module attributes {stable_mosaic.version = 14 : i64} {
  func.func @body(%arg0: i32, %arg1: memref<2x1024x64xf32, #tpu.memory_space<vmem>>, %arg2: memref<2x1024x16xf32, #tpu.memory_space<vmem>>, %arg3: memref<1x64xf32, #tpu.memory_space<vmem>>, %arg4: memref<1x64xf32, #tpu.memory_space<vmem>>, %arg5: memref<1x64xf32, #tpu.memory_space<vmem>>, %arg6: memref<64x64xf32, #tpu.memory_space<vmem>>, %arg7: memref<64x16xf32, #tpu.memory_space<vmem>>, %arg8: memref<64x16xf32, #tpu.memory_space<vmem>>, %arg9: memref<1024x64xf32, #tpu.memory_space<vmem>>, %arg10: memref<1024x16xf32, #tpu.memory_space<vmem>>, %arg11: memref<1024x16xf32, #tpu.memory_space<vmem>>, %arg12: memref<1x16xf32, #tpu.memory_space<vmem>>, %arg13: memref<2x16xf32, #tpu.memory_space<vmem>>) attributes {dimension_semantics = [#tpu.dimension_semantics<arbitrary>], iteration_bounds = array<i64: 10>, scalar_prefetch = 0 : i64, scratch_operands = 1 : i64, tpu.core_type = #tpu.core_type<tc>, window_params = [{transform_indices = @transform_0, window_bounds = array<i64: 2, 1024, 64>}, {transform_indices = @transform_1, window_bounds = array<i64: 2, 1024, 16>}, {pipeline_mode = #tpu.pipeline_mode<synchronous>, transform_indices = @transform_2, window_bounds = array<i64: 1, 64>}, {pipeline_mode = #tpu.pipeline_mode<synchronous>, transform_indices = @transform_3, window_bounds = array<i64: 1, 64>}, {pipeline_mode = #tpu.pipeline_mode<synchronous>, transform_indices = @transform_4, window_bounds = array<i64: 1, 64>}, {pipeline_mode = #tpu.pipeline_mode<synchronous>, transform_indices = @transform_5, window_bounds = array<i64: 64, 64>}, {pipeline_mode = #tpu.pipeline_mode<synchronous>, transform_indices = @transform_6, window_bounds = array<i64: 64, 16>}, {pipeline_mode = #tpu.pipeline_mode<synchronous>, transform_indices = @transform_7, window_bounds = array<i64: 64, 16>}, {transform_indices = @transform_8, window_bounds = array<i64: 1024, 64>}, {transform_indices = @transform_9, window_bounds = array<i64: 1024, 16>}, {transform_indices = @transform_10, window_bounds = array<i64: 1024, 16>}, {pipeline_mode = #tpu.pipeline_mode<synchronous>, transform_indices = @transform_11, window_bounds = array<i64: 1, 16>}]} {
    %get3A = arith.constant 0 : index
    %get3A_0 = arith.constant 0 : index
    %get3A_1 = arith.constant 0 : index
    %get3A_2 = vector.load %arg2[%get3A, %get3A_0, %get3A_1] : memref<2x1024x16xf32, #tpu.memory_space<vmem>>, vector<1x1024x16xf32>
    %get3A_3 = vector.shape_cast %get3A_2 : vector<1x1024x16xf32> to vector<1024x16xf32>
    %get3A_4 = arith.constant 1 : index
    %get3A_5 = arith.constant 0 : index
    %get3A_6 = arith.constant 0 : index
    %get3A_7 = vector.load %arg2[%get3A_4, %get3A_5, %get3A_6] : memref<2x1024x16xf32, #tpu.memory_space<vmem>>, vector<1x1024x16xf32>
    %get3A_8 = vector.shape_cast %get3A_7 : vector<1x1024x16xf32> to vector<1024x16xf32>
    %add3A = arith.addf %get3A_3, %get3A_8 : vector<1024x16xf32>
    %add3A_9 = arith.constant 1.000000e-16 : f32
    %add3A_10 = vector.broadcast %add3A_9 : f32 to vector<1024x16xf32>
    %add3A_11 = arith.addf %add3A, %add3A_10 : vector<1024x16xf32>
    %div3A = arith.constant 1.000000e+00 : f32
    %div3A_12 = vector.broadcast %div3A : f32 to vector<1024x16xf32>
    %div3A_13 = arith.divf %div3A_12, %add3A_11 : vector<1024x16xf32>
    %slice3A = vector.extract_strided_slice %div3A_13 {offsets = [0, 0], sizes = [1024, 8], strides = [1, 1]} : vector<1024x16xf32> to vector<1024x8xf32>
    %concatenate3A = tpu.concatenate %slice3A, %slice3A, %slice3A, %slice3A, %slice3A, %slice3A, %slice3A, %slice3A in 1 : vector<1024x8xf32>, vector<1024x8xf32>, vector<1024x8xf32>, vector<1024x8xf32>, vector<1024x8xf32>, vector<1024x8xf32>, vector<1024x8xf32>, vector<1024x8xf32> -> vector<1024x64xf32>
    %get3A_14 = arith.constant 0 : index
    %get3A_15 = arith.constant 0 : index
    %get3A_16 = arith.constant 0 : index
    %get3A_17 = vector.load %arg1[%get3A_14, %get3A_15, %get3A_16] : memref<2x1024x64xf32, #tpu.memory_space<vmem>>, vector<1x1024x64xf32>
    %get3A_18 = vector.shape_cast %get3A_17 : vector<1x1024x64xf32> to vector<1024x64xf32>
    %get3A_19 = arith.constant 1 : index
    %get3A_20 = arith.constant 0 : index
    %get3A_21 = arith.constant 0 : index
    %get3A_22 = vector.load %arg1[%get3A_19, %get3A_20, %get3A_21] : memref<2x1024x64xf32, #tpu.memory_space<vmem>>, vector<1x1024x64xf32>
    %get3A_23 = vector.shape_cast %get3A_22 : vector<1x1024x64xf32> to vector<1024x64xf32>
    %add3A_24 = arith.addf %get3A_18, %get3A_23 : vector<1024x64xf32>
    %mul3A = arith.mulf %add3A_24, %concatenate3A : vector<1024x64xf32>
    %get3A_25 = arith.constant 0 : index
    %get3A_26 = arith.constant 0 : index
    %get3A_27 = vector.load %arg3[%get3A_25, %get3A_26] : memref<1x64xf32, #tpu.memory_space<vmem>>, vector<1x64xf32>
    %add3A_28 = vector.broadcast %get3A_27 : vector<1x64xf32> to vector<1024x64xf32>
    %add3A_29 = arith.addf %mul3A, %add3A_28 : vector<1024x64xf32>
    %mul3A_30 = arith.constant 0.999994993 : f32
    %mul3A_31 = vector.broadcast %mul3A_30 : f32 to vector<1024x64xf32>
    %mul3A_32 = arith.mulf %add3A_29, %mul3A_31 : vector<1024x64xf32>
    %get3A_33 = arith.constant 0 : index
    %get3A_34 = arith.constant 0 : index
    %get3A_35 = vector.load %arg4[%get3A_33, %get3A_34] : memref<1x64xf32, #tpu.memory_space<vmem>>, vector<1x64xf32>
    %mul3A_36 = vector.broadcast %get3A_35 : vector<1x64xf32> to vector<1024x64xf32>
    %mul3A_37 = arith.mulf %mul3A_32, %mul3A_36 : vector<1024x64xf32>
    %get3A_38 = arith.constant 0 : index
    %get3A_39 = arith.constant 0 : index
    %get3A_40 = vector.load %arg5[%get3A_38, %get3A_39] : memref<1x64xf32, #tpu.memory_space<vmem>>, vector<1x64xf32>
    %add3A_41 = vector.broadcast %get3A_40 : vector<1x64xf32> to vector<1024x64xf32>
    %add3A_42 = arith.addf %mul3A_37, %add3A_41 : vector<1024x64xf32>
    %max3A = arith.constant 0.000000e+00 : f32
    %max3A_43 = vector.broadcast %max3A : f32 to vector<1024x64xf32>
    %max3A_44 = arith.maximumf %add3A_42, %max3A_43 : vector<1024x64xf32>
    %get3A_45 = arith.constant 0 : index
    %get3A_46 = arith.constant 0 : index
    %get3A_47 = vector.load %arg6[%get3A_45, %get3A_46] : memref<64x64xf32, #tpu.memory_space<vmem>>, vector<64x64xf32>
    %dot_general3A = arith.constant dense<0.000000e+00> : vector<1024x64xf32>
    %dot_general3A_48 = tpu.matmul %max3A_44, %get3A_47, %dot_general3A {dimension_numbers = #tpu.dot_dimension_numbers<[1], [0], [0], [1], [0, 0, 1, 1], [], []>, transpose_lhs_hint = false} : vector<1024x64xf32>, vector<64x64xf32>, vector<1024x64xf32> -> vector<1024x64xf32>
    %swap3A = arith.constant 0 : index
    %swap3A_49 = arith.constant 0 : index
    %swap3A_50 = vector.load %arg9[%swap3A, %swap3A_49] : memref<1024x64xf32, #tpu.memory_space<vmem>>, vector<1024x64xf32>
    tpu.vector_store %arg9[%swap3A, %swap3A_49], %dot_general3A_48 {strides = array<i32>} : memref<1024x64xf32, #tpu.memory_space<vmem>>, vector<1024x64xf32>,
    %get3A_51 = arith.constant 0 : index
    %get3A_52 = arith.constant 0 : index
    %get3A_53 = vector.load %arg7[%get3A_51, %get3A_52] : memref<64x16xf32, #tpu.memory_space<vmem>>, vector<64x16xf32>
    %dot_general3A_54 = arith.constant dense<0.000000e+00> : vector<1024x16xf32>
    %dot_general3A_55 = tpu.matmul %dot_general3A_48, %get3A_53, %dot_general3A_54 {dimension_numbers = #tpu.dot_dimension_numbers<[1], [0], [0], [1], [0, 0, 1, 1], [], []>, transpose_lhs_hint = false} : vector<1024x64xf32>, vector<64x16xf32>, vector<1024x16xf32> -> vector<1024x16xf32>
    %get3A_56 = arith.constant 0 : index
    %get3A_57 = arith.constant 0 : index
    %get3A_58 = vector.load %arg8[%get3A_56, %get3A_57] : memref<64x16xf32, #tpu.memory_space<vmem>>, vector<64x16xf32>
    %dot_general3A_59 = arith.constant dense<0.000000e+00> : vector<1024x16xf32>
    %dot_general3A_60 = tpu.matmul %dot_general3A_48, %get3A_58, %dot_general3A_59 {dimension_numbers = #tpu.dot_dimension_numbers<[1], [0], [0], [1], [0, 0, 1, 1], [], []>, transpose_lhs_hint = false} : vector<1024x64xf32>, vector<64x16xf32>, vector<1024x16xf32> -> vector<1024x16xf32>
    %swap3A_61 = arith.constant 0 : index
    %swap3A_62 = arith.constant 0 : index
    %swap3A_63 = vector.load %arg10[%swap3A_61, %swap3A_62] : memref<1024x16xf32, #tpu.memory_space<vmem>>, vector<1024x16xf32>
    tpu.vector_store %arg10[%swap3A_61, %swap3A_62], %dot_general3A_55 {strides = array<i32>} : memref<1024x16xf32, #tpu.memory_space<vmem>>, vector<1024x16xf32>,
    %swap3A_64 = arith.constant 0 : index
    %swap3A_65 = arith.constant 0 : index
    %swap3A_66 = vector.load %arg11[%swap3A_64, %swap3A_65] : memref<1024x16xf32, #tpu.memory_space<vmem>>, vector<1024x16xf32>
    tpu.vector_store %arg11[%swap3A_64, %swap3A_65], %dot_general3A_60 {strides = array<i32>} : memref<1024x16xf32, #tpu.memory_space<vmem>>, vector<1024x16xf32>,
    %reduce_max3A = arith.constant dense<0xFF800000> : vector<16xf32>
    %reduce_max3A_67 = vector.multi_reduction <maximumf>, %dot_general3A_55, %reduce_max3A [0] : vector<1024x16xf32> to vector<16xf32>
    %broadcast_in_dim3A = vector.shape_cast %reduce_max3A_67 : vector<16xf32> to vector<1x16xf32>
    %reduce_max3A_68 = arith.constant dense<0xFF800000> : vector<16xf32>
    %reduce_max3A_69 = vector.multi_reduction <maximumf>, %dot_general3A_60, %reduce_max3A_68 [0] : vector<1024x16xf32> to vector<16xf32>
    %broadcast_in_dim3A_70 = vector.shape_cast %reduce_max3A_69 : vector<16xf32> to vector<1x16xf32>
    %concatenate3A_71 = tpu.concatenate %broadcast_in_dim3A, %broadcast_in_dim3A_70 in 0 : vector<1x16xf32>, vector<1x16xf32> -> vector<2x16xf32>
    %eq3A = arith.constant 0 : i32
    %eq3A_72 = arith.cmpi eq, %arg0, %eq3A : i32
    %convert_element_type3A = arith.extui %eq3A_72 : i1 to i32
    %cond3A = arith.constant 0 : i32
    %cond3A_73 = arith.cmpi ne, %convert_element_type3A, %cond3A : i32
    scf.if %cond3A_73 {
      %swap3A_88 = arith.constant 0 : index
      %swap3A_89 = arith.constant 0 : index
      %swap3A_90 = vector.load %arg13[%swap3A_88, %swap3A_89] : memref<2x16xf32, #tpu.memory_space<vmem>>, vector<2x16xf32>
      tpu.vector_store %arg13[%swap3A_88, %swap3A_89], %concatenate3A_71 {strides = array<i32>} : memref<2x16xf32, #tpu.memory_space<vmem>>, vector<2x16xf32>,
    } else {
    }
    %gt3A = arith.constant 0 : i32
    %gt3A_74 = arith.cmpi sgt, %arg0, %gt3A : i32
    %convert_element_type3A_75 = arith.extui %gt3A_74 : i1 to i32
    %cond3A_76 = arith.constant 0 : i32
    %cond3A_77 = arith.cmpi ne, %convert_element_type3A_75, %cond3A_76 : i32
    scf.if %cond3A_77 {
      %get3A_88 = arith.constant 0 : index
      %get3A_89 = arith.constant 0 : index
      %get3A_90 = vector.load %arg13[%get3A_88, %get3A_89] : memref<2x16xf32, #tpu.memory_space<vmem>>, vector<2x16xf32>
      %max3A_91 = arith.maximumf %get3A_90, %concatenate3A_71 : vector<2x16xf32>
      %swap3A_92 = arith.constant 0 : index
      %swap3A_93 = arith.constant 0 : index
      %swap3A_94 = vector.load %arg13[%swap3A_92, %swap3A_93] : memref<2x16xf32, #tpu.memory_space<vmem>>, vector<2x16xf32>
      tpu.vector_store %arg13[%swap3A_92, %swap3A_93], %max3A_91 {strides = array<i32>} : memref<2x16xf32, #tpu.memory_space<vmem>>, vector<2x16xf32>,
    } else {
    }
    %get3A_78 = arith.constant 0 : index
    %get3A_79 = arith.constant 0 : index
    %get3A_80 = vector.load %arg13[%get3A_78, %get3A_79] : memref<2x16xf32, #tpu.memory_space<vmem>>, vector<1x16xf32>
    %get3A_81 = arith.constant 1 : index
    %get3A_82 = arith.constant 0 : index
    %get3A_83 = vector.load %arg13[%get3A_81, %get3A_82] : memref<2x16xf32, #tpu.memory_space<vmem>>, vector<1x16xf32>
    %add3A_84 = arith.addf %get3A_80, %get3A_83 : vector<1x16xf32>
    %swap3A_85 = arith.constant 0 : index
    %swap3A_86 = arith.constant 0 : index
    %swap3A_87 = vector.load %arg12[%swap3A_85, %swap3A_86] : memref<1x16xf32, #tpu.memory_space<vmem>>, vector<1x16xf32>
    tpu.vector_store %arg12[%swap3A_85, %swap3A_86], %add3A_84 {strides = array<i32>} : memref<1x16xf32, #tpu.memory_space<vmem>>, vector<1x16xf32>,
    return
  }
  func.func @transform_0(%arg0: i32) -> (i32, i32, i32) {
    %c0_i32 = arith.constant 0 : i32
    %c0_i32_0 = arith.constant 0 : i32
    %c0_i32_1 = arith.constant 0 : i32
    return %c0_i32, %arg0, %c0_i32_0 : i32, i32, i32
  }
  func.func @transform_1(%arg0: i32) -> (i32, i32, i32) {
    %c0_i32 = arith.constant 0 : i32
    %c0_i32_0 = arith.constant 0 : i32
    %c0_i32_1 = arith.constant 0 : i32
    return %c0_i32, %arg0, %c0_i32_0 : i32, i32, i32
  }
  func.func @transform_2(%arg0: i32) -> (i32, i32) {
    %c0_i32 = arith.constant 0 : i32
    %c0_i32_0 = arith.constant 0 : i32
    %c0_i32_1 = arith.constant 0 : i32
    return %c0_i32, %c0_i32_0 : i32, i32
  }
  func.func @transform_3(%arg0: i32) -> (i32, i32) {
    %c0_i32 = arith.constant 0 : i32
    %c0_i32_0 = arith.constant 0 : i32
    %c0_i32_1 = arith.constant 0 : i32
    return %c0_i32, %c0_i32_0 : i32, i32
  }
  func.func @transform_4(%arg0: i32) -> (i32, i32) {
    %c0_i32 = arith.constant 0 : i32
    %c0_i32_0 = arith.constant 0 : i32
    %c0_i32_1 = arith.constant 0 : i32
    return %c0_i32, %c0_i32_0 : i32, i32
  }
  func.func @transform_5(%arg0: i32) -> (i32, i32) {
    %c0_i32 = arith.constant 0 : i32
    %c0_i32_0 = arith.constant 0 : i32
    %c0_i32_1 = arith.constant 0 : i32
    return %c0_i32, %c0_i32_0 : i32, i32
  }
  func.func @transform_6(%arg0: i32) -> (i32, i32) {
    %c0_i32 = arith.constant 0 : i32
    %c0_i32_0 = arith.constant 0 : i32
    %c0_i32_1 = arith.constant 0 : i32
    return %c0_i32, %c0_i32_0 : i32, i32
  }
  func.func @transform_7(%arg0: i32) -> (i32, i32) {
    %c0_i32 = arith.constant 0 : i32
    %c0_i32_0 = arith.constant 0 : i32
    %c0_i32_1 = arith.constant 0 : i32
    return %c0_i32, %c0_i32_0 : i32, i32
  }
  func.func @transform_8(%arg0: i32) -> (i32, i32) {
    %c0_i32 = arith.constant 0 : i32
    %c0_i32_0 = arith.constant 0 : i32
    return %arg0, %c0_i32 : i32, i32
  }
  func.func @transform_9(%arg0: i32) -> (i32, i32) {
    %c0_i32 = arith.constant 0 : i32
    %c0_i32_0 = arith.constant 0 : i32
    return %arg0, %c0_i32 : i32, i32
  }
  func.func @transform_10(%arg0: i32) -> (i32, i32) {
    %c0_i32 = arith.constant 0 : i32
    %c0_i32_0 = arith.constant 0 : i32
    return %arg0, %c0_i32 : i32, i32
  }
  func.func @transform_11(%arg0: i32) -> (i32, i32) {
    %c0_i32 = arith.constant 0 : i32
    %c0_i32_0 = arith.constant 0 : i32
    %c0_i32_1 = arith.constant 0 : i32
    return %c0_i32, %c0_i32_0 : i32, i32
  }
}

module attributes {stable_mosaic.version = 14 : i64} {
  func.func @body(%arg0: i32, %arg1: memref<2x1024x64xf32, #tpu.memory_space<vmem>>, %arg2: memref<2x1024x16xf32, #tpu.memory_space<vmem>>, %arg3: memref<1x64xf32, #tpu.memory_space<vmem>>, %arg4: memref<1x64xf32, #tpu.memory_space<vmem>>, %arg5: memref<1x64xf32, #tpu.memory_space<vmem>>, %arg6: memref<64x64xf32, #tpu.memory_space<vmem>>, %arg7: memref<1x64xf32, #tpu.memory_space<vmem>>, %arg8: memref<1x64xf32, #tpu.memory_space<vmem>>, %arg9: memref<1x64xf32, #tpu.memory_space<vmem>>, %arg10: memref<64x64xf32, #tpu.memory_space<vmem>>, %arg11: memref<1x64xf32, #tpu.memory_space<vmem>>, %arg12: memref<1x64xf32, #tpu.memory_space<vmem>>, %arg13: memref<1x64xf32, #tpu.memory_space<vmem>>, %arg14: memref<64x1xf32, #tpu.memory_space<vmem>>, %arg15: memref<1x1xf32, #tpu.memory_space<vmem>>, %arg16: memref<1024x1xf32, #tpu.memory_space<vmem>>) attributes {dimension_semantics = [#tpu.dimension_semantics<arbitrary>], iteration_bounds = array<i64: 10>, scalar_prefetch = 0 : i64, scratch_operands = 0 : i64, tpu.core_type = #tpu.core_type<tc>, window_params = [{transform_indices = @transform_0, window_bounds = array<i64: 2, 1024, 64>}, {transform_indices = @transform_1, window_bounds = array<i64: 2, 1024, 16>}, {pipeline_mode = #tpu.pipeline_mode<synchronous>, transform_indices = @transform_2, window_bounds = array<i64: 1, 64>}, {pipeline_mode = #tpu.pipeline_mode<synchronous>, transform_indices = @transform_3, window_bounds = array<i64: 1, 64>}, {pipeline_mode = #tpu.pipeline_mode<synchronous>, transform_indices = @transform_4, window_bounds = array<i64: 1, 64>}, {pipeline_mode = #tpu.pipeline_mode<synchronous>, transform_indices = @transform_5, window_bounds = array<i64: 64, 64>}, {pipeline_mode = #tpu.pipeline_mode<synchronous>, transform_indices = @transform_6, window_bounds = array<i64: 1, 64>}, {pipeline_mode = #tpu.pipeline_mode<synchronous>, transform_indices = @transform_7, window_bounds = array<i64: 1, 64>}, {pipeline_mode = #tpu.pipeline_mode<synchronous>, transform_indices = @transform_8, window_bounds = array<i64: 1, 64>}, {pipeline_mode = #tpu.pipeline_mode<synchronous>, transform_indices = @transform_9, window_bounds = array<i64: 64, 64>}, {pipeline_mode = #tpu.pipeline_mode<synchronous>, transform_indices = @transform_10, window_bounds = array<i64: 1, 64>}, {pipeline_mode = #tpu.pipeline_mode<synchronous>, transform_indices = @transform_11, window_bounds = array<i64: 1, 64>}, {pipeline_mode = #tpu.pipeline_mode<synchronous>, transform_indices = @transform_12, window_bounds = array<i64: 1, 64>}, {pipeline_mode = #tpu.pipeline_mode<synchronous>, transform_indices = @transform_13, window_bounds = array<i64: 64, 1>}, {pipeline_mode = #tpu.pipeline_mode<synchronous>, transform_indices = @transform_14, window_bounds = array<i64: 1, 1>}, {transform_indices = @transform_15, window_bounds = array<i64: 1024, 1>}]} {
    %get3A = arith.constant 0 : index
    %get3A_0 = arith.constant 0 : index
    %get3A_1 = arith.constant 0 : index
    %get3A_2 = vector.load %arg2[%get3A, %get3A_0, %get3A_1] : memref<2x1024x16xf32, #tpu.memory_space<vmem>>, vector<1x1024x1xf32>
    %get3A_3 = vector.shape_cast %get3A_2 : vector<1x1024x1xf32> to vector<1024x1xf32>
    %get3A_4 = arith.constant 1 : index
    %get3A_5 = arith.constant 0 : index
    %get3A_6 = arith.constant 0 : index
    %get3A_7 = vector.load %arg2[%get3A_4, %get3A_5, %get3A_6] : memref<2x1024x16xf32, #tpu.memory_space<vmem>>, vector<1x1024x1xf32>
    %get3A_8 = vector.shape_cast %get3A_7 : vector<1x1024x1xf32> to vector<1024x1xf32>
    %add3A = arith.addf %get3A_3, %get3A_8 : vector<1024x1xf32>
    %add3A_9 = arith.constant 1.000000e-16 : f32
    %add3A_10 = vector.broadcast %add3A_9 : f32 to vector<1024x1xf32>
    %add3A_11 = arith.addf %add3A, %add3A_10 : vector<1024x1xf32>
    %div3A = arith.constant 1.000000e+00 : f32
    %div3A_12 = vector.broadcast %div3A : f32 to vector<1024x1xf32>
    %div3A_13 = arith.divf %div3A_12, %add3A_11 : vector<1024x1xf32>
    %get3A_14 = arith.constant 0 : index
    %get3A_15 = arith.constant 0 : index
    %get3A_16 = arith.constant 0 : index
    %get3A_17 = vector.load %arg1[%get3A_14, %get3A_15, %get3A_16] : memref<2x1024x64xf32, #tpu.memory_space<vmem>>, vector<1x1024x64xf32>
    %get3A_18 = vector.shape_cast %get3A_17 : vector<1x1024x64xf32> to vector<1024x64xf32>
    %get3A_19 = arith.constant 1 : index
    %get3A_20 = arith.constant 0 : index
    %get3A_21 = arith.constant 0 : index
    %get3A_22 = vector.load %arg1[%get3A_19, %get3A_20, %get3A_21] : memref<2x1024x64xf32, #tpu.memory_space<vmem>>, vector<1x1024x64xf32>
    %get3A_23 = vector.shape_cast %get3A_22 : vector<1x1024x64xf32> to vector<1024x64xf32>
    %add3A_24 = arith.addf %get3A_18, %get3A_23 : vector<1024x64xf32>
    %mul3A = vector.broadcast %div3A_13 : vector<1024x1xf32> to vector<1024x64xf32>
    %mul3A_25 = arith.mulf %add3A_24, %mul3A : vector<1024x64xf32>
    %get3A_26 = arith.constant 0 : index
    %get3A_27 = arith.constant 0 : index
    %get3A_28 = vector.load %arg3[%get3A_26, %get3A_27] : memref<1x64xf32, #tpu.memory_space<vmem>>, vector<1x64xf32>
    %add3A_29 = vector.broadcast %get3A_28 : vector<1x64xf32> to vector<1024x64xf32>
    %add3A_30 = arith.addf %mul3A_25, %add3A_29 : vector<1024x64xf32>
    %mul3A_31 = arith.constant 0.999994993 : f32
    %mul3A_32 = vector.broadcast %mul3A_31 : f32 to vector<1024x64xf32>
    %mul3A_33 = arith.mulf %add3A_30, %mul3A_32 : vector<1024x64xf32>
    %get3A_34 = arith.constant 0 : index
    %get3A_35 = arith.constant 0 : index
    %get3A_36 = vector.load %arg4[%get3A_34, %get3A_35] : memref<1x64xf32, #tpu.memory_space<vmem>>, vector<1x64xf32>
    %mul3A_37 = vector.broadcast %get3A_36 : vector<1x64xf32> to vector<1024x64xf32>
    %mul3A_38 = arith.mulf %mul3A_33, %mul3A_37 : vector<1024x64xf32>
    %get3A_39 = arith.constant 0 : index
    %get3A_40 = arith.constant 0 : index
    %get3A_41 = vector.load %arg5[%get3A_39, %get3A_40] : memref<1x64xf32, #tpu.memory_space<vmem>>, vector<1x64xf32>
    %add3A_42 = vector.broadcast %get3A_41 : vector<1x64xf32> to vector<1024x64xf32>
    %add3A_43 = arith.addf %mul3A_38, %add3A_42 : vector<1024x64xf32>
    %get3A_44 = arith.constant 0 : index
    %get3A_45 = arith.constant 0 : index
    %get3A_46 = vector.load %arg6[%get3A_44, %get3A_45] : memref<64x64xf32, #tpu.memory_space<vmem>>, vector<64x64xf32>
    %dot_general3A = arith.constant dense<0.000000e+00> : vector<1024x64xf32>
    %dot_general3A_47 = tpu.matmul %add3A_43, %get3A_46, %dot_general3A {dimension_numbers = #tpu.dot_dimension_numbers<[1], [0], [0], [1], [0, 0, 1, 1], [], []>, transpose_lhs_hint = false} : vector<1024x64xf32>, vector<64x64xf32>, vector<1024x64xf32> -> vector<1024x64xf32>
    %get3A_48 = arith.constant 0 : index
    %get3A_49 = arith.constant 0 : index
    %get3A_50 = vector.load %arg7[%get3A_48, %get3A_49] : memref<1x64xf32, #tpu.memory_space<vmem>>, vector<1x64xf32>
    %add3A_51 = vector.broadcast %get3A_50 : vector<1x64xf32> to vector<1024x64xf32>
    %add3A_52 = arith.addf %dot_general3A_47, %add3A_51 : vector<1024x64xf32>
    %mul3A_53 = arith.constant 0.999994993 : f32
    %mul3A_54 = vector.broadcast %mul3A_53 : f32 to vector<1024x64xf32>
    %mul3A_55 = arith.mulf %add3A_52, %mul3A_54 : vector<1024x64xf32>
    %get3A_56 = arith.constant 0 : index
    %get3A_57 = arith.constant 0 : index
    %get3A_58 = vector.load %arg8[%get3A_56, %get3A_57] : memref<1x64xf32, #tpu.memory_space<vmem>>, vector<1x64xf32>
    %mul3A_59 = vector.broadcast %get3A_58 : vector<1x64xf32> to vector<1024x64xf32>
    %mul3A_60 = arith.mulf %mul3A_55, %mul3A_59 : vector<1024x64xf32>
    %get3A_61 = arith.constant 0 : index
    %get3A_62 = arith.constant 0 : index
    %get3A_63 = vector.load %arg9[%get3A_61, %get3A_62] : memref<1x64xf32, #tpu.memory_space<vmem>>, vector<1x64xf32>
    %add3A_64 = vector.broadcast %get3A_63 : vector<1x64xf32> to vector<1024x64xf32>
    %add3A_65 = arith.addf %mul3A_60, %add3A_64 : vector<1024x64xf32>
    %max3A = arith.constant 0.000000e+00 : f32
    %max3A_66 = vector.broadcast %max3A : f32 to vector<1024x64xf32>
    %max3A_67 = arith.maximumf %add3A_65, %max3A_66 : vector<1024x64xf32>
    %get3A_68 = arith.constant 0 : index
    %get3A_69 = arith.constant 0 : index
    %get3A_70 = vector.load %arg10[%get3A_68, %get3A_69] : memref<64x64xf32, #tpu.memory_space<vmem>>, vector<64x64xf32>
    %dot_general3A_71 = arith.constant dense<0.000000e+00> : vector<1024x64xf32>
    %dot_general3A_72 = tpu.matmul %max3A_67, %get3A_70, %dot_general3A_71 {dimension_numbers = #tpu.dot_dimension_numbers<[1], [0], [0], [1], [0, 0, 1, 1], [], []>, transpose_lhs_hint = false} : vector<1024x64xf32>, vector<64x64xf32>, vector<1024x64xf32> -> vector<1024x64xf32>
    %get3A_73 = arith.constant 0 : index
    %get3A_74 = arith.constant 0 : index
    %get3A_75 = vector.load %arg11[%get3A_73, %get3A_74] : memref<1x64xf32, #tpu.memory_space<vmem>>, vector<1x64xf32>
    %add3A_76 = vector.broadcast %get3A_75 : vector<1x64xf32> to vector<1024x64xf32>
    %add3A_77 = arith.addf %dot_general3A_72, %add3A_76 : vector<1024x64xf32>
    %mul3A_78 = arith.constant 0.999994993 : f32
    %mul3A_79 = vector.broadcast %mul3A_78 : f32 to vector<1024x64xf32>
    %mul3A_80 = arith.mulf %add3A_77, %mul3A_79 : vector<1024x64xf32>
    %get3A_81 = arith.constant 0 : index
    %get3A_82 = arith.constant 0 : index
    %get3A_83 = vector.load %arg12[%get3A_81, %get3A_82] : memref<1x64xf32, #tpu.memory_space<vmem>>, vector<1x64xf32>
    %mul3A_84 = vector.broadcast %get3A_83 : vector<1x64xf32> to vector<1024x64xf32>
    %mul3A_85 = arith.mulf %mul3A_80, %mul3A_84 : vector<1024x64xf32>
    %get3A_86 = arith.constant 0 : index
    %get3A_87 = arith.constant 0 : index
    %get3A_88 = vector.load %arg13[%get3A_86, %get3A_87] : memref<1x64xf32, #tpu.memory_space<vmem>>, vector<1x64xf32>
    %add3A_89 = vector.broadcast %get3A_88 : vector<1x64xf32> to vector<1024x64xf32>
    %add3A_90 = arith.addf %mul3A_85, %add3A_89 : vector<1024x64xf32>
    %max3A_91 = arith.constant 0.000000e+00 : f32
    %max3A_92 = vector.broadcast %max3A_91 : f32 to vector<1024x64xf32>
    %max3A_93 = arith.maximumf %add3A_90, %max3A_92 : vector<1024x64xf32>
    %get3A_94 = arith.constant 0 : index
    %get3A_95 = arith.constant 0 : index
    %get3A_96 = vector.load %arg14[%get3A_94, %get3A_95] : memref<64x1xf32, #tpu.memory_space<vmem>>, vector<64x1xf32>
    %dot_general3A_97 = arith.constant dense<0.000000e+00> : vector<1024x1xf32>
    %dot_general3A_98 = tpu.matmul %max3A_93, %get3A_96, %dot_general3A_97 {dimension_numbers = #tpu.dot_dimension_numbers<[1], [0], [0], [1], [0, 0, 1, 1], [], []>, transpose_lhs_hint = false} : vector<1024x64xf32>, vector<64x1xf32>, vector<1024x1xf32> -> vector<1024x1xf32>
    %get3A_99 = arith.constant 0 : index
    %get3A_100 = arith.constant 0 : index
    %get3A_101 = vector.load %arg15[%get3A_99, %get3A_100] : memref<1x1xf32, #tpu.memory_space<vmem>>, vector<1x1xf32>
    %add3A_102 = vector.broadcast %get3A_101 : vector<1x1xf32> to vector<1024x1xf32>
    %add3A_103 = arith.addf %dot_general3A_98, %add3A_102 : vector<1024x1xf32>
    %logistic3A = arith.negf %add3A_103 : vector<1024x1xf32>
    %logistic3A_104 = math.exp %logistic3A : vector<1024x1xf32>
    %logistic3A_105 = arith.constant 1.000000e+00 : f32
    %logistic3A_106 = vector.broadcast %logistic3A_105 : f32 to vector<1024x1xf32>
    %logistic3A_107 = arith.addf %logistic3A_106, %logistic3A_104 : vector<1024x1xf32>
    %logistic3A_108 = arith.divf %logistic3A_106, %logistic3A_107 : vector<1024x1xf32>
    %swap3A = arith.constant 0 : index
    %swap3A_109 = arith.constant 0 : index
    %swap3A_110 = vector.load %arg16[%swap3A, %swap3A_109] : memref<1024x1xf32, #tpu.memory_space<vmem>>, vector<1024x1xf32>
    tpu.vector_store %arg16[%swap3A, %swap3A_109], %logistic3A_108 {strides = array<i32>} : memref<1024x1xf32, #tpu.memory_space<vmem>>, vector<1024x1xf32>,
    return
  }
  func.func @transform_0(%arg0: i32) -> (i32, i32, i32) {
    %c0_i32 = arith.constant 0 : i32
    %c0_i32_0 = arith.constant 0 : i32
    %c0_i32_1 = arith.constant 0 : i32
    return %c0_i32, %arg0, %c0_i32_0 : i32, i32, i32
  }
  func.func @transform_1(%arg0: i32) -> (i32, i32, i32) {
    %c0_i32 = arith.constant 0 : i32
    %c0_i32_0 = arith.constant 0 : i32
    %c0_i32_1 = arith.constant 0 : i32
    return %c0_i32, %arg0, %c0_i32_0 : i32, i32, i32
  }
  func.func @transform_2(%arg0: i32) -> (i32, i32) {
    %c0_i32 = arith.constant 0 : i32
    %c0_i32_0 = arith.constant 0 : i32
    %c0_i32_1 = arith.constant 0 : i32
    return %c0_i32, %c0_i32_0 : i32, i32
  }
  func.func @transform_3(%arg0: i32) -> (i32, i32) {
    %c0_i32 = arith.constant 0 : i32
    %c0_i32_0 = arith.constant 0 : i32
    %c0_i32_1 = arith.constant 0 : i32
    return %c0_i32, %c0_i32_0 : i32, i32
  }
  func.func @transform_4(%arg0: i32) -> (i32, i32) {
    %c0_i32 = arith.constant 0 : i32
    %c0_i32_0 = arith.constant 0 : i32
    %c0_i32_1 = arith.constant 0 : i32
    return %c0_i32, %c0_i32_0 : i32, i32
  }
  func.func @transform_5(%arg0: i32) -> (i32, i32) {
    %c0_i32 = arith.constant 0 : i32
    %c0_i32_0 = arith.constant 0 : i32
    %c0_i32_1 = arith.constant 0 : i32
    return %c0_i32, %c0_i32_0 : i32, i32
  }
  func.func @transform_6(%arg0: i32) -> (i32, i32) {
    %c0_i32 = arith.constant 0 : i32
    %c0_i32_0 = arith.constant 0 : i32
    %c0_i32_1 = arith.constant 0 : i32
    return %c0_i32, %c0_i32_0 : i32, i32
  }
  func.func @transform_7(%arg0: i32) -> (i32, i32) {
    %c0_i32 = arith.constant 0 : i32
    %c0_i32_0 = arith.constant 0 : i32
    %c0_i32_1 = arith.constant 0 : i32
    return %c0_i32, %c0_i32_0 : i32, i32
  }
  func.func @transform_8(%arg0: i32) -> (i32, i32) {
    %c0_i32 = arith.constant 0 : i32
    %c0_i32_0 = arith.constant 0 : i32
    %c0_i32_1 = arith.constant 0 : i32
    return %c0_i32, %c0_i32_0 : i32, i32
  }
  func.func @transform_9(%arg0: i32) -> (i32, i32) {
    %c0_i32 = arith.constant 0 : i32
    %c0_i32_0 = arith.constant 0 : i32
    %c0_i32_1 = arith.constant 0 : i32
    return %c0_i32, %c0_i32_0 : i32, i32
  }
  func.func @transform_10(%arg0: i32) -> (i32, i32) {
    %c0_i32 = arith.constant 0 : i32
    %c0_i32_0 = arith.constant 0 : i32
    %c0_i32_1 = arith.constant 0 : i32
    return %c0_i32, %c0_i32_0 : i32, i32
  }
  func.func @transform_11(%arg0: i32) -> (i32, i32) {
    %c0_i32 = arith.constant 0 : i32
    %c0_i32_0 = arith.constant 0 : i32
    %c0_i32_1 = arith.constant 0 : i32
    return %c0_i32, %c0_i32_0 : i32, i32
  }
  func.func @transform_12(%arg0: i32) -> (i32, i32) {
    %c0_i32 = arith.constant 0 : i32
    %c0_i32_0 = arith.constant 0 : i32
    %c0_i32_1 = arith.constant 0 : i32
    return %c0_i32, %c0_i32_0 : i32, i32
  }
  func.func @transform_13(%arg0: i32) -> (i32, i32) {
    %c0_i32 = arith.constant 0 : i32
    %c0_i32_0 = arith.constant 0 : i32
    %c0_i32_1 = arith.constant 0 : i32
    return %c0_i32, %c0_i32_0 : i32, i32
  }
  func.func @transform_14(%arg0: i32) -> (i32, i32) {
    %c0_i32 = arith.constant 0 : i32
    %c0_i32_0 = arith.constant 0 : i32
    %c0_i32_1 = arith.constant 0 : i32
    return %c0_i32, %c0_i32_0 : i32, i32
  }
  func.func @transform_15(%arg0: i32) -> (i32, i32) {
    %c0_i32 = arith.constant 0 : i32
    %c0_i32_0 = arith.constant 0 : i32
    return %arg0, %c0_i32 : i32, i32
  }
}

</mosaic_0001>

<sc_bundles>
// kernel: kernel.10.cloned.1.call-start
scs
__scs_entry_jumppad:
0x0: {  	(pc) =	sbr.rel $0x88, $3  }
0x1: {  	(tag) =	ssettag $0x0;
	lr =	simm.s32 $0x1  }
0x2: {  	[smem:$0x3F89] =	sst lr;
	_ =	strace $0xD0000000  }
0x3: {  	_ = 	snop  }
0x4: {  	_ = 	snop  }
0x5: {  	_ = 	snop  }
0x6: {  	_ = 	snop  }
0x7: {  	_ = 	snop  }
__scs_overlays_trampoline_lowered:
0x8: {  	[smem:$0x3F98] =	sst s0  }
0x9: {  	[smem:$0x3F99] =	sst s1  }
0xa: {  	[smem:$0x3F9A] =	sst s2  }
0xb: {  	[smem:$0x3F9B] =	sst s3  }
0xc: {  	[smem:$0x3F9C] =	sst s4  }
0xd: {  	[smem:$0x3F9D] =	sst s5  }
0xe: {  	[smem:$0x3F9E] =	sst s6  }
0xf: {  	[smem:$0x3F9F] =	sst s7  }
0x10: {  	[smem:$0x3FA0] =	sst s8  }
0x11: {  	[smem:$0x3FA1] =	sst s9;
	s0 =	simm.s32 @!p0 $0x0  }
0x12: {  	s1 =	sld [smem:$0x3F87];
	s0 =	simm.s32 @p0 $0x1  }
0x13: {  	[smem:$0x3FA2] =	sst s0;
	s0 =	simm.s32 @!p1 $0x0  }
0x14: {  	s2 =	sld [smem:$0x3F86];
	s0 =	simm.s32 @p1 $0x1  }
0x15: {  	[smem:$0x3FA3] =	sst s0;
	s0 =	simm.s32 @!p2 $0x0  }
0x16: {  	s3 =	sld [smem:$0x3FDB];
	s0 =	simm.s32 @p2 $0x1  }
0x17: {  	s4 =	simm.s32 $0x1BF5;
	[smem:$0x3FA5] =	sst s0  }
0x18: {  	s0 =	sld [smem:$0x3F88];
	_ =	swait.ge [sflag:s4], $0x0  }
0x19: {  	s7 =	sld [smem:$0x3F89]  }
0x1a: {  	s8 =	sadd.s32 $0xFFFFE003, lr  }
0x1b: {  	s9 =	sadd.s32 $0xFFFFFEF7, lr;
	s5 =	simm.s32 $0xFFFFFFFF;
	p2 =	slt.u32 s8, $0xFFFFF086  }
0x1c: {  	p1 =	slt.u32 s9, $0xF7A;
	s5 =	simm.s32 @!p2 $0x0  }
0x1d: {  	s5 =	simm.s32 @p1 $0x1;
	p0 =	seq.s32 s7, s2  }
0x1e: {  	s7 =	smul.u32 @!p0 $0xF7A, s2;
	p2 =	seq.s32 @!p0 s5, $0x0  }
0x1f: {  	s9 =	smul.u32 $0xF7A, s1;
	s8 =	simm.s32 @!p0 $0x1BF5;
	p2 =	por !p2, p0  }
0x20: {  	[sflag:s8] =	ssyncset.s32 @!p0 $0xFFFFF086;
	s6 =	sadd.s32 @!p0 s3, s7;
	s7 =	simm.s32 @!p0 $0x108  }
0x21: {  	s3 =	sadd.s32 s3, s9;
	s6 =	sadd.s32 @!p0 $0x88, s6;
	s7 =	simm.s32 @p2 $0x1082  }
0x22: {  	[simem:s7], [sflag:s8] =	dma.local @!p0 [hbm:s6], $0xF7A  }
0x23: {  	s9 =	sor.u32 $0xD0000000, s2;
	s6 =	simm.s32 $0x108;
	_ =	swait.ge @!p0 [sflag:s8], $0x0  }
0x24: {  	s3 =	sadd.s32 $0x88, s3;
	s6 =	simm.s32 @!p1 $0x1082;
	[sflag:s4] =	ssyncset.s32 $0xFFFFF086  }
0x25: {  	[simem:s6], [sflag:s4] =	dma.local [hbm:s3], $0xF7A  }
0x26: {  	[smem:$0x3F89] =	sst s1;
	(tag) =	ssettag s2;
	_ =	strace s9  }
0x27: {  	s1 =	sld [smem:$0x3F99]  }
0x28: {  	s2 =	sld [smem:$0x3F9A]  }
0x29: {  	s4 =	sld [smem:$0x3F9C]  }
0x2a: {  	p0 =	seq.s32 s5, $0x0;
	s5 =	sld [smem:$0x3F9D]  }
0x2b: {  	s6 =	sld [smem:$0x3F9E]  }
0x2c: {  	s7 =	sld [smem:$0x3F9F]  }
0x2d: {  	s3 =	simm.s32 $0x108;
	s8 =	sld [smem:$0x3FA0]  }
0x2e: {  	s3 =	simm.s32 @!p0 $0x1082;
	s9 =	sld [smem:$0x3FA1]  }
0x2f: {  	lr =	sadd.s32 s0, s3;
	s0 =	sld [smem:$0x3F98]  }
0x30: {  	s3 =	sld [smem:$0x3F9B]  }
0x31: {  	[smem:$0x3FA4] =	sst s10  }
0x32: {  	s10 =	sld [smem:$0x3FA2];
	_ =	sdelay $0x3  }
0x33: {  	p0 =	seq.s32 s10, $0x1;
	s10 =	sld [smem:$0x3FA4];
	_ =	sdelay $0x3  }
0x34: {  	[smem:$0x3FA4] =	sst s10  }
0x35: {  	s10 =	sld [smem:$0x3FA3];
	_ =	sdelay $0x3  }
0x36: {  	p1 =	seq.s32 s10, $0x1;
	s10 =	sld [smem:$0x3FA4];
	_ =	sdelay $0x3  }
0x37: {  	[smem:$0x3FA4] =	sst s10  }
0x38: {  	s10 =	sld [smem:$0x3FA5]  }
0x39: {  	_ = 	snop;
	(pc) =	sbr.ind lr, $3  }
0x3a: {  	_ = 	snop  }
0x3b: {  	_ = 	snop  }
0x3c: {  	p2 =	seq.s32 s10, $0x1;
	s10 =	sld [smem:$0x3FA4]  }
0x3d: {  	_ =	shalt  }
0x3e: {  	_ =	shalt  }
0x3f: {  	_ =	shalt  }
0x40: {  	_ =	shalt  }
0x41: {  	_ =	shalt  }
0x42: {  	_ =	shalt  }
0x43: {  	_ =	shalt  }
0x44: {  	_ =	shalt  }
0x45: {  	_ =	shalt  }
0x46: {  	_ =	shalt  }
0x47: {  	_ =	shalt  }
0x48: {  	_ =	shalt  }
0x49: {  	_ =	shalt  }
0x4a: {  	_ =	shalt  }
0x4b: {  	_ =	shalt  }
0x4c: {  	_ =	shalt  }
0x4d: {  	_ =	shalt  }
0x4e: {  	_ =	shalt  }
0x4f: {  	_ =	shalt  }
0x50: {  	_ =	shalt  }
0x51: {  	_ =	shalt  }
0x52: {  	_ =	shalt  }
0x53: {  	_ =	shalt  }
0x54: {  	_ =	shalt  }
0x55: {  	_ =	shalt  }
0x56: {  	_ =	shalt  }
0x57: {  	_ =	shalt  }
0x58: {  	_ =	shalt  }
0x59: {  	_ =	shalt  }
0x5a: {  	_ =	shalt  }
0x5b: {  	_ =	shalt  }
0x5c: {  	_ =	shalt  }
0x5d: {  	_ =	shalt  }
0x5e: {  	_ =	shalt  }
0x5f: {  	_ =	shalt  }
0x60: {  	_ =	shalt  }
0x61: {  	_ =	shalt  }
0x62: {  	_ =	shalt  }
0x63: {  	_ =	shalt  }
0x64: {  	_ =	shalt  }
0x65: {  	_ =	shalt  }
0x66: {  	_ =	shalt  }
0x67: {  	_ =	shalt  }
0x68: {  	_ =	shalt  }
0x69: {  	_ =	shalt  }
0x6a: {  	_ =	shalt  }
0x6b: {  	_ =	shalt  }
0x6c: {  	_ =	shalt  }
0x6d: {  	_ =	shalt  }
0x6e: {  	_ =	shalt  }
0x6f: {  	_ =	shalt  }
0x70: {  	_ =	shalt  }
0x71: {  	_ =	shalt  }
0x72: {  	_ =	shalt  }
0x73: {  	_ =	shalt  }
0x74: {  	_ =	shalt  }
0x75: {  	_ =	shalt  }
0x76: {  	_ =	shalt  }
0x77: {  	_ =	shalt  }
0x78: {  	_ =	shalt  }
0x79: {  	_ =	shalt  }
0x7a: {  	_ =	shalt  }
0x7b: {  	_ =	shalt  }
0x7c: {  	_ =	shalt  }
0x7d: {  	_ =	shalt  }
0x7e: {  	_ =	shalt  }
0x7f: {  	_ =	shalt  }
0x80: {  	_ =	shalt  }
0x81: {  	_ =	shalt  }
0x82: {  	_ =	shalt  }
0x83: {  	_ =	shalt  }
0x84: {  	_ =	shalt  }
0x85: {  	_ =	shalt  }
0x86: {  	_ =	shalt  }
0x87: {  	_ =	shalt  }
.Lfunc_end0:
.L_simem_size_0:
called_computation.1_lowered:
.L_overlay_start_0:
0x88: {  	s2 =	sld [smem:$0x3FD9]  }
0x89: {  	s3 =	sld [smem:$0x3FFE];
	_ =	sdelay $0x1  }
0x8a: {  	s1 =	srdreg.scid  }
0x8b: {  	s0 =	sand.u32 $0x1, s1  }
0x8c: {  	s17 =	sshll.u32 s0, $0xA;
	s2 =	sadd.s32 s3, s2  }
0x8d: {  	s2 =	sadd.s32 s2, s17  }
0x8e: {  	[smem:$0x3FB0] =	sst s2  }
0x8f: {  	_ = 	snop  }
0x90: {  	s2 =	sld [smem:$0x3FD0];
	(tm) =	ssettm $0x1  }
0x91: {  	s18 =	sld [smem:$0x3FFB];
	_ =	sdelay $0x3  }
0x92: {  	_ =	strace s18  }
0x93: {  	s3 =	sld [smem:$0x3FFC];
	_ =	sdelay $0x3  }
0x94: {  	_ =	strace s3  }
0x95: {  	s3 =	sld [smem:$0x3FFD];
	_ =	sdelay $0x3  }
0x96: {  	_ =	strace s3  }
0x97: {  	_ =	strace $0x8FFFFFFF  }
0x98: {  	s19 =	sld [smem:$0x3FDB];
	_ =	sdelay $0x1  }
0x99: {  	s4 =	simm.s32 $_scs_section_size  }
0x9a: {  	s5 =	simm.s32 $_size__tile_overlayer_lowered;
	s6 =	simm.s32 $_tile_overlayer_lowered  }
0x9b: {  	s22 =	simm.s32 $0x1BFF;
	s21 =	sshll.u32 s6, $0x1;
	s3 =	sadd.s32 s4, s19  }
0x9c: {  	s7 =	simm.s32 $0x0;
	s20 =	sshll.u32 s5, $0x1;
	s5 =	sadd.s32 s21, s3  }
0x9d: {  	[timem:s7], [sflag:s22] =	dma.local [hbm:s5], s20  }
0x9e: {  	_ =	swait.ge [sflag:s22], s20  }
0x9f: {  	s4 =	ssub.s32 $0x0, s20;
	[sflag:s22] =	ssyncset.done $0x0  }
0xa0: {  	[sflag:s22] =	ssyncadd.s32 s4;
	_ =	sdelay $0x1  }
0xa1: {  	s23 =	simm.s32 $0x1B8B  }
0xa2: {  	_ =	swait.ge [sflag:s23], $0x1  }
0xa3: {  	[sflag:s23] =	ssyncset.done $0x0  }
0xa4: {  	s25 =	simm.s32 $0x1B8E;
	s24 =	sld [smem:$0x3FFE];
	[sflag:s23] =	ssyncadd.s32 $0xFFFFFFFF  }
0xa5: {  	s26 =	simm.s32 $execute0_lowered;
	[smem:$0x3FD2] =	sst s25  }
0xa6: {  	s5 =	sshll.u32 s26, $0x1;
	_ =	strace $0x80000049;
	[dreg:$0x1] =	wrdreg $0xFFFFFFFF  }
0xa7: {  	s28 =	simm.s32 $_size_execute0_lowered;
	s3 =	sadd.s32 s3, s5;
	[dreg:$0x0] =	wrdreg $0x0  }
0xa8: {  	s5 =	sshll.u32 s28, $0x1;
	[dreg:$0x2] =	wrdreg s3  }
0xa9: {  	[dreg:$0x3] =	wrdreg s5  }
0xaa: {  	[dreg:$0x4] =	wrdreg $0xC0  }
0xab: {  	_ =	task [dreg:s7], $0x5FFFF  }
0xac: {  	[dreg:$0x1] =	wrdreg $0xFFFFFFFF  }
0xad: {  	[dreg:$0x0] =	wrdreg $0x60  }
0xae: {  	[dreg:$0x2] =	wrdreg s24  }
0xaf: {  	[dreg:$0x3] =	wrdreg s2  }
0xb0: {  	[dreg:$0x4] =	wrdreg $0x123F00  }
0xb1: {  	[dreg:$0x5] =	wrdreg $0x14BF00  }
0xb2: {  	[dreg:$0x6] =	wrdreg $0x9  }
0xb3: {  	_ =	task.clear_ibuf [dreg:s7], $0x7FFFF;
	_ =	strace $0x90000049  }
0xb4: {  	s29 =	simm.s32 $0x9;
	_ =	strace $0x8000004B  }
0xb5: {  	_ =	swait.ge [sflag:s29], $0x1  }
0xb6: {  	[sflag:s29] =	ssyncadd.s32 $0xFFFFFFFF  }
0xb7: {  	_ =	strace $0x9000004B  }
0xb8: {  	_ =	sfence  }
0xb9: {  	s30 =	sld [smem:$0x0];
	_ =	sdelay $0x2  }
0xba: {  	s31 =	sshll.u32 s1, $0xD;
	s1 =	sshrl.u32 s1, $0x2  }
0xbb: {  	s3 =	sand.u32 $0x4000, s31;
	s1 =	sadd.s32 s1, s30  }
0xbc: {  	s0 =	sor.u32 s3, s0;
	s1 =	sshll.u32 s1, $0x11  }
0xbd: {  	s0 =	sor.u32 s1, s0  }
0xbe: {  	s0 =	sadd.s32 $0x8F2B, s0  }
0xbf: {  	[sflag:s0] =	ssyncadd.remote.s32 $0x1  }
0xc0: {  	_ =	sfence.sel $0xFFFF  }
0xc1: {  	[dreg:$0x0] =	wrdreg $0xFFFFFFFF;
	(pc) =	sbr.abs _section_cstart, $3  }
0xc2: {  	[dreg:$0x1] =	wrdreg $0xFFFFFFFF  }
0xc3: {  	_ =	task.clear_ibuf [dreg:s7], $0x2FFFF;
	_ =	strace $0x9FFFFFFF  }
0xc4: {  	(tm) =	ssettm $0x7FFFFFFF  }
0xc5: {  	_ =	shalt  }
tec
execute0_lowered:
.L_overlay_start_1:
0x0: {  	(tag) =	ssettag $0x1  }
0x1: {  	s0 =	rddreg [dreg:$0x0]  }
0x2: {  	s3 =	rddreg [dreg:$0x2]  }
0x3: {  	s1 =	srdreg.scid;
	s4 =	rddreg [dreg:$0x3]  }
0x4: {  	s13 =	stileid.u32;
	s5 =	simm.s32 $0x0;
	s28 =	simm.s32 $0x5  }
0x5: {  	s29 =	simm.s32 $0x103F0;
	s31 =	simm.s32 $0x80;
	s1 =	sand.u32 $0x1, s1  }
0x6: {  	[smem:$0x7FF] =	sst s5;
	s6 =	sadd.s32 $0x35C00, s0;
	s25 =	smul.u32 $0x2800, s13  }
0x7: {  	s7 =	sadd.s32 $0x18200, s0;
	s8 =	sadd.s32 $0x4200, s0;
	s30 =	smul.u32 $0xA000, s13  }
0x8: {  	s2 =	sshll.u32 s1, $0x4;
	_ =	strace $0x8000004A;
	s9 =	smul.u32 $0x5000, s1  }
0x9: {  	s10 =	smul.u32 $0x14000, s1;
	s1 =	ssub.s32 $0x2, s1;
	s2 =	sor.u32 s13, s2  }
0xa: {  	s11 =	sshrl.u32 s1, $0x1;
	s16 =	sshrl.u32 s25, $0x3;
	s12 =	sshrl.u32 s30, $0x3  }
0xb: {  	s13 =	smul.u32 $0x28000, s13;
	s14 =	sadd.s32 s30, s4;
	s17 =	sshrl.u32 s30, $0x2  }
0xc: {  	s19 =	sadd.s32 $0x2000, s30;
	s15 =	sadd.s32 $0x4000, s30;
	s24 =	sadd.s32 $0x6000, s30  }
0xd: {  	s2 =	smul.u32 $0x500, s2;
	s9 =	sadd.s32 s9, s0;
	s1 =	ssub.s32 s1, s11  }
0xe: {  	s20 =	sshrl.u32 s19, $0x2;
	s21 =	sadd.s32 s19, s4;
	s22 =	sshrl.u32 s15, $0x2  }
0xf: {  	s23 =	sadd.s32 s15, s4;
	s11 =	simm.s32 $0xADC0;
	s15 =	simm.s32 $0xDCA0  }
0x10: {  	s9 =	sadd.s32 $0x3AC00, s9;
	s1 =	smax.u32 s1, $0x1;
	[dreg:$0xb] =	wrdreg s21  }
0x11: {  	s18 =	sshrl.u32 s13, $0x2;
	[dreg:$0xd] =	wrdreg s23;
	s13 =	simm.s32 $0x2  }
0x12: {  	s2 =	sadd.s32 s2, s0;
	s0 =	sadd.s32 s10, s0;
	s10 =	sadd.s32 s25, s3  }
0x13: {  	[dreg:$0x7] =	wrdreg s1;
	s1 =	sadd.s32 s17, s3;
	s9 =	sadd.s32 s16, s9  }
0x14: {  	s25 =	sshrl.u32 s24, $0x2;
	s16 =	simm.s32 $0x3;
	[dreg:$0x8] =	wrdreg s1  }
0x15: {  	s17 =	simm.s32 $0x4;
	s26 =	sadd.s32 $0x2BC00, s2;
	[dreg:$0xe] =	wrdreg s9  }
0x16: {  	s2 =	sadd.s32 $0x21C00, s2;
	s0 =	sadd.s32 $0x44C00, s0;
	[dreg:$0x5] =	wrdreg s26  }
0x17: {  	s1 =	sadd.s32 s18, s4;
	s9 =	sadd.s32 s25, s3;
	[dreg:$0x6] =	wrdreg s2  }
0x18: {  	s25 =	sshrl.u32 s14, $0x3;
	s14 =	simm.s32 $0xB590;
	[dreg:$0x9] =	wrdreg s1  }
0x19: {  	s1 =	sadd.s32 s20, s3;
	s2 =	sadd.s32 $0x8000, s30;
	[dreg:$0xf] =	wrdreg s9  }
0x1a: {  	s0 =	sadd.s32 s12, s0;
	s9 =	simm.s32 $0x8E80;
	[dreg:$0xa] =	wrdreg s1  }
0x1b: {  	s12 =	simm.s32 $0xBD60;
	s1 =	sadd.s32 s22, s3;
	[dreg:$0x10] =	wrdreg s0  }
.Ltmp0:
0x1c: {  	s26 =	sshrl.u32 s2, $0x2;
	s30 =	sadd.s32 s2, s4;
	(pc) =	sbr.rel .LBB2_1-.Ltmp0, $4  }
0x1d: {  	s2 =	simm.s32 $0x6770;
	[dreg:$0xc] =	wrdreg s1;
	s1 =	sadd.s32 s24, s4  }
0x1e: {  	s0 =	sadd.s32 s26, s3;
	[dreg:$0x13] =	wrdreg s30;
	s24 =	sshrl.u32 s10, $0x3  }
0x1f: {  	s26 =	simm.s32 $0xFBF0;
	s10 =	simm.s32 $0x1;
	[dreg:$0x11] =	wrdreg s1  }
0x20: {  	v0 =	vimm.f32 $0.0e+00;
	v1 =	vimm.s32 $0x0;
	[dreg:$0x12] =	wrdreg s0;
	s1 =	simm.s32 $0x7D;
	s0 =	simm.s32 $0x57D0  }
.LBB2_10:
0x21: {  	_ =	swait.ge [sflag:s16], $0x7D0  }
0x22: {  	[sflag:s16] =	ssyncset.done $0x0  }
0x23: {  	[sflag:s16] =	ssyncadd.s32 $0xFFFFF830  }
0x24: {  	_ =	swait.ge [sflag:s16], $0x1F40  }
0x25: {  	[sflag:s16] =	ssyncset.done $0x0  }
0x26: {  	[sflag:s16] =	ssyncadd.s32 $0xFFFFE0C0  }
0x27: {  	_ =	swait.ge [sflag:s17], $0x7D0  }
0x28: {  	[sflag:s17] =	ssyncset.done $0x0  }
0x29: {  	[sflag:s17] =	ssyncadd.s32 $0xFFFFF830  }
0x2a: {  	_ =	swait.ge [sflag:s17], $0x1F40  }
0x2b: {  	[sflag:s17] =	ssyncset.done $0x0  }
0x2c: {  	s18 =	stileid.u32;
	[sflag:s17] =	ssyncadd.s32 $0xFFFFE0C0  }
0x2d: {  	s18 =	sshll.u32 s18, $0x6;
	[bflag:$0x0] =	sbarrier.arrive $0xFFFF  }
0x2e: {  	s18 =	sor.u32 $0x1C05, s18;
	s19 =	rddreg [dreg:$0xe]  }
0x2f: {  	[hbm:s19], [sflag:s18] =	dma.local [spmem:s24], $0x500  }
0x30: {  	_ =	swait.ge [sflag:s28], $0x500  }
0x31: {  	[sflag:s28] =	ssyncset.done $0x0  }
0x32: {  	s23 =	rddreg [dreg:$0x10];
	[sflag:s28] =	ssyncadd.s32 $0xFFFFFB00  }
0x33: {  	[hbm:s23], [sflag:s18] =	dma.local [spmem:s25], $0x1400  }
0x34: {  	_ =	swait.ge [sflag:s28], $0x1400  }
0x35: {  	s5 =	sadd.s32 $0x1, s5;
	s30 =	rddreg [dreg:$0x7]  }
0x36: {  	p0 =	sne.s32 s5, s30  }
.Ltmp1:
0x37: {  	_ = 	snop;
	(pc) =	sbr.rel @!p0 .LBB2_11-.Ltmp1, $3  }
0x38: {  	_ =	sdelay $0x1  }
0x39: {  	[sflag:s28] =	ssyncset.done $0x0  }
0x3a: {  	[sflag:s28] =	ssyncadd.s32 $0xFFFFEC00  }
.LBB2_1:
0x3b: {  	s19 =	simm.s32 $0x0  }
0x3c: {  	s18 =	simm.s32 $0x10410;
	[tilespmem:s19+$0xFBF0] =	vst v0  }
0x3d: {  	[tilespmem:s18+$0xFFFFFFE0] =	vst v0  }
0x3e: {  	[tilespmem:s18+$0xFFFFFFF0] =	vst v0  }
0x3f: {  	[tilespmem:s18+$0x0] =	vst v0  }
0x40: {  	s19 =	simm.s32 $0x40;
	[tilespmem:s18+$0x10] =	vst v0  }
.LBB2_2:
0x41: {  	s20 =	sshra.s32 s19, $0x2;
	p0 =	sne.s32 s19, $0x1FC0  }
.Ltmp2:
0x42: {  	s19 =	sadd.s32 $0x40, s19;
	s18 =	sadd.s32 $0x40, s18;
	[tilespmem:s20+$0xFBF0] =	vst v0;
	(pc) =	sbr.rel @p0 .LBB2_2-.Ltmp2, $4  }
0x43: {  	[tilespmem:s18+$0xFFFFFFE0] =	vst v0  }
0x44: {  	[tilespmem:s18+$0xFFFFFFF0] =	vst v0  }
0x45: {  	[tilespmem:s18+$0x0] =	vst v0  }
0x46: {  	[tilespmem:s18+$0x10] =	vst v0  }
0x47: {  	s18 =	rddreg [dreg:$0x8]  }
0x48: {  	[spmem:s18] =	stream.linear.scatter [tilespmem:s26], [sflag:$0x5], $0x800, $0x38;
	[tilespmem:$0x1EBF0] =	vst v63  }
0x49: {  	_ =	swait.ge [sflag:s28], $0x800  }
0x4a: {  	[sflag:s28] =	ssyncset.done $0x0  }
0x4b: {  	s20 =	rddreg [dreg:$0x9];
	[sflag:s28] =	ssyncadd.s32 $0xFFFFF800  }
0x4c: {  	[spmem:s20] =	stream.linear.scatter [tilespmem:s29], [sflag:$0x5], $0x2000, $0x38;
	[tilespmem:$0x1EBF0] =	vst v63  }
0x4d: {  	_ =	swait.ge [sflag:s28], $0x2000  }
0x4e: {  	[sflag:s28] =	ssyncset.done $0x0  }
0x4f: {  	s21 =	rddreg [dreg:$0xa];
	[sflag:s28] =	ssyncadd.s32 $0xFFFFE000  }
0x50: {  	[spmem:s21] =	stream.linear.scatter [tilespmem:s26], [sflag:$0x5], $0x800, $0x38;
	[tilespmem:$0x1EBF0] =	vst v63  }
0x51: {  	_ =	swait.ge [sflag:s28], $0x800  }
0x52: {  	[sflag:s28] =	ssyncset.done $0x0  }
0x53: {  	s22 =	rddreg [dreg:$0xb];
	[sflag:s28] =	ssyncadd.s32 $0xFFFFF800  }
0x54: {  	[spmem:s22] =	stream.linear.scatter [tilespmem:s29], [sflag:$0x5], $0x2000, $0x38;
	[tilespmem:$0x1EBF0] =	vst v63  }
0x55: {  	_ =	swait.ge [sflag:s28], $0x2000  }
0x56: {  	[sflag:s28] =	ssyncset.done $0x0  }
0x57: {  	s23 =	rddreg [dreg:$0xc];
	[sflag:s28] =	ssyncadd.s32 $0xFFFFE000  }
0x58: {  	[spmem:s23] =	stream.linear.scatter [tilespmem:s26], [sflag:$0x5], $0x800, $0x38;
	[tilespmem:$0x1EBF0] =	vst v63  }
0x59: {  	_ =	swait.ge [sflag:s28], $0x800  }
0x5a: {  	[sflag:s28] =	ssyncset.done $0x0  }
0x5b: {  	s30 =	rddreg [dreg:$0xd];
	[sflag:s28] =	ssyncadd.s32 $0xFFFFF800  }
0x5c: {  	[spmem:s30] =	stream.linear.scatter [tilespmem:s29], [sflag:$0x5], $0x2000, $0x38;
	[tilespmem:$0x1EBF0] =	vst v63  }
0x5d: {  	_ =	swait.ge [sflag:s28], $0x2000  }
0x5e: {  	[sflag:s28] =	ssyncset.done $0x0  }
0x5f: {  	s19 =	rddreg [dreg:$0xf];
	[sflag:s28] =	ssyncadd.s32 $0xFFFFE000  }
0x60: {  	[spmem:s19] =	stream.linear.scatter [tilespmem:s26], [sflag:$0x5], $0x800, $0x38;
	[tilespmem:$0x1EBF0] =	vst v63  }
0x61: {  	_ =	swait.ge [sflag:s28], $0x800  }
0x62: {  	[sflag:s28] =	ssyncset.done $0x0  }
0x63: {  	s20 =	rddreg [dreg:$0x11];
	[sflag:s28] =	ssyncadd.s32 $0xFFFFF800  }
0x64: {  	[spmem:s20] =	stream.linear.scatter [tilespmem:s29], [sflag:$0x5], $0x2000, $0x38;
	[tilespmem:$0x1EBF0] =	vst v63  }
0x65: {  	_ =	swait.ge [sflag:s28], $0x2000  }
0x66: {  	[sflag:s28] =	ssyncset.done $0x0  }
0x67: {  	s21 =	rddreg [dreg:$0x12];
	[sflag:s28] =	ssyncadd.s32 $0xFFFFE000  }
0x68: {  	[spmem:s21] =	stream.linear.scatter [tilespmem:s26], [sflag:$0x5], $0x800, $0x38;
	[tilespmem:$0x1EBF0] =	vst v63  }
0x69: {  	_ =	swait.ge [sflag:s28], $0x800  }
0x6a: {  	[sflag:s28] =	ssyncset.done $0x0  }
0x6b: {  	s22 =	rddreg [dreg:$0x13];
	[sflag:s28] =	ssyncadd.s32 $0xFFFFF800  }
0x6c: {  	[spmem:s22] =	stream.linear.scatter [tilespmem:s29], [sflag:$0x5], $0x2000, $0x38;
	[tilespmem:$0x1EBF0] =	vst v63  }
0x6d: {  	_ =	swait.ge [sflag:s28], $0x2000  }
0x6e: {  	[sflag:s28] =	ssyncset.done $0x0  }
0x6f: {  	s18 =	simm.s32 $0x0;
	s19 =	rddreg [dreg:$0x5];
	[sflag:s28] =	ssyncadd.s32 $0xFFFFE000  }
0x70: {  	[tilespmem:s18], [sflag:$0x5] =	stream.linear.gather [hbm4b:s19+s18], $0x2800, $0x38;
	[tilespmem:$0x1EBF0] =	vst v63  }
0x71: {  	_ =	swait.ge [sflag:s28], $0x2800  }
0x72: {  	[sflag:s28] =	ssyncset.done $0x0  }
0x73: {  	s20 =	simm.s32 $0x2800;
	s23 =	rddreg [dreg:$0x6];
	[sflag:s28] =	ssyncadd.s32 $0xFFFFD800  }
0x74: {  	[tilespmem:s20], [sflag:$0x5] =	stream.linear.gather [hbm4b:s23+s18], $0x2800, $0x38;
	[tilespmem:$0x1EBF0] =	vst v63  }
0x75: {  	_ =	swait.ge [sflag:s28], $0x2800  }
0x76: {  	[sflag:s28] =	ssyncset.done $0x0  }
0x77: {  	[sflag:s28] =	ssyncadd.s32 $0xFFFFD800  }
0x78: {  	s21 =	simm.s32 $0xFBE0;
	s30 =	rddreg [dreg:$0x1]  }
0x79: {  	[tilespmem:s21], [sflag:$0x5] =	stream.linear.gather [hbm4b:s30+s18], $0x10, $0x38;
	[tilespmem:$0x1EBF0] =	vst v63  }
0x7a: {  	_ =	swait.ge [sflag:s28], $0x10  }
0x7b: {  	[sflag:s28] =	ssyncset.done $0x0  }
0x7c: {  	[sflag:s28] =	ssyncadd.s32 $0xFFFFFFF0  }
0x7d: {  	s21 =	simm.s32 $0x5000;
	[bflag:$0x0] =	sbarrier.arrive $0xFFFF  }
0x7e: {  	v2 =	vld [tilespmem:$0xFBE0];
	[tilespmem:s21], [sflag:$0x1] =	stream.indirect.gather [hbm4b:s6+s1], $0x10, s18, s1, $0xb8  }
0x7f: {  	s22 =	simm.s32 $0x5FA0  }
0x80: {  	[tilespmem:s22], [sflag:$0x1] =	stream.indirect.gather [hbm4b:s7+s1], $0x10, s20, s1, $0xb8;
	[tilespmem:$0x1EBF0] =	vst v63  }
0x81: {  	s23 =	simm.s32 $0x6F40  }
0x82: {  	[tilespmem:s23], [sflag:$0x1] =	stream.indirect.gather [hbm4b:s8+s1], $0x40, s18, s1, $0xb8;
	[tilespmem:$0x1EBF0] =	vst v63  }
0x83: {  	_ = 	snop  }
0x84: {  	[tilespmem:s0], [sflag:$0x2] =	stream.indirect.gather [hbm4b:s6+s1], $0x10, s31, s1, $0xb8;
	[tilespmem:$0x1EBF0] =	vst v63  }
0x85: {  	s30 =	simm.s32 $0x2880  }
0x86: {  	[tilespmem:s2], [sflag:$0x2] =	stream.indirect.gather [hbm4b:s7+s1], $0x10, s30, s1, $0xb8;
	[tilespmem:$0x1EBF0] =	vst v63  }
0x87: {  	_ = 	snop  }
0x88: {  	[tilespmem:s9], [sflag:$0x2] =	stream.indirect.gather [hbm4b:s8+s1], $0x40, s31, s1, $0xb8;
	[tilespmem:$0x1EBF0] =	vst v63  }
.LBB2_4:
0x89: {  	_ =	swait.ge [sflag:s10], $0x7D0  }
0x8a: {  	[sflag:s10] =	ssyncset.done $0x0  }
0x8b: {  	[sflag:s10] =	ssyncadd.s32 $0xFFFFF830  }
0x8c: {  	_ =	swait.ge [sflag:s10], $0x7D0  }
0x8d: {  	[sflag:s10] =	ssyncset.done $0x0  }
0x8e: {  	[sflag:s10] =	ssyncadd.s32 $0xFFFFF830  }
0x8f: {  	_ =	swait.ge [sflag:s10], $0x1F40  }
0x90: {  	p0 =	seq.s32 s18, $0x0;
	[sflag:s10] =	ssyncset.done $0x0  }
0x91: {  	s19 =	simm.s32 @!p0 $0x3;
	[sflag:s10] =	ssyncadd.s32 $0xFFFFE0C0  }
0x92: {  	_ =	swait.ge @!p0 [sflag:s19], $0x7D0  }
0x93: {  	[sflag:s19] =	ssyncset.done @!p0 $0x0  }
0x94: {  	[sflag:s19] =	ssyncadd.s32 @!p0 $0xFFFFF830  }
0x95: {  	_ =	swait.ge @!p0 [sflag:s19], $0x1F40  }
0x96: {  	[sflag:s19] =	ssyncset.done @!p0 $0x0  }
0x97: {  	s23 =	simm.s32 $0x0;
	[sflag:s19] =	ssyncadd.s32 @!p0 $0xFFFFE0C0  }
0x98: {  	v3 =	vld [tilespmem:s23+$0x5000]  }
0x99: {  	v4 =	vld [tilespmem:s23+$0x5FA0];
	_ =	sdelay $0x4  }
0x9a: {  	v3 =	vadd.f32 v4, v3;
	_ =	sdelay $0x1  }
0x9b: {  	v4 =	vmul.f32 $2.000000030e-01, v3  }
0x9c: {  	vm0 =	vge.f32 v3, $0.0e+00  }
0x9d: {  	v3 =	vsel vm0, v3, v4  }
0x9e: {  	v3 =	vsub.f32 v3, v2;
	_ =	sdelay $0x1  }
0x9f: {  	v3 =	vmul.f32 $1.442695020e+00, v3;
	_ =	sdelay $0x1  }
0xa0: {  	(erf) = vpow2.f32 v3;
	_ =	sdelay $0x8  }
0xa1: {  	v3 =	vpop (erf)  }
0xa2: {  	s20 =	simm.s32 $0x6F60;
	[tilespmem:s23+$0xADC0] =	vst v3  }
0xa3: {  	v4 =	vld [tilespmem:s20+$0xFFFFFFE0];
	_ =	sdelay $0x2  }
0xa4: {  	v3 =	vperm.xlane v3, v1;
	_ =	sdelay $0x1  }
0xa5: {  	v4 =	vmul.f32 v4, v3  }
0xa6: {  	s21 =	simm.s32 $0xBD80  }
0xa7: {  	[tilespmem:s21+$0xFFFFFFE0] =	vst v4  }
0xa8: {  	v4 =	vld [tilespmem:s20+$0xFFFFFFF0];
	_ =	sdelay $0x4  }
0xa9: {  	v4 =	vmul.f32 v4, v3;
	_ =	sdelay $0x1  }
0xaa: {  	[tilespmem:s21+$0xFFFFFFF0] =	vst v4  }
0xab: {  	v4 =	vld [tilespmem:s20+$0x0];
	_ =	sdelay $0x4  }
0xac: {  	v4 =	vmul.f32 v4, v3;
	_ =	sdelay $0x1  }
0xad: {  	[tilespmem:s21+$0x0] =	vst v4  }
0xae: {  	v4 =	vld [tilespmem:s20+$0x10];
	_ =	sdelay $0x4  }
0xaf: {  	v3 =	vmul.f32 v4, v3;
	_ =	sdelay $0x1  }
0xb0: {  	s22 =	simm.s32 $0x10;
	[tilespmem:s21+$0x10] =	vst v3  }
0xb1: {  	s30 =	simm.s32 $0x80;
	s19 =	sshll.u32 s18, $0x8;
	v3 =	vld [tilespmem:s22+$0x5000]  }
.LBB2_5:
0xb2: {  	p1 =	sne.s32 s30, $0x1F00;
	v4 =	vld [tilespmem:s22+$0x5FA0];
	_ =	sdelay $0x4  }
0xb3: {  	v3 =	vadd.f32 v4, v3;
	_ =	sdelay $0x1  }
0xb4: {  	v4 =	vmul.f32 $2.000000030e-01, v3  }
0xb5: {  	vm0 =	vge.f32 v3, $0.0e+00  }
0xb6: {  	v3 =	vsel vm0, v3, v4  }
0xb7: {  	v3 =	vsub.f32 v3, v2;
	_ =	sdelay $0x1  }
0xb8: {  	v3 =	vmul.f32 $1.442695020e+00, v3;
	_ =	sdelay $0x1  }
0xb9: {  	(erf) = vpow2.f32 v3;
	_ =	sdelay $0x8  }
0xba: {  	v3 =	vpop (erf)  }
0xbb: {  	s20 =	sadd.s32 $0x40, s20;
	[tilespmem:s22+$0xADC0] =	vst v3  }
0xbc: {  	v4 =	vld [tilespmem:s20+$0xFFFFFFE0];
	_ =	sdelay $0x2  }
0xbd: {  	v3 =	vperm.xlane v3, v1;
	_ =	sdelay $0x1  }
0xbe: {  	v4 =	vmul.f32 v4, v3  }
0xbf: {  	s21 =	sadd.s32 $0x40, s21  }
0xc0: {  	[tilespmem:s21+$0xFFFFFFE0] =	vst v4  }
0xc1: {  	v4 =	vld [tilespmem:s20+$0xFFFFFFF0];
	_ =	sdelay $0x4  }
0xc2: {  	v4 =	vmul.f32 v4, v3;
	_ =	sdelay $0x1  }
0xc3: {  	[tilespmem:s21+$0xFFFFFFF0] =	vst v4  }
0xc4: {  	v4 =	vld [tilespmem:s20+$0x0];
	_ =	sdelay $0x4  }
0xc5: {  	v4 =	vmul.f32 v4, v3;
	_ =	sdelay $0x1  }
0xc6: {  	[tilespmem:s21+$0x0] =	vst v4  }
0xc7: {  	v4 =	vld [tilespmem:s20+$0x10];
	_ =	sdelay $0x3  }
.Ltmp3:
0xc8: {  	(pc) =	sbr.rel @p1 .LBB2_5-.Ltmp3, $3  }
0xc9: {  	v3 =	vmul.f32 v4, v3;
	_ =	sdelay $0x1  }
0xca: {  	s22 =	sshra.s32 s30, $0x2;
	[tilespmem:s21+$0x10] =	vst v3  }
0xcb: {  	s30 =	sadd.s32 $0x40, s30;
	v3 =	vld [tilespmem:s22+$0x5000]  }
0xcc: {  	v4 =	vld [tilespmem:s22+$0x5FA0];
	_ =	sdelay $0x4  }
0xcd: {  	v3 =	vadd.f32 v4, v3;
	_ =	sdelay $0x1  }
0xce: {  	v4 =	vmul.f32 $2.000000030e-01, v3  }
0xcf: {  	vm0 =	vge.f32 v3, $0.0e+00  }
0xd0: {  	v3 =	vsel vm0, v3, v4  }
0xd1: {  	v3 =	vsub.f32 v3, v2;
	_ =	sdelay $0x1  }
0xd2: {  	v3 =	vmul.f32 $1.442695020e+00, v3;
	_ =	sdelay $0x1  }
0xd3: {  	(erf) = vpow2.f32 v3;
	_ =	sdelay $0x8  }
0xd4: {  	v3 =	vpop (erf)  }
0xd5: {  	s20 =	sadd.s32 $0x40, s20;
	[tilespmem:s22+$0xADC0] =	vst v3  }
0xd6: {  	v4 =	vld [tilespmem:s20+$0xFFFFFFE0];
	_ =	sdelay $0x2  }
0xd7: {  	v3 =	vperm.xlane v3, v1;
	_ =	sdelay $0x1  }
0xd8: {  	v4 =	vmul.f32 v4, v3  }
0xd9: {  	s21 =	sadd.s32 $0x40, s21  }
0xda: {  	[tilespmem:s21+$0xFFFFFFE0] =	vst v4  }
0xdb: {  	v4 =	vld [tilespmem:s20+$0xFFFFFFF0];
	_ =	sdelay $0x4  }
0xdc: {  	v4 =	vmul.f32 v4, v3;
	_ =	sdelay $0x1  }
0xdd: {  	[tilespmem:s21+$0xFFFFFFF0] =	vst v4  }
0xde: {  	v4 =	vld [tilespmem:s20+$0x0];
	_ =	sdelay $0x4  }
0xdf: {  	v4 =	vmul.f32 v4, v3;
	_ =	sdelay $0x1  }
0xe0: {  	[tilespmem:s21+$0x0] =	vst v4  }
0xe1: {  	v4 =	vld [tilespmem:s20+$0x10];
	_ =	sdelay $0x4  }
0xe2: {  	v3 =	vmul.f32 v4, v3  }
0xe3: {  	s20 =	sand.u32 $0x3FFFFF00, s19  }
0xe4: {  	s22 =	sadd.s32 $0x2800, s20;
	[tilespmem:s21+$0x10] =	vst v3  }
0xe5: {  	[spmem:s3] =	stream.indirect.scatter.add.f32 [tilespmem:s11], [sflag:$0x3], $0x10, s22, s1, $0xb8;
	[tilespmem:$0x1EBF0] =	vst v63  }
0xe6: {  	p1 =	seq.s32 s18, $0x27  }
0xe7: {  	[spmem:s4] =	stream.indirect.scatter.add.f32 [tilespmem:s12], [sflag:$0x3], $0x40, s22, s1, $0xb8;
	[tilespmem:$0x1EBF0] =	vst v63  }
0xe8: {  	s23 =	simm.s32 @!p1 $0x5000;
	s21 =	sadd.s32 @!p1 $0x100, s19;
	s22 =	simm.s32 @!p1 $0x7D  }
0xe9: {  	[tilespmem:s23], [sflag:$0x1] =	stream.indirect.gather @!p1 [hbm4b:s6+s22], $0x10, s21, s22, $0xb8;
	[tilespmem:$0x1EBF0] =	vst v63  }
0xea: {  	s30 =	simm.s32 @!p1 $0x5FA0;
	s23 =	sadd.s32 @!p1 $0x2900, s19  }
0xeb: {  	[tilespmem:s30], [sflag:$0x1] =	stream.indirect.gather @!p1 [hbm4b:s7+s22], $0x10, s23, s22, $0xb8;
	[tilespmem:$0x1EBF0] =	vst v63  }
0xec: {  	s23 =	simm.s32 @!p1 $0x6F40  }
0xed: {  	[tilespmem:s23], [sflag:$0x1] =	stream.indirect.gather @!p1 [hbm4b:s8+s22], $0x40, s21, s22, $0xb8;
	[tilespmem:$0x1EBF0] =	vst v63  }
0xee: {  	_ =	swait.ge [sflag:s13], $0x7D0  }
0xef: {  	[sflag:s13] =	ssyncset.done $0x0  }
0xf0: {  	[sflag:s13] =	ssyncadd.s32 $0xFFFFF830  }
0xf1: {  	_ =	swait.ge [sflag:s13], $0x7D0  }
0xf2: {  	[sflag:s13] =	ssyncset.done $0x0  }
0xf3: {  	[sflag:s13] =	ssyncadd.s32 $0xFFFFF830  }
0xf4: {  	_ =	swait.ge [sflag:s13], $0x1F40  }
0xf5: {  	[sflag:s13] =	ssyncset.done $0x0  }
0xf6: {  	s21 =	simm.s32 @!p0 $0x4;
	[sflag:s13] =	ssyncadd.s32 $0xFFFFE0C0  }
0xf7: {  	_ =	swait.ge @!p0 [sflag:s21], $0x7D0  }
0xf8: {  	[sflag:s21] =	ssyncset.done @!p0 $0x0  }
0xf9: {  	[sflag:s21] =	ssyncadd.s32 @!p0 $0xFFFFF830  }
0xfa: {  	_ =	swait.ge @!p0 [sflag:s21], $0x1F40  }
0xfb: {  	[sflag:s21] =	ssyncset.done @!p0 $0x0  }
0xfc: {  	s23 =	simm.s32 $0x0;
	[sflag:s21] =	ssyncadd.s32 @!p0 $0xFFFFE0C0  }
0xfd: {  	v3 =	vld [tilespmem:s23+$0x57D0]  }
0xfe: {  	v4 =	vld [tilespmem:s23+$0x6770];
	_ =	sdelay $0x4  }
0xff: {  	v3 =	vadd.f32 v4, v3;
	_ =	sdelay $0x1  }
0x100: {  	v4 =	vmul.f32 $2.000000030e-01, v3  }
0x101: {  	vm15 =	vge.f32 v3, $0.0e+00  }
0x102: {  	v3 =	vsel vm15, v3, v4  }
0x103: {  	v3 =	vsub.f32 v3, v2;
	_ =	sdelay $0x1  }
0x104: {  	v3 =	vmul.f32 $1.442695020e+00, v3;
	_ =	sdelay $0x1  }
0x105: {  	(erf) = vpow2.f32 v3;
	_ =	sdelay $0x8  }
0x106: {  	v3 =	vpop (erf)  }
0x107: {  	s21 =	simm.s32 $0x8EA0;
	[tilespmem:s23+$0xB590] =	vst v3  }
0x108: {  	v4 =	vld [tilespmem:s21+$0xFFFFFFE0];
	_ =	sdelay $0x2  }
0x109: {  	v3 =	vperm.xlane v3, v1;
	_ =	sdelay $0x1  }
0x10a: {  	v4 =	vmul.f32 v4, v3  }
0x10b: {  	s30 =	simm.s32 $0xDCC0  }
0x10c: {  	[tilespmem:s30+$0xFFFFFFE0] =	vst v4  }
0x10d: {  	v4 =	vld [tilespmem:s21+$0xFFFFFFF0];
	_ =	sdelay $0x4  }
0x10e: {  	v4 =	vmul.f32 v4, v3;
	_ =	sdelay $0x1  }
0x10f: {  	[tilespmem:s30+$0xFFFFFFF0] =	vst v4  }
0x110: {  	v4 =	vld [tilespmem:s21+$0x0];
	_ =	sdelay $0x4  }
0x111: {  	v4 =	vmul.f32 v4, v3;
	_ =	sdelay $0x1  }
0x112: {  	[tilespmem:s30+$0x0] =	vst v4  }
0x113: {  	v4 =	vld [tilespmem:s21+$0x10];
	_ =	sdelay $0x4  }
0x114: {  	v3 =	vmul.f32 v4, v3;
	_ =	sdelay $0x1  }
0x115: {  	s23 =	simm.s32 $0x10;
	[tilespmem:s30+$0x10] =	vst v3  }
0x116: {  	s22 =	simm.s32 $0x80;
	v3 =	vld [tilespmem:s23+$0x57D0]  }
.LBB2_7:
0x117: {  	p0 =	sne.s32 s22, $0x1F00;
	v4 =	vld [tilespmem:s23+$0x6770];
	_ =	sdelay $0x4  }
0x118: {  	v3 =	vadd.f32 v4, v3;
	_ =	sdelay $0x1  }
0x119: {  	v4 =	vmul.f32 $2.000000030e-01, v3  }
0x11a: {  	vm0 =	vge.f32 v3, $0.0e+00  }
0x11b: {  	v3 =	vsel vm0, v3, v4  }
0x11c: {  	v3 =	vsub.f32 v3, v2;
	_ =	sdelay $0x1  }
0x11d: {  	v3 =	vmul.f32 $1.442695020e+00, v3;
	_ =	sdelay $0x1  }
0x11e: {  	(erf) = vpow2.f32 v3;
	_ =	sdelay $0x8  }
0x11f: {  	v3 =	vpop (erf)  }
0x120: {  	s21 =	sadd.s32 $0x40, s21;
	[tilespmem:s23+$0xB590] =	vst v3  }
0x121: {  	v4 =	vld [tilespmem:s21+$0xFFFFFFE0];
	_ =	sdelay $0x2  }
0x122: {  	v3 =	vperm.xlane v3, v1;
	_ =	sdelay $0x1  }
0x123: {  	v4 =	vmul.f32 v4, v3  }
0x124: {  	s30 =	sadd.s32 $0x40, s30  }
0x125: {  	[tilespmem:s30+$0xFFFFFFE0] =	vst v4  }
0x126: {  	v4 =	vld [tilespmem:s21+$0xFFFFFFF0];
	_ =	sdelay $0x4  }
0x127: {  	v4 =	vmul.f32 v4, v3;
	_ =	sdelay $0x1  }
0x128: {  	[tilespmem:s30+$0xFFFFFFF0] =	vst v4  }
0x129: {  	v4 =	vld [tilespmem:s21+$0x0];
	_ =	sdelay $0x4  }
0x12a: {  	v4 =	vmul.f32 v4, v3;
	_ =	sdelay $0x1  }
0x12b: {  	[tilespmem:s30+$0x0] =	vst v4  }
0x12c: {  	v4 =	vld [tilespmem:s21+$0x10];
	_ =	sdelay $0x3  }
.Ltmp4:
0x12d: {  	(pc) =	sbr.rel @p0 .LBB2_7-.Ltmp4, $3  }
0x12e: {  	v3 =	vmul.f32 v4, v3;
	_ =	sdelay $0x1  }
0x12f: {  	s23 =	sshra.s32 s22, $0x2;
	[tilespmem:s30+$0x10] =	vst v3  }
0x130: {  	s22 =	sadd.s32 $0x40, s22;
	v3 =	vld [tilespmem:s23+$0x57D0]  }
0x131: {  	v4 =	vld [tilespmem:s23+$0x6770];
	_ =	sdelay $0x4  }
0x132: {  	v3 =	vadd.f32 v4, v3;
	_ =	sdelay $0x1  }
0x133: {  	v4 =	vmul.f32 $2.000000030e-01, v3  }
0x134: {  	vm0 =	vge.f32 v3, $0.0e+00  }
0x135: {  	v3 =	vsel vm0, v3, v4  }
0x136: {  	v3 =	vsub.f32 v3, v2;
	_ =	sdelay $0x1  }
0x137: {  	v3 =	vmul.f32 $1.442695020e+00, v3;
	_ =	sdelay $0x1  }
0x138: {  	(erf) = vpow2.f32 v3;
	_ =	sdelay $0x8  }
0x139: {  	v3 =	vpop (erf)  }
0x13a: {  	s21 =	sadd.s32 $0x40, s21;
	[tilespmem:s23+$0xB590] =	vst v3  }
0x13b: {  	v63 =	vld [tilespmem:s21+$0xFFFFFFE0];
	_ =	sdelay $0x2  }
0x13c: {  	v3 =	vperm.xlane v3, v1;
	_ =	sdelay $0x1  }
0x13d: {  	v4 =	vmul.f32 v63, v3  }
0x13e: {  	s22 =	sadd.s32 $0x40, s30  }
0x13f: {  	[tilespmem:s22+$0xFFFFFFE0] =	vst v4  }
0x140: {  	v4 =	vld [tilespmem:s21+$0xFFFFFFF0];
	_ =	sdelay $0x4  }
0x141: {  	v4 =	vmul.f32 v4, v3;
	_ =	sdelay $0x1  }
0x142: {  	[tilespmem:s22+$0xFFFFFFF0] =	vst v4  }
0x143: {  	v4 =	vld [tilespmem:s21+$0x0];
	_ =	sdelay $0x4  }
0x144: {  	v4 =	vmul.f32 v4, v3;
	_ =	sdelay $0x1  }
0x145: {  	[tilespmem:s22+$0x0] =	vst v4  }
0x146: {  	v4 =	vld [tilespmem:s21+$0x10];
	_ =	sdelay $0x4  }
0x147: {  	v3 =	vmul.f32 v4, v3  }
.Ltmp5:
0x148: {  	_ = 	snop;
	(pc) =	sbr.rel @p1 .LBB2_10-.Ltmp5, $4  }
0x149: {  	s20 =	sadd.s32 $0x2880, s20;
	[tilespmem:s22+$0x10] =	vst v3  }
0x14a: {  	[spmem:s3] =	stream.indirect.scatter.add.f32 [tilespmem:s14], [sflag:$0x4], $0x10, s20, s1, $0xb8;
	[tilespmem:$0x1EBF0] =	vst v63  }
0x14b: {  	_ = 	snop  }
0x14c: {  	[spmem:s4] =	stream.indirect.scatter.add.f32 [tilespmem:s15], [sflag:$0x4], $0x40, s20, s1, $0xb8;
	[tilespmem:$0x1EBF0] =	vst v63  }
0x14d: {  	s20 =	sadd.s32 $0x180, s19  }
0x14e: {  	[tilespmem:s0], [sflag:$0x2] =	stream.indirect.gather [hbm4b:s6+s1], $0x10, s20, s1, $0xb8;
	[tilespmem:$0x1EBF0] =	vst v63  }
.Ltmp6:
0x14f: {  	_ = 	snop;
	(pc) =	sbr.rel .LBB2_4-.Ltmp6, $4  }
0x150: {  	s30 =	sadd.s32 $0x2980, s19  }
0x151: {  	[tilespmem:s2], [sflag:$0x2] =	stream.indirect.gather [hbm4b:s7+s1], $0x10, s30, s1, $0xb8;
	[tilespmem:$0x1EBF0] =	vst v63  }
0x152: {  	s18 =	sadd.s32 $0x1, s18  }
0x153: {  	[tilespmem:s9], [sflag:$0x2] =	stream.indirect.gather [hbm4b:s8+s1], $0x40, s20, s1, $0xb8;
	[tilespmem:$0x1EBF0] =	vst v63  }
.LBB2_11:
0x154: {  	_ =	sfence.sel $0x180000  }
0x155: {  	[bflag:$0x0] =	sbarrier.arrive $0xFFFF  }
0x156: {  	_ =	strace $0x9000004A  }
0x157: {  	s0 =	stileid.u32;
	[bflag:$0x2] =	sbarrier.arrive $0xFFFF  }
0x158: {  	p0 =	sne.s32 s0, $0x0;
	s0 =	rddreg [dreg:$0x4]  }
0x159: {  	s0 =	sadd.s32 @!p0 $0x100000, s0  }
0x15a: {  	[sflag:s0] =	ssyncadd.tile.s32 @!p0 $0x1;
	_ =	shalt  }
.Lfunc_end2:
_tile_overlayer_lowered:
.L_overlay_start_2:
0x15b: {  	(tag) =	ssettag $0x2  }
0x15c: {  	s0 =	rddreg [dreg:$0x0];
	s2 =	stileid.u32  }
0x15d: {  	s1 =	rddreg [dreg:$0x1];
	p0 =	sne.s32 s2, $0x0  }
0x15e: {  	s3 =	rddreg [dreg:$0x2];
	[bflag:$0x3] =	sbarrier.arrive $0xFFFF;
	s2 =	simm.s32 @!p0 $0x1C05  }
0x15f: {  	[timem:s3], [sflag:s2] =	dma.local @!p0 [hbm:s0], s1  }
0x160: {  	s0 =	simm.s32 @!p0 $0x5  }
0x161: {  	_ =	swait.ge @!p0 [sflag:s0], s1  }
0x162: {  	s1 =	ssub.s32 @!p0 $0x0, s1;
	[sflag:s0] =	ssyncset.done @!p0 $0x0  }
0x163: {  	[sflag:s0] =	ssyncadd.s32 @!p0 s1  }
0x164: {  	[bflag:$0x3] =	sbarrier.arrive $0xFFFF  }
0x165: {  	_ =	shalt  }

// kernel: kernel.7.cloned.1.call-start
scs
__scs_entry_jumppad:
0x0: {  	(pc) =	sbr.rel $0x88, $3  }
0x1: {  	(tag) =	ssettag $0x0;
	lr =	simm.s32 $0x1  }
0x2: {  	[smem:$0x3F89] =	sst lr;
	_ =	strace $0xD0000000  }
0x3: {  	_ = 	snop  }
0x4: {  	_ = 	snop  }
0x5: {  	_ = 	snop  }
0x6: {  	_ = 	snop  }
0x7: {  	_ = 	snop  }
__scs_overlays_trampoline_lowered:
0x8: {  	[smem:$0x3F98] =	sst s0  }
0x9: {  	[smem:$0x3F99] =	sst s1  }
0xa: {  	[smem:$0x3F9A] =	sst s2  }
0xb: {  	[smem:$0x3F9B] =	sst s3  }
0xc: {  	[smem:$0x3F9C] =	sst s4  }
0xd: {  	[smem:$0x3F9D] =	sst s5  }
0xe: {  	[smem:$0x3F9E] =	sst s6  }
0xf: {  	[smem:$0x3F9F] =	sst s7  }
0x10: {  	[smem:$0x3FA0] =	sst s8  }
0x11: {  	[smem:$0x3FA1] =	sst s9;
	s0 =	simm.s32 @!p0 $0x0  }
0x12: {  	s1 =	sld [smem:$0x3F87];
	s0 =	simm.s32 @p0 $0x1  }
0x13: {  	[smem:$0x3FA2] =	sst s0;
	s0 =	simm.s32 @!p1 $0x0  }
0x14: {  	s2 =	sld [smem:$0x3F86];
	s0 =	simm.s32 @p1 $0x1  }
0x15: {  	[smem:$0x3FA3] =	sst s0;
	s0 =	simm.s32 @!p2 $0x0  }
0x16: {  	s3 =	sld [smem:$0x3FDB];
	s0 =	simm.s32 @p2 $0x1  }
0x17: {  	s4 =	simm.s32 $0x1BF5;
	[smem:$0x3FA5] =	sst s0  }
0x18: {  	s0 =	sld [smem:$0x3F88];
	_ =	swait.ge [sflag:s4], $0x0  }
0x19: {  	s7 =	sld [smem:$0x3F89]  }
0x1a: {  	s8 =	sadd.s32 $0xFFFFE003, lr  }
0x1b: {  	s9 =	sadd.s32 $0xFFFFFEF7, lr;
	s5 =	simm.s32 $0xFFFFFFFF;
	p2 =	slt.u32 s8, $0xFFFFF086  }
0x1c: {  	p1 =	slt.u32 s9, $0xF7A;
	s5 =	simm.s32 @!p2 $0x0  }
0x1d: {  	s5 =	simm.s32 @p1 $0x1;
	p0 =	seq.s32 s7, s2  }
0x1e: {  	s7 =	smul.u32 @!p0 $0xF7A, s2;
	p2 =	seq.s32 @!p0 s5, $0x0  }
0x1f: {  	s9 =	smul.u32 $0xF7A, s1;
	s8 =	simm.s32 @!p0 $0x1BF5;
	p2 =	por !p2, p0  }
0x20: {  	[sflag:s8] =	ssyncset.s32 @!p0 $0xFFFFF086;
	s6 =	sadd.s32 @!p0 s3, s7;
	s7 =	simm.s32 @!p0 $0x108  }
0x21: {  	s3 =	sadd.s32 s3, s9;
	s6 =	sadd.s32 @!p0 $0x88, s6;
	s7 =	simm.s32 @p2 $0x1082  }
0x22: {  	[simem:s7], [sflag:s8] =	dma.local @!p0 [hbm:s6], $0xF7A  }
0x23: {  	s9 =	sor.u32 $0xD0000000, s2;
	s6 =	simm.s32 $0x108;
	_ =	swait.ge @!p0 [sflag:s8], $0x0  }
0x24: {  	s3 =	sadd.s32 $0x88, s3;
	s6 =	simm.s32 @!p1 $0x1082;
	[sflag:s4] =	ssyncset.s32 $0xFFFFF086  }
0x25: {  	[simem:s6], [sflag:s4] =	dma.local [hbm:s3], $0xF7A  }
0x26: {  	[smem:$0x3F89] =	sst s1;
	(tag) =	ssettag s2;
	_ =	strace s9  }
0x27: {  	s1 =	sld [smem:$0x3F99]  }
0x28: {  	s2 =	sld [smem:$0x3F9A]  }
0x29: {  	s4 =	sld [smem:$0x3F9C]  }
0x2a: {  	p0 =	seq.s32 s5, $0x0;
	s5 =	sld [smem:$0x3F9D]  }
0x2b: {  	s6 =	sld [smem:$0x3F9E]  }
0x2c: {  	s7 =	sld [smem:$0x3F9F]  }
0x2d: {  	s3 =	simm.s32 $0x108;
	s8 =	sld [smem:$0x3FA0]  }
0x2e: {  	s3 =	simm.s32 @!p0 $0x1082;
	s9 =	sld [smem:$0x3FA1]  }
0x2f: {  	lr =	sadd.s32 s0, s3;
	s0 =	sld [smem:$0x3F98]  }
0x30: {  	s3 =	sld [smem:$0x3F9B]  }
0x31: {  	[smem:$0x3FA4] =	sst s10  }
0x32: {  	s10 =	sld [smem:$0x3FA2];
	_ =	sdelay $0x3  }
0x33: {  	p0 =	seq.s32 s10, $0x1;
	s10 =	sld [smem:$0x3FA4];
	_ =	sdelay $0x3  }
0x34: {  	[smem:$0x3FA4] =	sst s10  }
0x35: {  	s10 =	sld [smem:$0x3FA3];
	_ =	sdelay $0x3  }
0x36: {  	p1 =	seq.s32 s10, $0x1;
	s10 =	sld [smem:$0x3FA4];
	_ =	sdelay $0x3  }
0x37: {  	[smem:$0x3FA4] =	sst s10  }
0x38: {  	s10 =	sld [smem:$0x3FA5]  }
0x39: {  	_ = 	snop;
	(pc) =	sbr.ind lr, $3  }
0x3a: {  	_ = 	snop  }
0x3b: {  	_ = 	snop  }
0x3c: {  	p2 =	seq.s32 s10, $0x1;
	s10 =	sld [smem:$0x3FA4]  }
0x3d: {  	_ =	shalt  }
0x3e: {  	_ =	shalt  }
0x3f: {  	_ =	shalt  }
0x40: {  	_ =	shalt  }
0x41: {  	_ =	shalt  }
0x42: {  	_ =	shalt  }
0x43: {  	_ =	shalt  }
0x44: {  	_ =	shalt  }
0x45: {  	_ =	shalt  }
0x46: {  	_ =	shalt  }
0x47: {  	_ =	shalt  }
0x48: {  	_ =	shalt  }
0x49: {  	_ =	shalt  }
0x4a: {  	_ =	shalt  }
0x4b: {  	_ =	shalt  }
0x4c: {  	_ =	shalt  }
0x4d: {  	_ =	shalt  }
0x4e: {  	_ =	shalt  }
0x4f: {  	_ =	shalt  }
0x50: {  	_ =	shalt  }
0x51: {  	_ =	shalt  }
0x52: {  	_ =	shalt  }
0x53: {  	_ =	shalt  }
0x54: {  	_ =	shalt  }
0x55: {  	_ =	shalt  }
0x56: {  	_ =	shalt  }
0x57: {  	_ =	shalt  }
0x58: {  	_ =	shalt  }
0x59: {  	_ =	shalt  }
0x5a: {  	_ =	shalt  }
0x5b: {  	_ =	shalt  }
0x5c: {  	_ =	shalt  }
0x5d: {  	_ =	shalt  }
0x5e: {  	_ =	shalt  }
0x5f: {  	_ =	shalt  }
0x60: {  	_ =	shalt  }
0x61: {  	_ =	shalt  }
0x62: {  	_ =	shalt  }
0x63: {  	_ =	shalt  }
0x64: {  	_ =	shalt  }
0x65: {  	_ =	shalt  }
0x66: {  	_ =	shalt  }
0x67: {  	_ =	shalt  }
0x68: {  	_ =	shalt  }
0x69: {  	_ =	shalt  }
0x6a: {  	_ =	shalt  }
0x6b: {  	_ =	shalt  }
0x6c: {  	_ =	shalt  }
0x6d: {  	_ =	shalt  }
0x6e: {  	_ =	shalt  }
0x6f: {  	_ =	shalt  }
0x70: {  	_ =	shalt  }
0x71: {  	_ =	shalt  }
0x72: {  	_ =	shalt  }
0x73: {  	_ =	shalt  }
0x74: {  	_ =	shalt  }
0x75: {  	_ =	shalt  }
0x76: {  	_ =	shalt  }
0x77: {  	_ =	shalt  }
0x78: {  	_ =	shalt  }
0x79: {  	_ =	shalt  }
0x7a: {  	_ =	shalt  }
0x7b: {  	_ =	shalt  }
0x7c: {  	_ =	shalt  }
0x7d: {  	_ =	shalt  }
0x7e: {  	_ =	shalt  }
0x7f: {  	_ =	shalt  }
0x80: {  	_ =	shalt  }
0x81: {  	_ =	shalt  }
0x82: {  	_ =	shalt  }
0x83: {  	_ =	shalt  }
0x84: {  	_ =	shalt  }
0x85: {  	_ =	shalt  }
0x86: {  	_ =	shalt  }
0x87: {  	_ =	shalt  }
.Lfunc_end0:
.L_simem_size_0:
called_computation_lowered:
.L_overlay_start_0:
0x88: {  	s2 =	sld [smem:$0x3FD9]  }
0x89: {  	s3 =	sld [smem:$0x3FFE];
	_ =	sdelay $0x1  }
0x8a: {  	s1 =	srdreg.scid  }
0x8b: {  	s0 =	sand.u32 $0x1, s1  }
0x8c: {  	s17 =	sshll.u32 s0, $0xA;
	s2 =	sadd.s32 s3, s2  }
0x8d: {  	s2 =	sadd.s32 s2, s17  }
0x8e: {  	[smem:$0x3FB0] =	sst s2  }
0x8f: {  	_ = 	snop  }
0x90: {  	s2 =	sld [smem:$0x3FD0];
	(tm) =	ssettm $0x1  }
0x91: {  	s18 =	sld [smem:$0x3FFB];
	_ =	sdelay $0x3  }
0x92: {  	_ =	strace s18  }
0x93: {  	s3 =	sld [smem:$0x3FFC];
	_ =	sdelay $0x3  }
0x94: {  	_ =	strace s3  }
0x95: {  	s3 =	sld [smem:$0x3FFD];
	_ =	sdelay $0x3  }
0x96: {  	_ =	strace s3  }
0x97: {  	_ =	strace $0x8FFFFFFF  }
0x98: {  	s19 =	sld [smem:$0x3FDB];
	_ =	sdelay $0x1  }
0x99: {  	s4 =	simm.s32 $_scs_section_size  }
0x9a: {  	s5 =	simm.s32 $_size__tile_overlayer_lowered;
	s6 =	simm.s32 $_tile_overlayer_lowered  }
0x9b: {  	s22 =	simm.s32 $0x1BFF;
	s21 =	sshll.u32 s6, $0x1;
	s3 =	sadd.s32 s4, s19  }
0x9c: {  	s7 =	simm.s32 $0x0;
	s20 =	sshll.u32 s5, $0x1;
	s5 =	sadd.s32 s21, s3  }
0x9d: {  	[timem:s7], [sflag:s22] =	dma.local [hbm:s5], s20  }
0x9e: {  	_ =	swait.ge [sflag:s22], s20  }
0x9f: {  	s4 =	ssub.s32 $0x0, s20;
	[sflag:s22] =	ssyncset.done $0x0  }
0xa0: {  	[sflag:s22] =	ssyncadd.s32 s4;
	_ =	sdelay $0x1  }
0xa1: {  	s23 =	simm.s32 $0x1B8B  }
0xa2: {  	_ =	swait.ge [sflag:s23], $0x1  }
0xa3: {  	[sflag:s23] =	ssyncset.done $0x0  }
0xa4: {  	s25 =	simm.s32 $0x1B8E;
	s24 =	sld [smem:$0x3FFE];
	[sflag:s23] =	ssyncadd.s32 $0xFFFFFFFF  }
0xa5: {  	s26 =	simm.s32 $execute0_lowered;
	[smem:$0x3FD2] =	sst s25  }
0xa6: {  	s5 =	sshll.u32 s26, $0x1;
	_ =	strace $0x80000046;
	[dreg:$0x1] =	wrdreg $0xFFFFFFFF  }
0xa7: {  	s28 =	simm.s32 $_size_execute0_lowered;
	s3 =	sadd.s32 s3, s5;
	[dreg:$0x0] =	wrdreg $0x0  }
0xa8: {  	s5 =	sshll.u32 s28, $0x1;
	[dreg:$0x2] =	wrdreg s3  }
0xa9: {  	[dreg:$0x3] =	wrdreg s5  }
0xaa: {  	[dreg:$0x4] =	wrdreg $0xC0  }
0xab: {  	_ =	task [dreg:s7], $0x5FFFF  }
0xac: {  	[dreg:$0x1] =	wrdreg $0xFFFFFFFF  }
0xad: {  	[dreg:$0x0] =	wrdreg $0x60  }
0xae: {  	[dreg:$0x2] =	wrdreg s24  }
0xaf: {  	[dreg:$0x3] =	wrdreg s2  }
0xb0: {  	[dreg:$0x4] =	wrdreg $0x123F00  }
0xb1: {  	[dreg:$0x5] =	wrdreg $0x14BF00  }
0xb2: {  	[dreg:$0x6] =	wrdreg $0x9  }
0xb3: {  	_ =	task.clear_ibuf [dreg:s7], $0x7FFFF;
	_ =	strace $0x90000046  }
0xb4: {  	s29 =	simm.s32 $0x9;
	_ =	strace $0x80000048  }
0xb5: {  	_ =	swait.ge [sflag:s29], $0x1  }
0xb6: {  	[sflag:s29] =	ssyncadd.s32 $0xFFFFFFFF  }
0xb7: {  	_ =	strace $0x90000048  }
0xb8: {  	_ =	sfence  }
0xb9: {  	s30 =	sld [smem:$0x0];
	_ =	sdelay $0x2  }
0xba: {  	s31 =	sshll.u32 s1, $0xD;
	s1 =	sshrl.u32 s1, $0x2  }
0xbb: {  	s3 =	sand.u32 $0x4000, s31;
	s1 =	sadd.s32 s1, s30  }
0xbc: {  	s0 =	sor.u32 s3, s0;
	s1 =	sshll.u32 s1, $0x11  }
0xbd: {  	s0 =	sor.u32 s1, s0  }
0xbe: {  	s0 =	sadd.s32 $0x8F2B, s0  }
0xbf: {  	[sflag:s0] =	ssyncadd.remote.s32 $0x1  }
0xc0: {  	_ =	sfence.sel $0xFFFF  }
0xc1: {  	[dreg:$0x0] =	wrdreg $0xFFFFFFFF;
	(pc) =	sbr.abs _section_cstart, $3  }
0xc2: {  	[dreg:$0x1] =	wrdreg $0xFFFFFFFF  }
0xc3: {  	_ =	task.clear_ibuf [dreg:s7], $0x2FFFF;
	_ =	strace $0x9FFFFFFF  }
0xc4: {  	(tm) =	ssettm $0x7FFFFFFF  }
0xc5: {  	_ =	shalt  }
tec
execute0_lowered:
.L_overlay_start_1:
0x0: {  	(tag) =	ssettag $0x1  }
0x1: {  	s0 =	rddreg [dreg:$0x0]  }
0x2: {  	s3 =	rddreg [dreg:$0x2]  }
0x3: {  	s1 =	srdreg.scid;
	s4 =	rddreg [dreg:$0x3]  }
0x4: {  	s13 =	stileid.u32;
	s5 =	simm.s32 $0x0;
	s28 =	simm.s32 $0x5  }
0x5: {  	s29 =	simm.s32 $0x103F0;
	s31 =	simm.s32 $0x80;
	s1 =	sand.u32 $0x1, s1  }
0x6: {  	[smem:$0x7FF] =	sst s5;
	s6 =	sadd.s32 $0x1CC00, s0;
	s25 =	smul.u32 $0x2800, s13  }
0x7: {  	s7 =	sadd.s32 $0x17C00, s0;
	s8 =	sadd.s32 $0x4200, s0;
	s30 =	smul.u32 $0xA000, s13  }
0x8: {  	s2 =	sshll.u32 s1, $0x4;
	_ =	strace $0x80000047;
	s9 =	smul.u32 $0x5000, s1  }
0x9: {  	s10 =	smul.u32 $0x14000, s1;
	s1 =	ssub.s32 $0x2, s1;
	s2 =	sor.u32 s13, s2  }
0xa: {  	s11 =	sshrl.u32 s1, $0x1;
	s16 =	sshrl.u32 s25, $0x3;
	s12 =	sshrl.u32 s30, $0x3  }
0xb: {  	s13 =	smul.u32 $0x28000, s13;
	s14 =	sadd.s32 s30, s4;
	s17 =	sshrl.u32 s30, $0x2  }
0xc: {  	s19 =	sadd.s32 $0x2000, s30;
	s15 =	sadd.s32 $0x4000, s30;
	s24 =	sadd.s32 $0x6000, s30  }
0xd: {  	s2 =	smul.u32 $0x500, s2;
	s9 =	sadd.s32 s9, s0;
	s1 =	ssub.s32 s1, s11  }
0xe: {  	s20 =	sshrl.u32 s19, $0x2;
	s21 =	sadd.s32 s19, s4;
	s22 =	sshrl.u32 s15, $0x2  }
0xf: {  	s23 =	sadd.s32 s15, s4;
	s11 =	simm.s32 $0xADC0;
	s15 =	simm.s32 $0xDCA0  }
0x10: {  	s9 =	sadd.s32 $0x35C00, s9;
	s1 =	smax.u32 s1, $0x1;
	[dreg:$0xb] =	wrdreg s21  }
0x11: {  	s18 =	sshrl.u32 s13, $0x2;
	[dreg:$0xd] =	wrdreg s23;
	s13 =	simm.s32 $0x2  }
0x12: {  	s2 =	sadd.s32 s2, s0;
	s0 =	sadd.s32 s10, s0;
	s10 =	sadd.s32 s25, s3  }
0x13: {  	[dreg:$0x7] =	wrdreg s1;
	s1 =	sadd.s32 s17, s3;
	s9 =	sadd.s32 s16, s9  }
0x14: {  	s25 =	sshrl.u32 s24, $0x2;
	s16 =	simm.s32 $0x3;
	[dreg:$0x8] =	wrdreg s1  }
0x15: {  	s17 =	simm.s32 $0x4;
	s26 =	sadd.s32 $0x2BC00, s2;
	[dreg:$0xe] =	wrdreg s9  }
0x16: {  	s2 =	sadd.s32 $0x21C00, s2;
	s0 =	sadd.s32 $0x3FC00, s0;
	[dreg:$0x5] =	wrdreg s26  }
0x17: {  	s1 =	sadd.s32 s18, s4;
	s9 =	sadd.s32 s25, s3;
	[dreg:$0x6] =	wrdreg s2  }
0x18: {  	s25 =	sshrl.u32 s14, $0x3;
	s14 =	simm.s32 $0xB590;
	[dreg:$0x9] =	wrdreg s1  }
0x19: {  	s1 =	sadd.s32 s20, s3;
	s2 =	sadd.s32 $0x8000, s30;
	[dreg:$0xf] =	wrdreg s9  }
0x1a: {  	s0 =	sadd.s32 s12, s0;
	s9 =	simm.s32 $0x8E80;
	[dreg:$0xa] =	wrdreg s1  }
0x1b: {  	s12 =	simm.s32 $0xBD60;
	s1 =	sadd.s32 s22, s3;
	[dreg:$0x10] =	wrdreg s0  }
.Ltmp0:
0x1c: {  	s26 =	sshrl.u32 s2, $0x2;
	s30 =	sadd.s32 s2, s4;
	(pc) =	sbr.rel .LBB2_1-.Ltmp0, $4  }
0x1d: {  	s2 =	simm.s32 $0x6770;
	[dreg:$0xc] =	wrdreg s1;
	s1 =	sadd.s32 s24, s4  }
0x1e: {  	s0 =	sadd.s32 s26, s3;
	[dreg:$0x13] =	wrdreg s30;
	s24 =	sshrl.u32 s10, $0x3  }
0x1f: {  	v1 =	vlaneseq.u32;
	s26 =	simm.s32 $0xFBF0;
	s10 =	simm.s32 $0x1;
	[dreg:$0x11] =	wrdreg s1  }
0x20: {  	v0 =	vimm.f32 $0.0e+00;
	v1 =	vand.u32 $0x7, v1;
	[dreg:$0x12] =	wrdreg s0;
	s1 =	simm.s32 $0x7D;
	s0 =	simm.s32 $0x57D0  }
.LBB2_10:
0x21: {  	_ =	swait.ge [sflag:s16], $0x7D0  }
0x22: {  	[sflag:s16] =	ssyncset.done $0x0  }
0x23: {  	[sflag:s16] =	ssyncadd.s32 $0xFFFFF830  }
0x24: {  	_ =	swait.ge [sflag:s16], $0x1F40  }
0x25: {  	[sflag:s16] =	ssyncset.done $0x0  }
0x26: {  	[sflag:s16] =	ssyncadd.s32 $0xFFFFE0C0  }
0x27: {  	_ =	swait.ge [sflag:s17], $0x7D0  }
0x28: {  	[sflag:s17] =	ssyncset.done $0x0  }
0x29: {  	[sflag:s17] =	ssyncadd.s32 $0xFFFFF830  }
0x2a: {  	_ =	swait.ge [sflag:s17], $0x1F40  }
0x2b: {  	[sflag:s17] =	ssyncset.done $0x0  }
0x2c: {  	s18 =	stileid.u32;
	[sflag:s17] =	ssyncadd.s32 $0xFFFFE0C0  }
0x2d: {  	s18 =	sshll.u32 s18, $0x6;
	[bflag:$0x0] =	sbarrier.arrive $0xFFFF  }
0x2e: {  	s18 =	sor.u32 $0x1C05, s18;
	s19 =	rddreg [dreg:$0xe]  }
0x2f: {  	[hbm:s19], [sflag:s18] =	dma.local [spmem:s24], $0x500  }
0x30: {  	_ =	swait.ge [sflag:s28], $0x500  }
0x31: {  	[sflag:s28] =	ssyncset.done $0x0  }
0x32: {  	s23 =	rddreg [dreg:$0x10];
	[sflag:s28] =	ssyncadd.s32 $0xFFFFFB00  }
0x33: {  	[hbm:s23], [sflag:s18] =	dma.local [spmem:s25], $0x1400  }
0x34: {  	_ =	swait.ge [sflag:s28], $0x1400  }
0x35: {  	s5 =	sadd.s32 $0x1, s5;
	s30 =	rddreg [dreg:$0x7]  }
0x36: {  	p0 =	sne.s32 s5, s30  }
.Ltmp1:
0x37: {  	_ = 	snop;
	(pc) =	sbr.rel @!p0 .LBB2_11-.Ltmp1, $3  }
0x38: {  	_ =	sdelay $0x1  }
0x39: {  	[sflag:s28] =	ssyncset.done $0x0  }
0x3a: {  	[sflag:s28] =	ssyncadd.s32 $0xFFFFEC00  }
.LBB2_1:
0x3b: {  	s19 =	simm.s32 $0x0  }
0x3c: {  	s18 =	simm.s32 $0x10410;
	[tilespmem:s19+$0xFBF0] =	vst v0  }
0x3d: {  	[tilespmem:s18+$0xFFFFFFE0] =	vst v0  }
0x3e: {  	[tilespmem:s18+$0xFFFFFFF0] =	vst v0  }
0x3f: {  	[tilespmem:s18+$0x0] =	vst v0  }
0x40: {  	s19 =	simm.s32 $0x40;
	[tilespmem:s18+$0x10] =	vst v0  }
.LBB2_2:
0x41: {  	s20 =	sshra.s32 s19, $0x2;
	p0 =	sne.s32 s19, $0x1FC0  }
.Ltmp2:
0x42: {  	s19 =	sadd.s32 $0x40, s19;
	s18 =	sadd.s32 $0x40, s18;
	[tilespmem:s20+$0xFBF0] =	vst v0;
	(pc) =	sbr.rel @p0 .LBB2_2-.Ltmp2, $4  }
0x43: {  	[tilespmem:s18+$0xFFFFFFE0] =	vst v0  }
0x44: {  	[tilespmem:s18+$0xFFFFFFF0] =	vst v0  }
0x45: {  	[tilespmem:s18+$0x0] =	vst v0  }
0x46: {  	[tilespmem:s18+$0x10] =	vst v0  }
0x47: {  	s18 =	rddreg [dreg:$0x8]  }
0x48: {  	[spmem:s18] =	stream.linear.scatter [tilespmem:s26], [sflag:$0x5], $0x800, $0x38;
	[tilespmem:$0x1EBF0] =	vst v63  }
0x49: {  	_ =	swait.ge [sflag:s28], $0x800  }
0x4a: {  	[sflag:s28] =	ssyncset.done $0x0  }
0x4b: {  	s20 =	rddreg [dreg:$0x9];
	[sflag:s28] =	ssyncadd.s32 $0xFFFFF800  }
0x4c: {  	[spmem:s20] =	stream.linear.scatter [tilespmem:s29], [sflag:$0x5], $0x2000, $0x38;
	[tilespmem:$0x1EBF0] =	vst v63  }
0x4d: {  	_ =	swait.ge [sflag:s28], $0x2000  }
0x4e: {  	[sflag:s28] =	ssyncset.done $0x0  }
0x4f: {  	s21 =	rddreg [dreg:$0xa];
	[sflag:s28] =	ssyncadd.s32 $0xFFFFE000  }
0x50: {  	[spmem:s21] =	stream.linear.scatter [tilespmem:s26], [sflag:$0x5], $0x800, $0x38;
	[tilespmem:$0x1EBF0] =	vst v63  }
0x51: {  	_ =	swait.ge [sflag:s28], $0x800  }
0x52: {  	[sflag:s28] =	ssyncset.done $0x0  }
0x53: {  	s22 =	rddreg [dreg:$0xb];
	[sflag:s28] =	ssyncadd.s32 $0xFFFFF800  }
0x54: {  	[spmem:s22] =	stream.linear.scatter [tilespmem:s29], [sflag:$0x5], $0x2000, $0x38;
	[tilespmem:$0x1EBF0] =	vst v63  }
0x55: {  	_ =	swait.ge [sflag:s28], $0x2000  }
0x56: {  	[sflag:s28] =	ssyncset.done $0x0  }
0x57: {  	s23 =	rddreg [dreg:$0xc];
	[sflag:s28] =	ssyncadd.s32 $0xFFFFE000  }
0x58: {  	[spmem:s23] =	stream.linear.scatter [tilespmem:s26], [sflag:$0x5], $0x800, $0x38;
	[tilespmem:$0x1EBF0] =	vst v63  }
0x59: {  	_ =	swait.ge [sflag:s28], $0x800  }
0x5a: {  	[sflag:s28] =	ssyncset.done $0x0  }
0x5b: {  	s30 =	rddreg [dreg:$0xd];
	[sflag:s28] =	ssyncadd.s32 $0xFFFFF800  }
0x5c: {  	[spmem:s30] =	stream.linear.scatter [tilespmem:s29], [sflag:$0x5], $0x2000, $0x38;
	[tilespmem:$0x1EBF0] =	vst v63  }
0x5d: {  	_ =	swait.ge [sflag:s28], $0x2000  }
0x5e: {  	[sflag:s28] =	ssyncset.done $0x0  }
0x5f: {  	s19 =	rddreg [dreg:$0xf];
	[sflag:s28] =	ssyncadd.s32 $0xFFFFE000  }
0x60: {  	[spmem:s19] =	stream.linear.scatter [tilespmem:s26], [sflag:$0x5], $0x800, $0x38;
	[tilespmem:$0x1EBF0] =	vst v63  }
0x61: {  	_ =	swait.ge [sflag:s28], $0x800  }
0x62: {  	[sflag:s28] =	ssyncset.done $0x0  }
0x63: {  	s20 =	rddreg [dreg:$0x11];
	[sflag:s28] =	ssyncadd.s32 $0xFFFFF800  }
0x64: {  	[spmem:s20] =	stream.linear.scatter [tilespmem:s29], [sflag:$0x5], $0x2000, $0x38;
	[tilespmem:$0x1EBF0] =	vst v63  }
0x65: {  	_ =	swait.ge [sflag:s28], $0x2000  }
0x66: {  	[sflag:s28] =	ssyncset.done $0x0  }
0x67: {  	s21 =	rddreg [dreg:$0x12];
	[sflag:s28] =	ssyncadd.s32 $0xFFFFE000  }
0x68: {  	[spmem:s21] =	stream.linear.scatter [tilespmem:s26], [sflag:$0x5], $0x800, $0x38;
	[tilespmem:$0x1EBF0] =	vst v63  }
0x69: {  	_ =	swait.ge [sflag:s28], $0x800  }
0x6a: {  	[sflag:s28] =	ssyncset.done $0x0  }
0x6b: {  	s22 =	rddreg [dreg:$0x13];
	[sflag:s28] =	ssyncadd.s32 $0xFFFFF800  }
0x6c: {  	[spmem:s22] =	stream.linear.scatter [tilespmem:s29], [sflag:$0x5], $0x2000, $0x38;
	[tilespmem:$0x1EBF0] =	vst v63  }
0x6d: {  	_ =	swait.ge [sflag:s28], $0x2000  }
0x6e: {  	[sflag:s28] =	ssyncset.done $0x0  }
0x6f: {  	s18 =	simm.s32 $0x0;
	s19 =	rddreg [dreg:$0x5];
	[sflag:s28] =	ssyncadd.s32 $0xFFFFE000  }
0x70: {  	[tilespmem:s18], [sflag:$0x5] =	stream.linear.gather [hbm4b:s19+s18], $0x2800, $0x38;
	[tilespmem:$0x1EBF0] =	vst v63  }
0x71: {  	_ =	swait.ge [sflag:s28], $0x2800  }
0x72: {  	[sflag:s28] =	ssyncset.done $0x0  }
0x73: {  	s20 =	simm.s32 $0x2800;
	s23 =	rddreg [dreg:$0x6];
	[sflag:s28] =	ssyncadd.s32 $0xFFFFD800  }
0x74: {  	[tilespmem:s20], [sflag:$0x5] =	stream.linear.gather [hbm4b:s23+s18], $0x2800, $0x38;
	[tilespmem:$0x1EBF0] =	vst v63  }
0x75: {  	_ =	swait.ge [sflag:s28], $0x2800  }
0x76: {  	[sflag:s28] =	ssyncset.done $0x0  }
0x77: {  	[sflag:s28] =	ssyncadd.s32 $0xFFFFD800  }
0x78: {  	s21 =	simm.s32 $0xFBE0;
	s30 =	rddreg [dreg:$0x1]  }
0x79: {  	[tilespmem:s21], [sflag:$0x5] =	stream.linear.gather [hbm4b:s30+s18], $0x10, $0x38;
	[tilespmem:$0x1EBF0] =	vst v63  }
0x7a: {  	_ =	swait.ge [sflag:s28], $0x10  }
0x7b: {  	[sflag:s28] =	ssyncset.done $0x0  }
0x7c: {  	[sflag:s28] =	ssyncadd.s32 $0xFFFFFFF0  }
0x7d: {  	s21 =	simm.s32 $0x5000;
	[bflag:$0x0] =	sbarrier.arrive $0xFFFF  }
0x7e: {  	v2 =	vld [tilespmem:$0xFBE0];
	[tilespmem:s21], [sflag:$0x1] =	stream.indirect.gather [hbm4b:s6+s1], $0x10, s18, s1, $0xb8  }
0x7f: {  	s22 =	simm.s32 $0x5FA0  }
0x80: {  	[tilespmem:s22], [sflag:$0x1] =	stream.indirect.gather [hbm4b:s7+s1], $0x10, s20, s1, $0xb8;
	[tilespmem:$0x1EBF0] =	vst v63  }
0x81: {  	s23 =	simm.s32 $0x6F40  }
0x82: {  	[tilespmem:s23], [sflag:$0x1] =	stream.indirect.gather [hbm4b:s8+s1], $0x40, s18, s1, $0xb8;
	[tilespmem:$0x1EBF0] =	vst v63  }
0x83: {  	_ = 	snop  }
0x84: {  	[tilespmem:s0], [sflag:$0x2] =	stream.indirect.gather [hbm4b:s6+s1], $0x10, s31, s1, $0xb8;
	[tilespmem:$0x1EBF0] =	vst v63  }
0x85: {  	s30 =	simm.s32 $0x2880  }
0x86: {  	[tilespmem:s2], [sflag:$0x2] =	stream.indirect.gather [hbm4b:s7+s1], $0x10, s30, s1, $0xb8;
	[tilespmem:$0x1EBF0] =	vst v63  }
0x87: {  	_ = 	snop  }
0x88: {  	[tilespmem:s9], [sflag:$0x2] =	stream.indirect.gather [hbm4b:s8+s1], $0x40, s31, s1, $0xb8;
	[tilespmem:$0x1EBF0] =	vst v63  }
.LBB2_4:
0x89: {  	_ =	swait.ge [sflag:s10], $0x7D0  }
0x8a: {  	[sflag:s10] =	ssyncset.done $0x0  }
0x8b: {  	[sflag:s10] =	ssyncadd.s32 $0xFFFFF830  }
0x8c: {  	_ =	swait.ge [sflag:s10], $0x7D0  }
0x8d: {  	[sflag:s10] =	ssyncset.done $0x0  }
0x8e: {  	[sflag:s10] =	ssyncadd.s32 $0xFFFFF830  }
0x8f: {  	_ =	swait.ge [sflag:s10], $0x1F40  }
0x90: {  	p0 =	seq.s32 s18, $0x0;
	[sflag:s10] =	ssyncset.done $0x0  }
0x91: {  	s19 =	simm.s32 @!p0 $0x3;
	[sflag:s10] =	ssyncadd.s32 $0xFFFFE0C0  }
0x92: {  	_ =	swait.ge @!p0 [sflag:s19], $0x7D0  }
0x93: {  	[sflag:s19] =	ssyncset.done @!p0 $0x0  }
0x94: {  	[sflag:s19] =	ssyncadd.s32 @!p0 $0xFFFFF830  }
0x95: {  	_ =	swait.ge @!p0 [sflag:s19], $0x1F40  }
0x96: {  	[sflag:s19] =	ssyncset.done @!p0 $0x0  }
0x97: {  	s23 =	simm.s32 $0x0;
	[sflag:s19] =	ssyncadd.s32 @!p0 $0xFFFFE0C0  }
0x98: {  	v3 =	vld [tilespmem:s23+$0x5000]  }
0x99: {  	v4 =	vld [tilespmem:s23+$0x5FA0];
	_ =	sdelay $0x4  }
0x9a: {  	v3 =	vadd.f32 v4, v3;
	_ =	sdelay $0x1  }
0x9b: {  	v4 =	vmul.f32 $2.000000030e-01, v3  }
0x9c: {  	vm0 =	vge.f32 v3, $0.0e+00  }
0x9d: {  	v3 =	vsel vm0, v3, v4  }
0x9e: {  	v3 =	vsub.f32 v3, v2;
	_ =	sdelay $0x1  }
0x9f: {  	v3 =	vmul.f32 $1.442695020e+00, v3;
	_ =	sdelay $0x1  }
0xa0: {  	(erf) = vpow2.f32 v3;
	_ =	sdelay $0x8  }
0xa1: {  	v3 =	vpop (erf)  }
0xa2: {  	s20 =	simm.s32 $0x6F60;
	[tilespmem:s23+$0xADC0] =	vst v3  }
0xa3: {  	v4 =	vld [tilespmem:s20+$0xFFFFFFE0];
	_ =	sdelay $0x2  }
0xa4: {  	v3 =	vperm.xlane v3, v1;
	_ =	sdelay $0x1  }
0xa5: {  	v4 =	vmul.f32 v4, v3  }
0xa6: {  	s21 =	simm.s32 $0xBD80  }
0xa7: {  	[tilespmem:s21+$0xFFFFFFE0] =	vst v4  }
0xa8: {  	v4 =	vld [tilespmem:s20+$0xFFFFFFF0];
	_ =	sdelay $0x4  }
0xa9: {  	v4 =	vmul.f32 v4, v3;
	_ =	sdelay $0x1  }
0xaa: {  	[tilespmem:s21+$0xFFFFFFF0] =	vst v4  }
0xab: {  	v4 =	vld [tilespmem:s20+$0x0];
	_ =	sdelay $0x4  }
0xac: {  	v4 =	vmul.f32 v4, v3;
	_ =	sdelay $0x1  }
0xad: {  	[tilespmem:s21+$0x0] =	vst v4  }
0xae: {  	v4 =	vld [tilespmem:s20+$0x10];
	_ =	sdelay $0x4  }
0xaf: {  	v3 =	vmul.f32 v4, v3;
	_ =	sdelay $0x1  }
0xb0: {  	s22 =	simm.s32 $0x10;
	[tilespmem:s21+$0x10] =	vst v3  }
0xb1: {  	s30 =	simm.s32 $0x80;
	s19 =	sshll.u32 s18, $0x8;
	v3 =	vld [tilespmem:s22+$0x5000]  }
.LBB2_5:
0xb2: {  	p1 =	sne.s32 s30, $0x1F00;
	v4 =	vld [tilespmem:s22+$0x5FA0];
	_ =	sdelay $0x4  }
0xb3: {  	v3 =	vadd.f32 v4, v3;
	_ =	sdelay $0x1  }
0xb4: {  	v4 =	vmul.f32 $2.000000030e-01, v3  }
0xb5: {  	vm0 =	vge.f32 v3, $0.0e+00  }
0xb6: {  	v3 =	vsel vm0, v3, v4  }
0xb7: {  	v3 =	vsub.f32 v3, v2;
	_ =	sdelay $0x1  }
0xb8: {  	v3 =	vmul.f32 $1.442695020e+00, v3;
	_ =	sdelay $0x1  }
0xb9: {  	(erf) = vpow2.f32 v3;
	_ =	sdelay $0x8  }
0xba: {  	v3 =	vpop (erf)  }
0xbb: {  	s20 =	sadd.s32 $0x40, s20;
	[tilespmem:s22+$0xADC0] =	vst v3  }
0xbc: {  	v4 =	vld [tilespmem:s20+$0xFFFFFFE0];
	_ =	sdelay $0x2  }
0xbd: {  	v3 =	vperm.xlane v3, v1;
	_ =	sdelay $0x1  }
0xbe: {  	v4 =	vmul.f32 v4, v3  }
0xbf: {  	s21 =	sadd.s32 $0x40, s21  }
0xc0: {  	[tilespmem:s21+$0xFFFFFFE0] =	vst v4  }
0xc1: {  	v4 =	vld [tilespmem:s20+$0xFFFFFFF0];
	_ =	sdelay $0x4  }
0xc2: {  	v4 =	vmul.f32 v4, v3;
	_ =	sdelay $0x1  }
0xc3: {  	[tilespmem:s21+$0xFFFFFFF0] =	vst v4  }
0xc4: {  	v4 =	vld [tilespmem:s20+$0x0];
	_ =	sdelay $0x4  }
0xc5: {  	v4 =	vmul.f32 v4, v3;
	_ =	sdelay $0x1  }
0xc6: {  	[tilespmem:s21+$0x0] =	vst v4  }
0xc7: {  	v4 =	vld [tilespmem:s20+$0x10];
	_ =	sdelay $0x3  }
.Ltmp3:
0xc8: {  	(pc) =	sbr.rel @p1 .LBB2_5-.Ltmp3, $3  }
0xc9: {  	v3 =	vmul.f32 v4, v3;
	_ =	sdelay $0x1  }
0xca: {  	s22 =	sshra.s32 s30, $0x2;
	[tilespmem:s21+$0x10] =	vst v3  }
0xcb: {  	s30 =	sadd.s32 $0x40, s30;
	v3 =	vld [tilespmem:s22+$0x5000]  }
0xcc: {  	v4 =	vld [tilespmem:s22+$0x5FA0];
	_ =	sdelay $0x4  }
0xcd: {  	v3 =	vadd.f32 v4, v3;
	_ =	sdelay $0x1  }
0xce: {  	v4 =	vmul.f32 $2.000000030e-01, v3  }
0xcf: {  	vm0 =	vge.f32 v3, $0.0e+00  }
0xd0: {  	v3 =	vsel vm0, v3, v4  }
0xd1: {  	v3 =	vsub.f32 v3, v2;
	_ =	sdelay $0x1  }
0xd2: {  	v3 =	vmul.f32 $1.442695020e+00, v3;
	_ =	sdelay $0x1  }
0xd3: {  	(erf) = vpow2.f32 v3;
	_ =	sdelay $0x8  }
0xd4: {  	v3 =	vpop (erf)  }
0xd5: {  	s20 =	sadd.s32 $0x40, s20;
	[tilespmem:s22+$0xADC0] =	vst v3  }
0xd6: {  	v4 =	vld [tilespmem:s20+$0xFFFFFFE0];
	_ =	sdelay $0x2  }
0xd7: {  	v3 =	vperm.xlane v3, v1;
	_ =	sdelay $0x1  }
0xd8: {  	v4 =	vmul.f32 v4, v3  }
0xd9: {  	s21 =	sadd.s32 $0x40, s21  }
0xda: {  	[tilespmem:s21+$0xFFFFFFE0] =	vst v4  }
0xdb: {  	v4 =	vld [tilespmem:s20+$0xFFFFFFF0];
	_ =	sdelay $0x4  }
0xdc: {  	v4 =	vmul.f32 v4, v3;
	_ =	sdelay $0x1  }
0xdd: {  	[tilespmem:s21+$0xFFFFFFF0] =	vst v4  }
0xde: {  	v4 =	vld [tilespmem:s20+$0x0];
	_ =	sdelay $0x4  }
0xdf: {  	v4 =	vmul.f32 v4, v3;
	_ =	sdelay $0x1  }
0xe0: {  	[tilespmem:s21+$0x0] =	vst v4  }
0xe1: {  	v4 =	vld [tilespmem:s20+$0x10];
	_ =	sdelay $0x4  }
0xe2: {  	v3 =	vmul.f32 v4, v3  }
0xe3: {  	s20 =	sand.u32 $0x3FFFFF00, s19  }
0xe4: {  	s22 =	sadd.s32 $0x2800, s20;
	[tilespmem:s21+$0x10] =	vst v3  }
0xe5: {  	[spmem:s3] =	stream.indirect.scatter.add.f32 [tilespmem:s11], [sflag:$0x3], $0x10, s22, s1, $0xb8;
	[tilespmem:$0x1EBF0] =	vst v63  }
0xe6: {  	p1 =	seq.s32 s18, $0x27  }
0xe7: {  	[spmem:s4] =	stream.indirect.scatter.add.f32 [tilespmem:s12], [sflag:$0x3], $0x40, s22, s1, $0xb8;
	[tilespmem:$0x1EBF0] =	vst v63  }
0xe8: {  	s23 =	simm.s32 @!p1 $0x5000;
	s21 =	sadd.s32 @!p1 $0x100, s19;
	s22 =	simm.s32 @!p1 $0x7D  }
0xe9: {  	[tilespmem:s23], [sflag:$0x1] =	stream.indirect.gather @!p1 [hbm4b:s6+s22], $0x10, s21, s22, $0xb8;
	[tilespmem:$0x1EBF0] =	vst v63  }
0xea: {  	s30 =	simm.s32 @!p1 $0x5FA0;
	s23 =	sadd.s32 @!p1 $0x2900, s19  }
0xeb: {  	[tilespmem:s30], [sflag:$0x1] =	stream.indirect.gather @!p1 [hbm4b:s7+s22], $0x10, s23, s22, $0xb8;
	[tilespmem:$0x1EBF0] =	vst v63  }
0xec: {  	s23 =	simm.s32 @!p1 $0x6F40  }
0xed: {  	[tilespmem:s23], [sflag:$0x1] =	stream.indirect.gather @!p1 [hbm4b:s8+s22], $0x40, s21, s22, $0xb8;
	[tilespmem:$0x1EBF0] =	vst v63  }
0xee: {  	_ =	swait.ge [sflag:s13], $0x7D0  }
0xef: {  	[sflag:s13] =	ssyncset.done $0x0  }
0xf0: {  	[sflag:s13] =	ssyncadd.s32 $0xFFFFF830  }
0xf1: {  	_ =	swait.ge [sflag:s13], $0x7D0  }
0xf2: {  	[sflag:s13] =	ssyncset.done $0x0  }
0xf3: {  	[sflag:s13] =	ssyncadd.s32 $0xFFFFF830  }
0xf4: {  	_ =	swait.ge [sflag:s13], $0x1F40  }
0xf5: {  	[sflag:s13] =	ssyncset.done $0x0  }
0xf6: {  	s21 =	simm.s32 @!p0 $0x4;
	[sflag:s13] =	ssyncadd.s32 $0xFFFFE0C0  }
0xf7: {  	_ =	swait.ge @!p0 [sflag:s21], $0x7D0  }
0xf8: {  	[sflag:s21] =	ssyncset.done @!p0 $0x0  }
0xf9: {  	[sflag:s21] =	ssyncadd.s32 @!p0 $0xFFFFF830  }
0xfa: {  	_ =	swait.ge @!p0 [sflag:s21], $0x1F40  }
0xfb: {  	[sflag:s21] =	ssyncset.done @!p0 $0x0  }
0xfc: {  	s23 =	simm.s32 $0x0;
	[sflag:s21] =	ssyncadd.s32 @!p0 $0xFFFFE0C0  }
0xfd: {  	v3 =	vld [tilespmem:s23+$0x57D0]  }
0xfe: {  	v4 =	vld [tilespmem:s23+$0x6770];
	_ =	sdelay $0x4  }
0xff: {  	v3 =	vadd.f32 v4, v3;
	_ =	sdelay $0x1  }
0x100: {  	v4 =	vmul.f32 $2.000000030e-01, v3  }
0x101: {  	vm15 =	vge.f32 v3, $0.0e+00  }
0x102: {  	v3 =	vsel vm15, v3, v4  }
0x103: {  	v3 =	vsub.f32 v3, v2;
	_ =	sdelay $0x1  }
0x104: {  	v3 =	vmul.f32 $1.442695020e+00, v3;
	_ =	sdelay $0x1  }
0x105: {  	(erf) = vpow2.f32 v3;
	_ =	sdelay $0x8  }
0x106: {  	v3 =	vpop (erf)  }
0x107: {  	s21 =	simm.s32 $0x8EA0;
	[tilespmem:s23+$0xB590] =	vst v3  }
0x108: {  	v4 =	vld [tilespmem:s21+$0xFFFFFFE0];
	_ =	sdelay $0x2  }
0x109: {  	v3 =	vperm.xlane v3, v1;
	_ =	sdelay $0x1  }
0x10a: {  	v4 =	vmul.f32 v4, v3  }
0x10b: {  	s30 =	simm.s32 $0xDCC0  }
0x10c: {  	[tilespmem:s30+$0xFFFFFFE0] =	vst v4  }
0x10d: {  	v4 =	vld [tilespmem:s21+$0xFFFFFFF0];
	_ =	sdelay $0x4  }
0x10e: {  	v4 =	vmul.f32 v4, v3;
	_ =	sdelay $0x1  }
0x10f: {  	[tilespmem:s30+$0xFFFFFFF0] =	vst v4  }
0x110: {  	v4 =	vld [tilespmem:s21+$0x0];
	_ =	sdelay $0x4  }
0x111: {  	v4 =	vmul.f32 v4, v3;
	_ =	sdelay $0x1  }
0x112: {  	[tilespmem:s30+$0x0] =	vst v4  }
0x113: {  	v4 =	vld [tilespmem:s21+$0x10];
	_ =	sdelay $0x4  }
0x114: {  	v3 =	vmul.f32 v4, v3;
	_ =	sdelay $0x1  }
0x115: {  	s23 =	simm.s32 $0x10;
	[tilespmem:s30+$0x10] =	vst v3  }
0x116: {  	s22 =	simm.s32 $0x80;
	v3 =	vld [tilespmem:s23+$0x57D0]  }
.LBB2_7:
0x117: {  	p0 =	sne.s32 s22, $0x1F00;
	v4 =	vld [tilespmem:s23+$0x6770];
	_ =	sdelay $0x4  }
0x118: {  	v3 =	vadd.f32 v4, v3;
	_ =	sdelay $0x1  }
0x119: {  	v4 =	vmul.f32 $2.000000030e-01, v3  }
0x11a: {  	vm0 =	vge.f32 v3, $0.0e+00  }
0x11b: {  	v3 =	vsel vm0, v3, v4  }
0x11c: {  	v3 =	vsub.f32 v3, v2;
	_ =	sdelay $0x1  }
0x11d: {  	v3 =	vmul.f32 $1.442695020e+00, v3;
	_ =	sdelay $0x1  }
0x11e: {  	(erf) = vpow2.f32 v3;
	_ =	sdelay $0x8  }
0x11f: {  	v3 =	vpop (erf)  }
0x120: {  	s21 =	sadd.s32 $0x40, s21;
	[tilespmem:s23+$0xB590] =	vst v3  }
0x121: {  	v4 =	vld [tilespmem:s21+$0xFFFFFFE0];
	_ =	sdelay $0x2  }
0x122: {  	v3 =	vperm.xlane v3, v1;
	_ =	sdelay $0x1  }
0x123: {  	v4 =	vmul.f32 v4, v3  }
0x124: {  	s30 =	sadd.s32 $0x40, s30  }
0x125: {  	[tilespmem:s30+$0xFFFFFFE0] =	vst v4  }
0x126: {  	v4 =	vld [tilespmem:s21+$0xFFFFFFF0];
	_ =	sdelay $0x4  }
0x127: {  	v4 =	vmul.f32 v4, v3;
	_ =	sdelay $0x1  }
0x128: {  	[tilespmem:s30+$0xFFFFFFF0] =	vst v4  }
0x129: {  	v4 =	vld [tilespmem:s21+$0x0];
	_ =	sdelay $0x4  }
0x12a: {  	v4 =	vmul.f32 v4, v3;
	_ =	sdelay $0x1  }
0x12b: {  	[tilespmem:s30+$0x0] =	vst v4  }
0x12c: {  	v4 =	vld [tilespmem:s21+$0x10];
	_ =	sdelay $0x3  }
.Ltmp4:
0x12d: {  	(pc) =	sbr.rel @p0 .LBB2_7-.Ltmp4, $3  }
0x12e: {  	v3 =	vmul.f32 v4, v3;
	_ =	sdelay $0x1  }
0x12f: {  	s23 =	sshra.s32 s22, $0x2;
	[tilespmem:s30+$0x10] =	vst v3  }
0x130: {  	s22 =	sadd.s32 $0x40, s22;
	v3 =	vld [tilespmem:s23+$0x57D0]  }
0x131: {  	v4 =	vld [tilespmem:s23+$0x6770];
	_ =	sdelay $0x4  }
0x132: {  	v3 =	vadd.f32 v4, v3;
	_ =	sdelay $0x1  }
0x133: {  	v4 =	vmul.f32 $2.000000030e-01, v3  }
0x134: {  	vm0 =	vge.f32 v3, $0.0e+00  }
0x135: {  	v3 =	vsel vm0, v3, v4  }
0x136: {  	v3 =	vsub.f32 v3, v2;
	_ =	sdelay $0x1  }
0x137: {  	v3 =	vmul.f32 $1.442695020e+00, v3;
	_ =	sdelay $0x1  }
0x138: {  	(erf) = vpow2.f32 v3;
	_ =	sdelay $0x8  }
0x139: {  	v3 =	vpop (erf)  }
0x13a: {  	s21 =	sadd.s32 $0x40, s21;
	[tilespmem:s23+$0xB590] =	vst v3  }
0x13b: {  	v63 =	vld [tilespmem:s21+$0xFFFFFFE0];
	_ =	sdelay $0x2  }
0x13c: {  	v3 =	vperm.xlane v3, v1;
	_ =	sdelay $0x1  }
0x13d: {  	v4 =	vmul.f32 v63, v3  }
0x13e: {  	s22 =	sadd.s32 $0x40, s30  }
0x13f: {  	[tilespmem:s22+$0xFFFFFFE0] =	vst v4  }
0x140: {  	v4 =	vld [tilespmem:s21+$0xFFFFFFF0];
	_ =	sdelay $0x4  }
0x141: {  	v4 =	vmul.f32 v4, v3;
	_ =	sdelay $0x1  }
0x142: {  	[tilespmem:s22+$0xFFFFFFF0] =	vst v4  }
0x143: {  	v4 =	vld [tilespmem:s21+$0x0];
	_ =	sdelay $0x4  }
0x144: {  	v4 =	vmul.f32 v4, v3;
	_ =	sdelay $0x1  }
0x145: {  	[tilespmem:s22+$0x0] =	vst v4  }
0x146: {  	v4 =	vld [tilespmem:s21+$0x10];
	_ =	sdelay $0x4  }
0x147: {  	v3 =	vmul.f32 v4, v3  }
.Ltmp5:
0x148: {  	_ = 	snop;
	(pc) =	sbr.rel @p1 .LBB2_10-.Ltmp5, $4  }
0x149: {  	s20 =	sadd.s32 $0x2880, s20;
	[tilespmem:s22+$0x10] =	vst v3  }
0x14a: {  	[spmem:s3] =	stream.indirect.scatter.add.f32 [tilespmem:s14], [sflag:$0x4], $0x10, s20, s1, $0xb8;
	[tilespmem:$0x1EBF0] =	vst v63  }
0x14b: {  	_ = 	snop  }
0x14c: {  	[spmem:s4] =	stream.indirect.scatter.add.f32 [tilespmem:s15], [sflag:$0x4], $0x40, s20, s1, $0xb8;
	[tilespmem:$0x1EBF0] =	vst v63  }
0x14d: {  	s20 =	sadd.s32 $0x180, s19  }
0x14e: {  	[tilespmem:s0], [sflag:$0x2] =	stream.indirect.gather [hbm4b:s6+s1], $0x10, s20, s1, $0xb8;
	[tilespmem:$0x1EBF0] =	vst v63  }
.Ltmp6:
0x14f: {  	_ = 	snop;
	(pc) =	sbr.rel .LBB2_4-.Ltmp6, $4  }
0x150: {  	s30 =	sadd.s32 $0x2980, s19  }
0x151: {  	[tilespmem:s2], [sflag:$0x2] =	stream.indirect.gather [hbm4b:s7+s1], $0x10, s30, s1, $0xb8;
	[tilespmem:$0x1EBF0] =	vst v63  }
0x152: {  	s18 =	sadd.s32 $0x1, s18  }
0x153: {  	[tilespmem:s9], [sflag:$0x2] =	stream.indirect.gather [hbm4b:s8+s1], $0x40, s20, s1, $0xb8;
	[tilespmem:$0x1EBF0] =	vst v63  }
.LBB2_11:
0x154: {  	_ =	sfence.sel $0x180000  }
0x155: {  	[bflag:$0x0] =	sbarrier.arrive $0xFFFF  }
0x156: {  	_ =	strace $0x90000047  }
0x157: {  	s0 =	stileid.u32;
	[bflag:$0x2] =	sbarrier.arrive $0xFFFF  }
0x158: {  	p0 =	sne.s32 s0, $0x0;
	s0 =	rddreg [dreg:$0x4]  }
0x159: {  	s0 =	sadd.s32 @!p0 $0x100000, s0  }
0x15a: {  	[sflag:s0] =	ssyncadd.tile.s32 @!p0 $0x1;
	_ =	shalt  }
.Lfunc_end2:
_tile_overlayer_lowered:
.L_overlay_start_2:
0x15b: {  	(tag) =	ssettag $0x2  }
0x15c: {  	s0 =	rddreg [dreg:$0x0];
	s2 =	stileid.u32  }
0x15d: {  	s1 =	rddreg [dreg:$0x1];
	p0 =	sne.s32 s2, $0x0  }
0x15e: {  	s3 =	rddreg [dreg:$0x2];
	[bflag:$0x3] =	sbarrier.arrive $0xFFFF;
	s2 =	simm.s32 @!p0 $0x1C05  }
0x15f: {  	[timem:s3], [sflag:s2] =	dma.local @!p0 [hbm:s0], s1  }
0x160: {  	s0 =	simm.s32 @!p0 $0x5  }
0x161: {  	_ =	swait.ge @!p0 [sflag:s0], s1  }
0x162: {  	s1 =	ssub.s32 @!p0 $0x0, s1;
	[sflag:s0] =	ssyncset.done @!p0 $0x0  }
0x163: {  	[sflag:s0] =	ssyncadd.s32 @!p0 s1  }
0x164: {  	[bflag:$0x3] =	sbarrier.arrive $0xFFFF  }
0x165: {  	_ =	shalt  }

</sc_bundles>
